<compile_context>
chip_gen: v7x
topology: tpu7x:2x2x1
jax: 0.10.2.dev20260603
libtpu: 0.0.44.dev20260713+nightly
codegen_flags: <defaults>
</compile_context>

<pallas_src>
import functools

import jax
import jax.numpy as jnp
from jax import lax
from jax.experimental import pallas as pl
from jax.experimental.pallas import tpu as pltpu
from jax.experimental.pallas import tpu_sc as plsc

_NC = 2
_NS = 16

_CHUNK = 40

_C1 = 0.997187692
_C2 = -0.469774401
_C3 = 0.223107145
_C4 = -0.0574329607


def _pack_gu(g, u):
    bg = lax.bitcast_convert_type(g, jnp.uint32)
    bu = lax.bitcast_convert_type(u, jnp.uint32)
    half = jnp.uint32(0x7FFF)
    one = jnp.uint32(1)
    rg = (bg + half + ((bg >> 16) & one)) >> 16
    ru = (bu + half + ((bu >> 16) & one)) & jnp.uint32(0xFFFF0000)
    return ru | rg


def _node_tables(x, w_in, b_in2, m1, m2):
    n, f = x.shape
    hf = f // 2
    bn = 2000
    grid = (n // bn,)

    def body(x_ref, w_ref, b_ref, m1_ref, m2_ref, init_ref, qs_ref, pr_ref):
        h = jnp.maximum(
            jnp.dot(x_ref[...], w_ref[...], preferred_element_type=jnp.float32)
            + b_ref[...], 0.0)
        init_ref[0] = h[:, :hf]
        init_ref[1] = h[:, hf:]
        t1 = jnp.dot(h, m1_ref[...], preferred_element_type=jnp.float32)
        p1 = _pack_gu(t1[:, :f], t1[:, f:])
        qs_ref[0] = p1[:, :hf]
        qs_ref[1] = p1[:, hf:]
        t2 = jnp.dot(h, m2_ref[...], preferred_element_type=jnp.float32)
        p2 = _pack_gu(t2[:, :f], t2[:, f:])
        pr_ref[0] = p2[:, :hf]
        pr_ref[1] = p2[:, hf:]

    return pl.pallas_call(
        body,
        grid=grid,
        in_specs=[
            pl.BlockSpec((bn, f), lambda i: (i, 0)),
            pl.BlockSpec((f, f), lambda i: (0, 0)),
            pl.BlockSpec((1, f), lambda i: (0, 0)),
            pl.BlockSpec((f, 2 * f), lambda i: (0, 0)),
            pl.BlockSpec((f, 2 * f), lambda i: (0, 0)),
        ],
        out_specs=[
            pl.BlockSpec((2, bn, hf), lambda i: (0, i, 0)),
            pl.BlockSpec((2, bn, hf), lambda i: (0, i, 0)),
            pl.BlockSpec((2, bn, hf), lambda i: (0, i, 0)),
        ],
        out_shape=[
            jax.ShapeDtypeStruct((2, n, hf), jnp.float32),
            jax.ShapeDtypeStruct((2, n, hf), jnp.uint32),
            jax.ShapeDtypeStruct((2, n, hf), jnp.uint32),
        ],
    )(x, w_in, b_in2, m1, m2)


def _edge_tables(attr8, w8, bc8, f):
    e8, k = attr8.shape
    n_out = w8.shape[1]
    be = 1000
    grid = (e8 // be,)

    def body(a_ref, w_ref, b_ref, o_ref):
        t = jnp.dot(a_ref[...].astype(jnp.bfloat16),
                    w_ref[...].astype(jnp.bfloat16),
                    preferred_element_type=jnp.float32) + b_ref[...]
        for a in range(4):
            base = a * 4 * f
            o_ref[0, a] = _pack_gu(t[:, base:base + f],
                                   t[:, base + f:base + 2 * f])
            o_ref[1, a] = _pack_gu(t[:, base + 2 * f:base + 3 * f],
                                   t[:, base + 3 * f:base + 4 * f])

    return pl.pallas_call(
        body,
        grid=grid,
        in_specs=[
            pl.BlockSpec((be, k), lambda i: (i, 0)),
            pl.BlockSpec((k, n_out), lambda i: (0, 0)),
            pl.BlockSpec((1, n_out), lambda i: (0, 0)),
        ],
        out_specs=pl.BlockSpec((2, 4, be, f), lambda i: (0, 0, i, 0)),
        out_shape=jax.ShapeDtypeStruct((2, 4, e8, f), jnp.uint32),
    )(attr8, w8, bc8)


def _final(sc_out, w_ffw, b_ffw2):
    _, n, hf = sc_out.shape
    f = 2 * hf
    bn = 2000
    grid = (n // bn,)

    def body(a_ref, w_ref, b_ref, o_ref):
        hh = jnp.concatenate([a_ref[0], a_ref[1]], axis=-1)
        o_ref[...] = jnp.maximum(
            jnp.dot(hh, w_ref[...], preferred_element_type=jnp.float32)
            + b_ref[...], 0.0)

    return pl.pallas_call(
        body,
        grid=grid,
        in_specs=[
            pl.BlockSpec((2, bn, hf), lambda i: (0, i, 0)),
            pl.BlockSpec((f, f), lambda i: (0, 0)),
            pl.BlockSpec((1, f), lambda i: (0, 0)),
        ],
        out_specs=pl.BlockSpec((bn, f), lambda i: (i, 0)),
        out_shape=jax.ShapeDtypeStruct((n, f), jnp.float32),
    )(sc_out, w_ffw, b_ffw2)


def _lo_f32(v):
    return plsc.bitcast(v << jnp.uint32(16), jnp.float32)


def _hi_f32(v):
    return plsc.bitcast(v & jnp.uint32(0xFFFF0000), jnp.float32)


def _edge_sc_kernel(n, f, e, qs2, pr2, cc3, dst3, src3, init2):
    hf = f // 2
    per_tile = e // _NS
    n_chunks = per_tile // _CHUNK
    rows = n // _NS
    prc = _CHUNK // 2
    e8 = e // 8
    rpt = per_tile // 2

    mesh = plsc.VectorSubcoreMesh(core_axis_name="c", subcore_axis_name="s")

    @functools.partial(
        pl.kernel,
        out_type=jax.ShapeDtypeStruct((_NC, n, hf), jnp.float32),
        mesh=mesh,
        compiler_params=pltpu.CompilerParams(use_tc_tiling_on_sc=False,
                                             needs_layout_passes=False),
        scratch_types=[
            pltpu.VMEM((n_chunks, _CHUNK), jnp.int32),
            pltpu.VMEM((n_chunks, _CHUNK), jnp.int32),
            pltpu.VMEM((2, _CHUNK, hf), jnp.uint32),
            pltpu.VMEM((2, _CHUNK, hf), jnp.uint32),
            pltpu.VMEM((2, prc, f), jnp.uint32),
            pltpu.VMEM((2, _CHUNK, hf), jnp.float32),
            pltpu.VMEM_SHARED((n, hf), jnp.float32),
            pltpu.SemaphoreType.DMA,
            pltpu.SemaphoreType.DMA,
        ],
    )
    def body(qs_hbm, pr_hbm, cc_hbm, dst_hbm, src_hbm, init_hbm, out_hbm,
             dstv, srcv, qs_buf, pr_buf, cc_buf, m_buf, agg, gsem0, gsem1):
        core = lax.axis_index("c")
        sub = lax.axis_index("s")
        r0 = sub * rows
        sems = (gsem0, gsem1)

        qs_tab = qs_hbm.at[core]
        pr_tab = pr_hbm.at[core]
        cc_tab = cc_hbm.at[core]
        pbase = jnp.right_shift(sub, 2) * e8 + jnp.bitwise_and(sub, 3) * rpt

        pltpu.sync_copy(dst_hbm.at[sub], dstv)
        pltpu.sync_copy(src_hbm.at[sub], srcv)
        pltpu.sync_copy(init_hbm.at[core, pl.ds(r0, rows)],
                        agg.at[pl.ds(r0, rows)])
        plsc.subcore_barrier()

        def issue(c, b):
            sem = sems[b]
            pltpu.async_copy(qs_tab.at[dstv.at[c]], qs_buf.at[b], sem)
            pltpu.async_copy(pr_tab.at[srcv.at[c]], pr_buf.at[b], sem)
            pltpu.async_copy(cc_tab.at[pl.ds(pbase + c * prc, prc)],
                             cc_buf.at[b], sem)

        def wait(b):
            sem = sems[b]
            pltpu.make_async_copy(
                qs_tab.at[pl.ds(0, _CHUNK)], qs_buf.at[b], sem).wait()
            pltpu.make_async_copy(
                pr_tab.at[pl.ds(0, _CHUNK)], pr_buf.at[b], sem).wait()
            pltpu.make_async_copy(
                cc_tab.at[pl.ds(0, prc)], cc_buf.at[b], sem).wait()

        def compute(b):
            @pl.loop(0, prc)
            def _(pe):
                e0 = 2 * pe
                for k in range(8):
                    eo = k // 4
                    kk = k % 4
                    sl = pl.ds(16 * kk, 16)
                    qv = qs_buf[b, e0 + eo, sl]
                    pv = pr_buf[b, e0 + eo, sl]
                    cv = cc_buf[b, pe, pl.ds(16 * k, 16)]
                    g_neg = (_lo_f32(qv) + _lo_f32(pv)) + _lo_f32(cv)
                    u = (_hi_f32(qv) + _hi_f32(pv)) + _hi_f32(cv)
                    denom = jnp.exp(g_neg) + 1.0
                    t = jnp.exp(-jnp.abs(u))
                    t2 = t * t
                    poly = t * ((_C1 + _C2 * t) + t2 * (_C3 + _C4 * t))
                    sp = jnp.maximum(u, 0.0) + poly
                    m_buf[b, e0 + eo, sl] = sp / denom

        def scatter(c, b):
            pltpu.sync_copy(m_buf.at[b], agg.at[dstv.at[c]], add=True)

        issue(0, 0)

        @pl.loop(0, n_chunks, step=2)
        def _(i):
            issue(i + 1, 1)
            wait(0)
            compute(0)
            scatter(i, 0)

            @pl.when(i + 2 < n_chunks)
            def _():
                issue(i + 2, 0)

            wait(1)
            compute(1)
            scatter(i + 1, 1)

        plsc.subcore_barrier()
        pltpu.sync_copy(agg.at[pl.ds(r0, rows)],
                        out_hbm.at[core, pl.ds(r0, rows)])

    return body(qs2, pr2, cc3, dst3, src3, init2)


def kernel(x, edge_index, edge_attr, W_in, b_in, W_f, b_f, W_s, b_s,
           W_ffw, b_ffw):
    n, f = x.shape
    hf = f // 2
    e = edge_index.shape[1]
    de = edge_attr.shape[1]
    per_tile = e // _NS
    n_chunks = per_tile // _CHUNK

    m1 = jnp.concatenate([-W_f[:f], W_s[:f]], axis=1)
    m2 = jnp.concatenate([-W_f[f:2 * f], W_s[f:2 * f]], axis=1)
    mc = jnp.concatenate([-W_f[2 * f:], W_s[2 * f:]], axis=1)
    bcv = jnp.concatenate([-b_f, b_s])

    mg = -W_f[2 * f:]
    mu = W_s[2 * f:]
    w8 = jnp.zeros((8 * de, 16 * f), jnp.float32)
    for a in range(4):
        base = a * 4 * f
        for blk, half in enumerate([mg[:, :hf], mu[:, :hf],
                                    mg[:, hf:], mu[:, hf:]]):
            col = base + blk * f
            w8 = w8.at[2 * a * de:(2 * a + 1) * de,
                       col:col + hf].set(half)
            w8 = w8.at[(2 * a + 1) * de:(2 * a + 2) * de,
                       col + hf:col + f].set(half)
    bc1 = jnp.concatenate([jnp.tile(-b_f[:hf], 2), jnp.tile(b_s[:hf], 2),
                           jnp.tile(-b_f[hf:], 2), jnp.tile(b_s[hf:], 2)])
    bc8 = jnp.tile(bc1, 4)[None, :]

    init2, qs2, pr2 = _node_tables(x, W_in, b_in[None, :], m1, m2)

    attr8 = edge_attr.reshape(e // 8, 8 * de)
    cc4 = _edge_tables(attr8, w8, bc8, f)
    cc3 = cc4.reshape(2, e // 2, f)

    def band_order(v):
        v8 = v.astype(jnp.int32).reshape(e // 8, 8)
        t = jnp.stack([v8[:, 2 * a:2 * a + 2] for a in range(4)], axis=0)
        return t.reshape(_NS, n_chunks, _CHUNK)

    dst3 = band_order(edge_index[1])
    src3 = band_order(edge_index[0])

    sc_out = _edge_sc_kernel(n, f, e, qs2, pr2, cc3, dst3, src3, init2)

    return _final(sc_out, W_ffw, b_ffw[None, :])

# --- scband reference (transcript-rebuilt; emitter-appended) ---
"""Pipeline reference for scband-encoder-51127290692114 (READ-ONLY COPY).

The authoritative reference and input builder live on the scoring server;
editing this copy changes nothing except your own understanding.
"""

import jax, jax.numpy as jnp
import numpy as np

N = 10000
E = 320000
F = 128
DE = 16

def setup_inputs(seed: int = 0) -> dict:
    key = jax.random.key(seed)
    ks = jax.random.split(key, 12)
    x = jax.random.normal(ks[0], (N, F), dtype=jnp.float32)
    edge_index = jax.random.randint(ks[1], (2, E), 0, N, dtype=jnp.int64)
    edge_attr = jax.random.normal(ks[2], (E, DE), dtype=jnp.float32)
    # InputLayer: Linear(num_node_features -> hidden_channels) + ReLU
    W_in = jax.random.normal(ks[3], (F, F), dtype=jnp.float32) * 0.05
    b_in = jnp.zeros((F,), dtype=jnp.float32)
    # CGConv: lin_f, lin_s : Linear(2*F + DE -> F)
    W_f = jax.random.normal(ks[4], (2 * F + DE, F), dtype=jnp.float32) * 0.05
    b_f = jnp.zeros((F,), dtype=jnp.float32)
    W_s = jax.random.normal(ks[5], (2 * F + DE, F), dtype=jnp.float32) * 0.05
    b_s = jnp.zeros((F,), dtype=jnp.float32)
    # MultiLayerPercetronLayer: Linear(F -> F) + ReLU
    W_ffw = jax.random.normal(ks[6], (F, F), dtype=jnp.float32) * 0.05
    b_ffw = jnp.zeros((F,), dtype=jnp.float32)
    return {"x": x, "edge_index": edge_index, "edge_attr": edge_attr,
            "W_in": W_in, "b_in": b_in, "W_f": W_f, "b_f": b_f,
            "W_s": W_s, "b_s": b_s, "W_ffw": W_ffw, "b_ffw": b_ffw}

def _softplus(v):
    return jax.nn.softplus(v)

def reference(x, edge_index, edge_attr, W_in, b_in, W_f, b_f, W_s, b_s, W_ffw, b_ffw):
    # InputLayer
    h = jax.nn.relu(x @ W_in + b_in)
    src = edge_index[0]
    dst = edge_index[1]
    # CGConv message: z_ij = [x_i, x_j, e_ij]; m = sigmoid(lin_f(z)) * softplus(lin_s(z)); aggr='add'; out = x + sum_j m
    z = jnp.concatenate([h[dst], h[src], edge_attr], axis=-1)
    gate = jax.nn.sigmoid(z @ W_f + b_f)
    core = _softplus(z @ W_s + b_s)
    m = gate * core
    agg = jax.ops.segment_sum(m, dst, num_segments=N)
    h = h + agg
    # ffw (MLP layer)
    h = jax.nn.relu(h @ W_ffw + b_ffw)
    return h

if __name__ == "__main__":
    import jax
    _d = setup_inputs()
    print(jax.jit(kernel)(*tuple(_d.values())))

</pallas_src>

<mosaic_0001>
#map = affine_map<(d0, d1) -> (0, 0, 0)>
module attributes {stable_mosaic.version = 14 : i64} {
  func.func @body(%arg0: i32, %arg1: i32, %arg2: memref<2x10000x64xi32, #tpu.memory_space<hbm>>, %arg3: memref<2x10000x64xi32, #tpu.memory_space<hbm>>, %arg4: memref<2x160000x128xi32, #tpu.memory_space<hbm>>, %arg5: memref<16x500x40xi32, #tpu.memory_space<hbm>>, %arg6: memref<16x500x40xi32, #tpu.memory_space<hbm>>, %arg7: memref<2x10000x64xf32, #tpu.memory_space<hbm>>, %arg8: memref<2x10000x64xf32, #tpu.memory_space<hbm>>, %arg9: memref<500x40xi32, #tpu.memory_space<vmem>>, %arg10: memref<500x40xi32, #tpu.memory_space<vmem>>, %arg11: memref<2x40x64xi32, #tpu.memory_space<vmem>>, %arg12: memref<2x40x64xi32, #tpu.memory_space<vmem>>, %arg13: memref<2x20x128xi32, #tpu.memory_space<vmem>>, %arg14: memref<2x40x64xf32, #tpu.memory_space<vmem>>, %arg15: memref<10000x64xf32, #tpu.memory_space<vmem_shared>>, %arg16: memref<!tpu.dma_semaphore, #tpu.memory_space<semaphore_mem>>, %arg17: memref<!tpu.dma_semaphore, #tpu.memory_space<semaphore_mem>>) attributes {dimension_semantics = [#tpu.dimension_semantics<core_parallel>, #tpu.dimension_semantics<subcore_parallel>], iteration_bounds = array<i64: 2, 16>, scalar_prefetch = 0 : i64, scratch_operands = 9 : i64, tpu.core_type = #tpu.core_type<sc_vector_subcore>, window_params = [{transform_indices = #map}, {transform_indices = #map}, {transform_indices = #map}, {transform_indices = #map}, {transform_indices = #map}, {transform_indices = #map}, {transform_indices = #map}]} {
    %mul3A = arith.constant 625 : i32
    %mul3A_0 = arith.muli %arg1, %mul3A : i32
    %shift_right_arithmetic3A = arith.constant 2 : i32
    %shift_right_arithmetic3A_1 = arith.shrsi %arg1, %shift_right_arithmetic3A : i32
    %mul3A_2 = arith.constant 40000 : i32
    %mul3A_3 = arith.muli %shift_right_arithmetic3A_1, %mul3A_2 : i32
    %and3A = arith.constant 3 : i32
    %and3A_4 = arith.andi %arg1, %and3A : i32
    %mul3A_5 = arith.constant 10000 : i32
    %mul3A_6 = arith.muli %and3A_4, %mul3A_5 : i32
    %add3A = arith.addi %mul3A_3, %mul3A_6 : i32
    "tpu.region"() ({
      %run_scoped3A = tpu.sem_alloc : memref<!tpu.dma_semaphore, #tpu.memory_space<semaphore_mem>>
      %dma_start3A_66 = arith.constant 0 : i32
      %dma_start3A_67 = arith.constant 0 : i32
      %dma_start3A_68 = tpu.memref_slice %arg5[%arg1, %dma_start3A_66, %dma_start3A_67] : memref<16x500x40xi32, #tpu.memory_space<hbm>> -> memref<1x500x40xi32, #tpu.memory_space<hbm>>
      %dma_start3A_69 = tpu.memref_squeeze %dma_start3A_68 : memref<1x500x40xi32, #tpu.memory_space<hbm>> -> memref<500x40xi32, #tpu.memory_space<hbm>>
      %dma_start3A_70 = arith.constant 0 : i32
      %dma_start3A_71 = arith.constant 0 : i32
      %dma_start3A_72 = tpu.memref_slice %arg5[%arg1, %dma_start3A_70, %dma_start3A_71] : memref<16x500x40xi32, #tpu.memory_space<hbm>> -> memref<1x500x40xi32, #tpu.memory_space<hbm>>
      %dma_start3A_73 = tpu.memref_squeeze %dma_start3A_72 : memref<1x500x40xi32, #tpu.memory_space<hbm>> -> memref<500x40xi32, #tpu.memory_space<hbm>>
      tpu.enqueue_dma source(%dma_start3A_73 : memref<500x40xi32, #tpu.memory_space<hbm>>) target(%arg9 : memref<500x40xi32, #tpu.memory_space<vmem>>) target_semaphore(%run_scoped3A : memref<!tpu.dma_semaphore, #tpu.memory_space<semaphore_mem>>)
      %dma_wait3A = arith.constant 0 : i32
      %dma_wait3A_74 = arith.constant 0 : i32
      %dma_wait3A_75 = tpu.memref_slice %arg5[%arg1, %dma_wait3A, %dma_wait3A_74] : memref<16x500x40xi32, #tpu.memory_space<hbm>> -> memref<1x500x40xi32, #tpu.memory_space<hbm>>
      %dma_wait3A_76 = tpu.memref_squeeze %dma_wait3A_75 : memref<1x500x40xi32, #tpu.memory_space<hbm>> -> memref<500x40xi32, #tpu.memory_space<hbm>>
      %dma_wait3A_77 = arith.constant 0 : i32
      %dma_wait3A_78 = arith.constant 0 : i32
      %dma_wait3A_79 = tpu.memref_slice %arg5[%arg1, %dma_wait3A_77, %dma_wait3A_78] : memref<16x500x40xi32, #tpu.memory_space<hbm>> -> memref<1x500x40xi32, #tpu.memory_space<hbm>>
      %dma_wait3A_80 = tpu.memref_squeeze %dma_wait3A_79 : memref<1x500x40xi32, #tpu.memory_space<hbm>> -> memref<500x40xi32, #tpu.memory_space<hbm>>
      tpu.wait_dma2 semaphore(%run_scoped3A : memref<!tpu.dma_semaphore, #tpu.memory_space<semaphore_mem>>) src(%dma_wait3A_80 : memref<500x40xi32, #tpu.memory_space<hbm>>) dst(%arg9 : memref<500x40xi32, #tpu.memory_space<vmem>>)
      tpu.yield
    }) : () -> ()
    "tpu.region"() ({
      %run_scoped3A = tpu.sem_alloc : memref<!tpu.dma_semaphore, #tpu.memory_space<semaphore_mem>>
      %dma_start3A_66 = arith.constant 0 : i32
      %dma_start3A_67 = arith.constant 0 : i32
      %dma_start3A_68 = tpu.memref_slice %arg6[%arg1, %dma_start3A_66, %dma_start3A_67] : memref<16x500x40xi32, #tpu.memory_space<hbm>> -> memref<1x500x40xi32, #tpu.memory_space<hbm>>
      %dma_start3A_69 = tpu.memref_squeeze %dma_start3A_68 : memref<1x500x40xi32, #tpu.memory_space<hbm>> -> memref<500x40xi32, #tpu.memory_space<hbm>>
      %dma_start3A_70 = arith.constant 0 : i32
      %dma_start3A_71 = arith.constant 0 : i32
      %dma_start3A_72 = tpu.memref_slice %arg6[%arg1, %dma_start3A_70, %dma_start3A_71] : memref<16x500x40xi32, #tpu.memory_space<hbm>> -> memref<1x500x40xi32, #tpu.memory_space<hbm>>
      %dma_start3A_73 = tpu.memref_squeeze %dma_start3A_72 : memref<1x500x40xi32, #tpu.memory_space<hbm>> -> memref<500x40xi32, #tpu.memory_space<hbm>>
      tpu.enqueue_dma source(%dma_start3A_73 : memref<500x40xi32, #tpu.memory_space<hbm>>) target(%arg10 : memref<500x40xi32, #tpu.memory_space<vmem>>) target_semaphore(%run_scoped3A : memref<!tpu.dma_semaphore, #tpu.memory_space<semaphore_mem>>)
      %dma_wait3A = arith.constant 0 : i32
      %dma_wait3A_74 = arith.constant 0 : i32
      %dma_wait3A_75 = tpu.memref_slice %arg6[%arg1, %dma_wait3A, %dma_wait3A_74] : memref<16x500x40xi32, #tpu.memory_space<hbm>> -> memref<1x500x40xi32, #tpu.memory_space<hbm>>
      %dma_wait3A_76 = tpu.memref_squeeze %dma_wait3A_75 : memref<1x500x40xi32, #tpu.memory_space<hbm>> -> memref<500x40xi32, #tpu.memory_space<hbm>>
      %dma_wait3A_77 = arith.constant 0 : i32
      %dma_wait3A_78 = arith.constant 0 : i32
      %dma_wait3A_79 = tpu.memref_slice %arg6[%arg1, %dma_wait3A_77, %dma_wait3A_78] : memref<16x500x40xi32, #tpu.memory_space<hbm>> -> memref<1x500x40xi32, #tpu.memory_space<hbm>>
      %dma_wait3A_80 = tpu.memref_squeeze %dma_wait3A_79 : memref<1x500x40xi32, #tpu.memory_space<hbm>> -> memref<500x40xi32, #tpu.memory_space<hbm>>
      tpu.wait_dma2 semaphore(%run_scoped3A : memref<!tpu.dma_semaphore, #tpu.memory_space<semaphore_mem>>) src(%dma_wait3A_80 : memref<500x40xi32, #tpu.memory_space<hbm>>) dst(%arg10 : memref<500x40xi32, #tpu.memory_space<vmem>>)
      tpu.yield
    }) : () -> ()
    "tpu.region"() ({
      %run_scoped3A = tpu.sem_alloc : memref<!tpu.dma_semaphore, #tpu.memory_space<semaphore_mem>>
      %dma_start3A_66 = arith.constant 0 : i32
      %dma_start3A_67 = tpu.memref_slice %arg15[%mul3A_0, %dma_start3A_66] : memref<10000x64xf32, #tpu.memory_space<vmem_shared>> -> memref<625x64xf32, #tpu.memory_space<vmem_shared>>
      %dma_start3A_68 = arith.constant 0 : i32
      %dma_start3A_69 = tpu.memref_slice %arg7[%arg0, %mul3A_0, %dma_start3A_68] : memref<2x10000x64xf32, #tpu.memory_space<hbm>> -> memref<1x625x64xf32, #tpu.memory_space<hbm>>
      %dma_start3A_70 = tpu.memref_squeeze %dma_start3A_69 : memref<1x625x64xf32, #tpu.memory_space<hbm>> -> memref<625x64xf32, #tpu.memory_space<hbm>>
      tpu.enqueue_dma source(%dma_start3A_70 : memref<625x64xf32, #tpu.memory_space<hbm>>) target(%dma_start3A_67 : memref<625x64xf32, #tpu.memory_space<vmem_shared>>) target_semaphore(%run_scoped3A : memref<!tpu.dma_semaphore, #tpu.memory_space<semaphore_mem>>)
      %dma_wait3A = arith.constant 0 : i32
      %dma_wait3A_71 = tpu.memref_slice %arg15[%mul3A_0, %dma_wait3A] : memref<10000x64xf32, #tpu.memory_space<vmem_shared>> -> memref<625x64xf32, #tpu.memory_space<vmem_shared>>
      %dma_wait3A_72 = arith.constant 0 : i32
      %dma_wait3A_73 = tpu.memref_slice %arg7[%arg0, %mul3A_0, %dma_wait3A_72] : memref<2x10000x64xf32, #tpu.memory_space<hbm>> -> memref<1x625x64xf32, #tpu.memory_space<hbm>>
      %dma_wait3A_74 = tpu.memref_squeeze %dma_wait3A_73 : memref<1x625x64xf32, #tpu.memory_space<hbm>> -> memref<625x64xf32, #tpu.memory_space<hbm>>
      tpu.wait_dma2 semaphore(%run_scoped3A : memref<!tpu.dma_semaphore, #tpu.memory_space<semaphore_mem>>) src(%dma_wait3A_74 : memref<625x64xf32, #tpu.memory_space<hbm>>) dst(%dma_wait3A_71 : memref<625x64xf32, #tpu.memory_space<vmem_shared>>)
      tpu.yield
    }) : () -> ()
    %barrier3A = arith.constant 0 : index
    tpu.barrier barrier_id(%barrier3A)
    %dma_start3A = arith.constant 0 : i32
    %dma_start3A_7 = arith.constant 0 : i32
    %dma_start3A_8 = arith.constant 0 : i32
    %dma_start3A_9 = arith.constant 0 : i32
    %dma_start3A_10 = tpu.memref_slice %arg11[%dma_start3A_7, %dma_start3A_8, %dma_start3A_9] : memref<2x40x64xi32, #tpu.memory_space<vmem>> -> memref<1x40x64xi32, #tpu.memory_space<vmem>>
    %dma_start3A_11 = tpu.memref_squeeze %dma_start3A_10 : memref<1x40x64xi32, #tpu.memory_space<vmem>> -> memref<40x64xi32, #tpu.memory_space<vmem>>
    %dma_start3A_12 = arith.constant 0 : i32
    %dma_start3A_13 = tpu.memref_slice %arg9[%dma_start3A, %dma_start3A_12] : memref<500x40xi32, #tpu.memory_space<vmem>> -> memref<1x40xi32, #tpu.memory_space<vmem>>
    %dma_start3A_14 = tpu.memref_squeeze %dma_start3A_13 : memref<1x40xi32, #tpu.memory_space<vmem>> -> memref<40xi32, #tpu.memory_space<vmem>>
    %dma_start3A_15 = arith.constant 0 : i32
    %dma_start3A_16 = arith.constant 0 : i32
    %dma_start3A_17 = tpu.memref_slice %arg2[%arg0, %dma_start3A_15, %dma_start3A_16] : memref<2x10000x64xi32, #tpu.memory_space<hbm>> -> memref<1x10000x64xi32, #tpu.memory_space<hbm>>
    %dma_start3A_18 = tpu.memref_squeeze %dma_start3A_17 : memref<1x10000x64xi32, #tpu.memory_space<hbm>> -> memref<10000x64xi32, #tpu.memory_space<hbm>>
    %dma_start3A_19 = arith.constant 0 : i32
    %dma_start3A_20 = arith.constant 0 : i32
    %dma_start3A_21 = tpu.memref_slice %dma_start3A_18[%dma_start3A_19, %dma_start3A_20] : memref<10000x64xi32, #tpu.memory_space<hbm>> -> memref<10000x64xi32, #tpu.memory_space<hbm>>
    tpu.enqueue_indirect_dma source(%dma_start3A_21 : memref<10000x64xi32, #tpu.memory_space<hbm>>) target(%dma_start3A_11 : memref<40x64xi32, #tpu.memory_space<vmem>>) offsets(%dma_start3A_14 : memref<40xi32, #tpu.memory_space<vmem>>) semaphore(%arg16 : memref<!tpu.dma_semaphore, #tpu.memory_space<semaphore_mem>>)
    %dma_start3A_22 = arith.constant 0 : i32
    %dma_start3A_23 = arith.constant 0 : i32
    %dma_start3A_24 = arith.constant 0 : i32
    %dma_start3A_25 = arith.constant 0 : i32
    %dma_start3A_26 = tpu.memref_slice %arg12[%dma_start3A_23, %dma_start3A_24, %dma_start3A_25] : memref<2x40x64xi32, #tpu.memory_space<vmem>> -> memref<1x40x64xi32, #tpu.memory_space<vmem>>
    %dma_start3A_27 = tpu.memref_squeeze %dma_start3A_26 : memref<1x40x64xi32, #tpu.memory_space<vmem>> -> memref<40x64xi32, #tpu.memory_space<vmem>>
    %dma_start3A_28 = arith.constant 0 : i32
    %dma_start3A_29 = tpu.memref_slice %arg10[%dma_start3A_22, %dma_start3A_28] : memref<500x40xi32, #tpu.memory_space<vmem>> -> memref<1x40xi32, #tpu.memory_space<vmem>>
    %dma_start3A_30 = tpu.memref_squeeze %dma_start3A_29 : memref<1x40xi32, #tpu.memory_space<vmem>> -> memref<40xi32, #tpu.memory_space<vmem>>
    %dma_start3A_31 = arith.constant 0 : i32
    %dma_start3A_32 = arith.constant 0 : i32
    %dma_start3A_33 = tpu.memref_slice %arg3[%arg0, %dma_start3A_31, %dma_start3A_32] : memref<2x10000x64xi32, #tpu.memory_space<hbm>> -> memref<1x10000x64xi32, #tpu.memory_space<hbm>>
    %dma_start3A_34 = tpu.memref_squeeze %dma_start3A_33 : memref<1x10000x64xi32, #tpu.memory_space<hbm>> -> memref<10000x64xi32, #tpu.memory_space<hbm>>
    %dma_start3A_35 = arith.constant 0 : i32
    %dma_start3A_36 = arith.constant 0 : i32
    %dma_start3A_37 = tpu.memref_slice %dma_start3A_34[%dma_start3A_35, %dma_start3A_36] : memref<10000x64xi32, #tpu.memory_space<hbm>> -> memref<10000x64xi32, #tpu.memory_space<hbm>>
    tpu.enqueue_indirect_dma source(%dma_start3A_37 : memref<10000x64xi32, #tpu.memory_space<hbm>>) target(%dma_start3A_27 : memref<40x64xi32, #tpu.memory_space<vmem>>) offsets(%dma_start3A_30 : memref<40xi32, #tpu.memory_space<vmem>>) semaphore(%arg16 : memref<!tpu.dma_semaphore, #tpu.memory_space<semaphore_mem>>)
    %add3A_38 = arith.constant 0 : i32
    %add3A_39 = arith.addi %add3A, %add3A_38 : i32
    %dma_start3A_40 = arith.constant 0 : i32
    %dma_start3A_41 = arith.constant 0 : i32
    %dma_start3A_42 = arith.constant 0 : i32
    %dma_start3A_43 = tpu.memref_slice %arg13[%dma_start3A_40, %dma_start3A_41, %dma_start3A_42] : memref<2x20x128xi32, #tpu.memory_space<vmem>> -> memref<1x20x128xi32, #tpu.memory_space<vmem>>
    %dma_start3A_44 = tpu.memref_squeeze %dma_start3A_43 : memref<1x20x128xi32, #tpu.memory_space<vmem>> -> memref<20x128xi32, #tpu.memory_space<vmem>>
    %dma_start3A_45 = arith.constant 0 : i32
    %dma_start3A_46 = arith.constant 0 : i32
    %dma_start3A_47 = tpu.memref_slice %arg4[%arg0, %dma_start3A_45, %dma_start3A_46] : memref<2x160000x128xi32, #tpu.memory_space<hbm>> -> memref<1x160000x128xi32, #tpu.memory_space<hbm>>
    %dma_start3A_48 = tpu.memref_squeeze %dma_start3A_47 : memref<1x160000x128xi32, #tpu.memory_space<hbm>> -> memref<160000x128xi32, #tpu.memory_space<hbm>>
    %dma_start3A_49 = arith.constant 0 : i32
    %dma_start3A_50 = tpu.memref_slice %dma_start3A_48[%add3A_39, %dma_start3A_49] : memref<160000x128xi32, #tpu.memory_space<hbm>> -> memref<20x128xi32, #tpu.memory_space<hbm>>
    %dma_start3A_51 = arith.constant 0 : i32
    %dma_start3A_52 = arith.constant 0 : i32
    %dma_start3A_53 = tpu.memref_slice %arg13[%dma_start3A_40, %dma_start3A_51, %dma_start3A_52] : memref<2x20x128xi32, #tpu.memory_space<vmem>> -> memref<1x20x128xi32, #tpu.memory_space<vmem>>
    %dma_start3A_54 = tpu.memref_squeeze %dma_start3A_53 : memref<1x20x128xi32, #tpu.memory_space<vmem>> -> memref<20x128xi32, #tpu.memory_space<vmem>>
    %dma_start3A_55 = arith.constant 0 : i32
    %dma_start3A_56 = arith.constant 0 : i32
    %dma_start3A_57 = tpu.memref_slice %arg4[%arg0, %dma_start3A_55, %dma_start3A_56] : memref<2x160000x128xi32, #tpu.memory_space<hbm>> -> memref<1x160000x128xi32, #tpu.memory_space<hbm>>
    %dma_start3A_58 = tpu.memref_squeeze %dma_start3A_57 : memref<1x160000x128xi32, #tpu.memory_space<hbm>> -> memref<160000x128xi32, #tpu.memory_space<hbm>>
    %dma_start3A_59 = arith.constant 0 : i32
    %dma_start3A_60 = tpu.memref_slice %dma_start3A_58[%add3A_39, %dma_start3A_59] : memref<160000x128xi32, #tpu.memory_space<hbm>> -> memref<20x128xi32, #tpu.memory_space<hbm>>
    tpu.enqueue_dma source(%dma_start3A_60 : memref<20x128xi32, #tpu.memory_space<hbm>>) target(%dma_start3A_54 : memref<20x128xi32, #tpu.memory_space<vmem>>) target_semaphore(%arg16 : memref<!tpu.dma_semaphore, #tpu.memory_space<semaphore_mem>>)
    %scan3A = arith.constant 0 : i32
    %scan3A_61 = arith.constant 250 : i32
    %scan3A_62 = arith.addi %scan3A, %scan3A_61 : i32
    %scan3A_63 = arith.constant 1 : i32
    scf.for %scan3A_66 = %scan3A to %scan3A_62 step %scan3A_63  : i32 {
      %mul3A_67 = arith.constant 2 : i32
      %mul3A_68 = arith.muli %scan3A_66, %mul3A_67 : i32
      %add3A_69 = arith.constant 0 : i32
      %add3A_70 = arith.addi %add3A_69, %mul3A_68 : i32
      %add3A_71 = arith.constant 1 : i32
      %add3A_72 = arith.addi %add3A_70, %add3A_71 : i32
      %dma_start3A_73 = arith.constant 1 : i32
      %dma_start3A_74 = arith.constant 0 : i32
      %dma_start3A_75 = arith.constant 0 : i32
      %dma_start3A_76 = tpu.memref_slice %arg11[%dma_start3A_73, %dma_start3A_74, %dma_start3A_75] : memref<2x40x64xi32, #tpu.memory_space<vmem>> -> memref<1x40x64xi32, #tpu.memory_space<vmem>>
      %dma_start3A_77 = tpu.memref_squeeze %dma_start3A_76 : memref<1x40x64xi32, #tpu.memory_space<vmem>> -> memref<40x64xi32, #tpu.memory_space<vmem>>
      %dma_start3A_78 = arith.constant 0 : i32
      %dma_start3A_79 = tpu.memref_slice %arg9[%add3A_72, %dma_start3A_78] : memref<500x40xi32, #tpu.memory_space<vmem>> -> memref<1x40xi32, #tpu.memory_space<vmem>>
      %dma_start3A_80 = tpu.memref_squeeze %dma_start3A_79 : memref<1x40xi32, #tpu.memory_space<vmem>> -> memref<40xi32, #tpu.memory_space<vmem>>
      %dma_start3A_81 = arith.constant 0 : i32
      %dma_start3A_82 = arith.constant 0 : i32
      %dma_start3A_83 = tpu.memref_slice %arg2[%arg0, %dma_start3A_81, %dma_start3A_82] : memref<2x10000x64xi32, #tpu.memory_space<hbm>> -> memref<1x10000x64xi32, #tpu.memory_space<hbm>>
      %dma_start3A_84 = tpu.memref_squeeze %dma_start3A_83 : memref<1x10000x64xi32, #tpu.memory_space<hbm>> -> memref<10000x64xi32, #tpu.memory_space<hbm>>
      %dma_start3A_85 = arith.constant 0 : i32
      %dma_start3A_86 = arith.constant 0 : i32
      %dma_start3A_87 = tpu.memref_slice %dma_start3A_84[%dma_start3A_85, %dma_start3A_86] : memref<10000x64xi32, #tpu.memory_space<hbm>> -> memref<10000x64xi32, #tpu.memory_space<hbm>>
      tpu.enqueue_indirect_dma source(%dma_start3A_87 : memref<10000x64xi32, #tpu.memory_space<hbm>>) target(%dma_start3A_77 : memref<40x64xi32, #tpu.memory_space<vmem>>) offsets(%dma_start3A_80 : memref<40xi32, #tpu.memory_space<vmem>>) semaphore(%arg17 : memref<!tpu.dma_semaphore, #tpu.memory_space<semaphore_mem>>)
      %dma_start3A_88 = arith.constant 1 : i32
      %dma_start3A_89 = arith.constant 0 : i32
      %dma_start3A_90 = arith.constant 0 : i32
      %dma_start3A_91 = tpu.memref_slice %arg12[%dma_start3A_88, %dma_start3A_89, %dma_start3A_90] : memref<2x40x64xi32, #tpu.memory_space<vmem>> -> memref<1x40x64xi32, #tpu.memory_space<vmem>>
      %dma_start3A_92 = tpu.memref_squeeze %dma_start3A_91 : memref<1x40x64xi32, #tpu.memory_space<vmem>> -> memref<40x64xi32, #tpu.memory_space<vmem>>
      %dma_start3A_93 = arith.constant 0 : i32
      %dma_start3A_94 = tpu.memref_slice %arg10[%add3A_72, %dma_start3A_93] : memref<500x40xi32, #tpu.memory_space<vmem>> -> memref<1x40xi32, #tpu.memory_space<vmem>>
      %dma_start3A_95 = tpu.memref_squeeze %dma_start3A_94 : memref<1x40xi32, #tpu.memory_space<vmem>> -> memref<40xi32, #tpu.memory_space<vmem>>
      %dma_start3A_96 = arith.constant 0 : i32
      %dma_start3A_97 = arith.constant 0 : i32
      %dma_start3A_98 = tpu.memref_slice %arg3[%arg0, %dma_start3A_96, %dma_start3A_97] : memref<2x10000x64xi32, #tpu.memory_space<hbm>> -> memref<1x10000x64xi32, #tpu.memory_space<hbm>>
      %dma_start3A_99 = tpu.memref_squeeze %dma_start3A_98 : memref<1x10000x64xi32, #tpu.memory_space<hbm>> -> memref<10000x64xi32, #tpu.memory_space<hbm>>
      %dma_start3A_100 = arith.constant 0 : i32
      %dma_start3A_101 = arith.constant 0 : i32
      %dma_start3A_102 = tpu.memref_slice %dma_start3A_99[%dma_start3A_100, %dma_start3A_101] : memref<10000x64xi32, #tpu.memory_space<hbm>> -> memref<10000x64xi32, #tpu.memory_space<hbm>>
      tpu.enqueue_indirect_dma source(%dma_start3A_102 : memref<10000x64xi32, #tpu.memory_space<hbm>>) target(%dma_start3A_92 : memref<40x64xi32, #tpu.memory_space<vmem>>) offsets(%dma_start3A_95 : memref<40xi32, #tpu.memory_space<vmem>>) semaphore(%arg17 : memref<!tpu.dma_semaphore, #tpu.memory_space<semaphore_mem>>)
      %mul3A_103 = arith.constant 20 : i32
      %mul3A_104 = arith.muli %add3A_72, %mul3A_103 : i32
      %add3A_105 = arith.addi %add3A, %mul3A_104 : i32
      %dma_start3A_106 = arith.constant 1 : i32
      %dma_start3A_107 = arith.constant 0 : i32
      %dma_start3A_108 = arith.constant 0 : i32
      %dma_start3A_109 = tpu.memref_slice %arg13[%dma_start3A_106, %dma_start3A_107, %dma_start3A_108] : memref<2x20x128xi32, #tpu.memory_space<vmem>> -> memref<1x20x128xi32, #tpu.memory_space<vmem>>
      %dma_start3A_110 = tpu.memref_squeeze %dma_start3A_109 : memref<1x20x128xi32, #tpu.memory_space<vmem>> -> memref<20x128xi32, #tpu.memory_space<vmem>>
      %dma_start3A_111 = arith.constant 0 : i32
      %dma_start3A_112 = arith.constant 0 : i32
      %dma_start3A_113 = tpu.memref_slice %arg4[%arg0, %dma_start3A_111, %dma_start3A_112] : memref<2x160000x128xi32, #tpu.memory_space<hbm>> -> memref<1x160000x128xi32, #tpu.memory_space<hbm>>
      %dma_start3A_114 = tpu.memref_squeeze %dma_start3A_113 : memref<1x160000x128xi32, #tpu.memory_space<hbm>> -> memref<160000x128xi32, #tpu.memory_space<hbm>>
      %dma_start3A_115 = arith.constant 0 : i32
      %dma_start3A_116 = tpu.memref_slice %dma_start3A_114[%add3A_105, %dma_start3A_115] : memref<160000x128xi32, #tpu.memory_space<hbm>> -> memref<20x128xi32, #tpu.memory_space<hbm>>
      %dma_start3A_117 = arith.constant 0 : i32
      %dma_start3A_118 = arith.constant 0 : i32
      %dma_start3A_119 = tpu.memref_slice %arg13[%dma_start3A_106, %dma_start3A_117, %dma_start3A_118] : memref<2x20x128xi32, #tpu.memory_space<vmem>> -> memref<1x20x128xi32, #tpu.memory_space<vmem>>
      %dma_start3A_120 = tpu.memref_squeeze %dma_start3A_119 : memref<1x20x128xi32, #tpu.memory_space<vmem>> -> memref<20x128xi32, #tpu.memory_space<vmem>>
      %dma_start3A_121 = arith.constant 0 : i32
      %dma_start3A_122 = arith.constant 0 : i32
      %dma_start3A_123 = tpu.memref_slice %arg4[%arg0, %dma_start3A_121, %dma_start3A_122] : memref<2x160000x128xi32, #tpu.memory_space<hbm>> -> memref<1x160000x128xi32, #tpu.memory_space<hbm>>
      %dma_start3A_124 = tpu.memref_squeeze %dma_start3A_123 : memref<1x160000x128xi32, #tpu.memory_space<hbm>> -> memref<160000x128xi32, #tpu.memory_space<hbm>>
      %dma_start3A_125 = arith.constant 0 : i32
      %dma_start3A_126 = tpu.memref_slice %dma_start3A_124[%add3A_105, %dma_start3A_125] : memref<160000x128xi32, #tpu.memory_space<hbm>> -> memref<20x128xi32, #tpu.memory_space<hbm>>
      tpu.enqueue_dma source(%dma_start3A_126 : memref<20x128xi32, #tpu.memory_space<hbm>>) target(%dma_start3A_120 : memref<20x128xi32, #tpu.memory_space<vmem>>) target_semaphore(%arg17 : memref<!tpu.dma_semaphore, #tpu.memory_space<semaphore_mem>>)
      %dma_wait3A = arith.constant 0 : i32
      %dma_wait3A_127 = arith.constant 0 : i32
      %dma_wait3A_128 = arith.constant 0 : i32
      %dma_wait3A_129 = tpu.memref_slice %arg11[%dma_wait3A, %dma_wait3A_127, %dma_wait3A_128] : memref<2x40x64xi32, #tpu.memory_space<vmem>> -> memref<1x40x64xi32, #tpu.memory_space<vmem>>
      %dma_wait3A_130 = tpu.memref_squeeze %dma_wait3A_129 : memref<1x40x64xi32, #tpu.memory_space<vmem>> -> memref<40x64xi32, #tpu.memory_space<vmem>>
      %dma_wait3A_131 = arith.constant 0 : i32
      %dma_wait3A_132 = arith.constant 0 : i32
      %dma_wait3A_133 = tpu.memref_slice %arg2[%arg0, %dma_wait3A_131, %dma_wait3A_132] : memref<2x10000x64xi32, #tpu.memory_space<hbm>> -> memref<1x10000x64xi32, #tpu.memory_space<hbm>>
      %dma_wait3A_134 = tpu.memref_squeeze %dma_wait3A_133 : memref<1x10000x64xi32, #tpu.memory_space<hbm>> -> memref<10000x64xi32, #tpu.memory_space<hbm>>
      %dma_wait3A_135 = arith.constant 0 : i32
      %dma_wait3A_136 = arith.constant 0 : i32
      %dma_wait3A_137 = tpu.memref_slice %dma_wait3A_134[%dma_wait3A_135, %dma_wait3A_136] : memref<10000x64xi32, #tpu.memory_space<hbm>> -> memref<40x64xi32, #tpu.memory_space<hbm>>
      %dma_wait3A_138 = arith.constant 0 : i32
      %dma_wait3A_139 = arith.constant 0 : i32
      %dma_wait3A_140 = tpu.memref_slice %arg11[%dma_wait3A, %dma_wait3A_138, %dma_wait3A_139] : memref<2x40x64xi32, #tpu.memory_space<vmem>> -> memref<1x40x64xi32, #tpu.memory_space<vmem>>
      %dma_wait3A_141 = tpu.memref_squeeze %dma_wait3A_140 : memref<1x40x64xi32, #tpu.memory_space<vmem>> -> memref<40x64xi32, #tpu.memory_space<vmem>>
      %dma_wait3A_142 = arith.constant 0 : i32
      %dma_wait3A_143 = arith.constant 0 : i32
      %dma_wait3A_144 = tpu.memref_slice %arg2[%arg0, %dma_wait3A_142, %dma_wait3A_143] : memref<2x10000x64xi32, #tpu.memory_space<hbm>> -> memref<1x10000x64xi32, #tpu.memory_space<hbm>>
      %dma_wait3A_145 = tpu.memref_squeeze %dma_wait3A_144 : memref<1x10000x64xi32, #tpu.memory_space<hbm>> -> memref<10000x64xi32, #tpu.memory_space<hbm>>
      %dma_wait3A_146 = arith.constant 0 : i32
      %dma_wait3A_147 = arith.constant 0 : i32
      %dma_wait3A_148 = tpu.memref_slice %dma_wait3A_145[%dma_wait3A_146, %dma_wait3A_147] : memref<10000x64xi32, #tpu.memory_space<hbm>> -> memref<40x64xi32, #tpu.memory_space<hbm>>
      tpu.wait_dma2 semaphore(%arg16 : memref<!tpu.dma_semaphore, #tpu.memory_space<semaphore_mem>>) src(%dma_wait3A_148 : memref<40x64xi32, #tpu.memory_space<hbm>>) dst(%dma_wait3A_141 : memref<40x64xi32, #tpu.memory_space<vmem>>)
      %dma_wait3A_149 = arith.constant 0 : i32
      %dma_wait3A_150 = arith.constant 0 : i32
      %dma_wait3A_151 = arith.constant 0 : i32
      %dma_wait3A_152 = tpu.memref_slice %arg12[%dma_wait3A_149, %dma_wait3A_150, %dma_wait3A_151] : memref<2x40x64xi32, #tpu.memory_space<vmem>> -> memref<1x40x64xi32, #tpu.memory_space<vmem>>
      %dma_wait3A_153 = tpu.memref_squeeze %dma_wait3A_152 : memref<1x40x64xi32, #tpu.memory_space<vmem>> -> memref<40x64xi32, #tpu.memory_space<vmem>>
      %dma_wait3A_154 = arith.constant 0 : i32
      %dma_wait3A_155 = arith.constant 0 : i32
      %dma_wait3A_156 = tpu.memref_slice %arg3[%arg0, %dma_wait3A_154, %dma_wait3A_155] : memref<2x10000x64xi32, #tpu.memory_space<hbm>> -> memref<1x10000x64xi32, #tpu.memory_space<hbm>>
      %dma_wait3A_157 = tpu.memref_squeeze %dma_wait3A_156 : memref<1x10000x64xi32, #tpu.memory_space<hbm>> -> memref<10000x64xi32, #tpu.memory_space<hbm>>
      %dma_wait3A_158 = arith.constant 0 : i32
      %dma_wait3A_159 = arith.constant 0 : i32
      %dma_wait3A_160 = tpu.memref_slice %dma_wait3A_157[%dma_wait3A_158, %dma_wait3A_159] : memref<10000x64xi32, #tpu.memory_space<hbm>> -> memref<40x64xi32, #tpu.memory_space<hbm>>
      %dma_wait3A_161 = arith.constant 0 : i32
      %dma_wait3A_162 = arith.constant 0 : i32
      %dma_wait3A_163 = tpu.memref_slice %arg12[%dma_wait3A_149, %dma_wait3A_161, %dma_wait3A_162] : memref<2x40x64xi32, #tpu.memory_space<vmem>> -> memref<1x40x64xi32, #tpu.memory_space<vmem>>
      %dma_wait3A_164 = tpu.memref_squeeze %dma_wait3A_163 : memref<1x40x64xi32, #tpu.memory_space<vmem>> -> memref<40x64xi32, #tpu.memory_space<vmem>>
      %dma_wait3A_165 = arith.constant 0 : i32
      %dma_wait3A_166 = arith.constant 0 : i32
      %dma_wait3A_167 = tpu.memref_slice %arg3[%arg0, %dma_wait3A_165, %dma_wait3A_166] : memref<2x10000x64xi32, #tpu.memory_space<hbm>> -> memref<1x10000x64xi32, #tpu.memory_space<hbm>>
      %dma_wait3A_168 = tpu.memref_squeeze %dma_wait3A_167 : memref<1x10000x64xi32, #tpu.memory_space<hbm>> -> memref<10000x64xi32, #tpu.memory_space<hbm>>
      %dma_wait3A_169 = arith.constant 0 : i32
      %dma_wait3A_170 = arith.constant 0 : i32
      %dma_wait3A_171 = tpu.memref_slice %dma_wait3A_168[%dma_wait3A_169, %dma_wait3A_170] : memref<10000x64xi32, #tpu.memory_space<hbm>> -> memref<40x64xi32, #tpu.memory_space<hbm>>
      tpu.wait_dma2 semaphore(%arg16 : memref<!tpu.dma_semaphore, #tpu.memory_space<semaphore_mem>>) src(%dma_wait3A_171 : memref<40x64xi32, #tpu.memory_space<hbm>>) dst(%dma_wait3A_164 : memref<40x64xi32, #tpu.memory_space<vmem>>)
      %dma_wait3A_172 = arith.constant 0 : i32
      %dma_wait3A_173 = arith.constant 0 : i32
      %dma_wait3A_174 = arith.constant 0 : i32
      %dma_wait3A_175 = tpu.memref_slice %arg13[%dma_wait3A_172, %dma_wait3A_173, %dma_wait3A_174] : memref<2x20x128xi32, #tpu.memory_space<vmem>> -> memref<1x20x128xi32, #tpu.memory_space<vmem>>
      %dma_wait3A_176 = tpu.memref_squeeze %dma_wait3A_175 : memref<1x20x128xi32, #tpu.memory_space<vmem>> -> memref<20x128xi32, #tpu.memory_space<vmem>>
      %dma_wait3A_177 = arith.constant 0 : i32
      %dma_wait3A_178 = arith.constant 0 : i32
      %dma_wait3A_179 = tpu.memref_slice %arg4[%arg0, %dma_wait3A_177, %dma_wait3A_178] : memref<2x160000x128xi32, #tpu.memory_space<hbm>> -> memref<1x160000x128xi32, #tpu.memory_space<hbm>>
      %dma_wait3A_180 = tpu.memref_squeeze %dma_wait3A_179 : memref<1x160000x128xi32, #tpu.memory_space<hbm>> -> memref<160000x128xi32, #tpu.memory_space<hbm>>
      %dma_wait3A_181 = arith.constant 0 : i32
      %dma_wait3A_182 = arith.constant 0 : i32
      %dma_wait3A_183 = tpu.memref_slice %dma_wait3A_180[%dma_wait3A_181, %dma_wait3A_182] : memref<160000x128xi32, #tpu.memory_space<hbm>> -> memref<20x128xi32, #tpu.memory_space<hbm>>
      %dma_wait3A_184 = arith.constant 0 : i32
      %dma_wait3A_185 = arith.constant 0 : i32
      %dma_wait3A_186 = tpu.memref_slice %arg13[%dma_wait3A_172, %dma_wait3A_184, %dma_wait3A_185] : memref<2x20x128xi32, #tpu.memory_space<vmem>> -> memref<1x20x128xi32, #tpu.memory_space<vmem>>
      %dma_wait3A_187 = tpu.memref_squeeze %dma_wait3A_186 : memref<1x20x128xi32, #tpu.memory_space<vmem>> -> memref<20x128xi32, #tpu.memory_space<vmem>>
      %dma_wait3A_188 = arith.constant 0 : i32
      %dma_wait3A_189 = arith.constant 0 : i32
      %dma_wait3A_190 = tpu.memref_slice %arg4[%arg0, %dma_wait3A_188, %dma_wait3A_189] : memref<2x160000x128xi32, #tpu.memory_space<hbm>> -> memref<1x160000x128xi32, #tpu.memory_space<hbm>>
      %dma_wait3A_191 = tpu.memref_squeeze %dma_wait3A_190 : memref<1x160000x128xi32, #tpu.memory_space<hbm>> -> memref<160000x128xi32, #tpu.memory_space<hbm>>
      %dma_wait3A_192 = arith.constant 0 : i32
      %dma_wait3A_193 = arith.constant 0 : i32
      %dma_wait3A_194 = tpu.memref_slice %dma_wait3A_191[%dma_wait3A_192, %dma_wait3A_193] : memref<160000x128xi32, #tpu.memory_space<hbm>> -> memref<20x128xi32, #tpu.memory_space<hbm>>
      tpu.wait_dma2 semaphore(%arg16 : memref<!tpu.dma_semaphore, #tpu.memory_space<semaphore_mem>>) src(%dma_wait3A_194 : memref<20x128xi32, #tpu.memory_space<hbm>>) dst(%dma_wait3A_187 : memref<20x128xi32, #tpu.memory_space<vmem>>)
      %scan3A_195 = arith.constant 0 : i32
      %scan3A_196 = arith.constant 20 : i32
      %scan3A_197 = arith.addi %scan3A_195, %scan3A_196 : i32
      %scan3A_198 = arith.constant 1 : i32
      scf.for %scan3A_281 = %scan3A_195 to %scan3A_197 step %scan3A_198  : i32 {
        %mul3A_282 = arith.constant 1 : i32
        %mul3A_283 = arith.muli %scan3A_281, %mul3A_282 : i32
        %add3A_284 = arith.constant 0 : i32
        %add3A_285 = arith.addi %add3A_284, %mul3A_283 : i32
        %mul3A_286 = arith.constant 2 : i32
        %mul3A_287 = arith.muli %mul3A_286, %add3A_285 : i32
        %add3A_288 = arith.constant 0 : i32
        %add3A_289 = arith.addi %mul3A_287, %add3A_288 : i32
        %get3A = arith.constant 0 : i32
        %get3A_290 = arith.index_cast %get3A : i32 to index
        %get3A_291 = arith.index_cast %add3A_289 : i32 to index
        %get3A_292 = arith.constant 0 : index
        %get3A_293 = tpu.vector_load %arg11[%get3A_290, %get3A_291, %get3A_292] {strides = array<i32>} : memref<2x40x64xi32, #tpu.memory_space<vmem>>, vector<16xi32>,
        %add3A_294 = arith.constant 0 : i32
        %add3A_295 = arith.addi %mul3A_287, %add3A_294 : i32
        %get3A_296 = arith.constant 0 : i32
        %get3A_297 = arith.index_cast %get3A_296 : i32 to index
        %get3A_298 = arith.index_cast %add3A_295 : i32 to index
        %get3A_299 = arith.constant 0 : index
        %get3A_300 = tpu.vector_load %arg12[%get3A_297, %get3A_298, %get3A_299] {strides = array<i32>} : memref<2x40x64xi32, #tpu.memory_space<vmem>>, vector<16xi32>,
        %get3A_301 = arith.constant 0 : i32
        %get3A_302 = arith.index_cast %get3A_301 : i32 to index
        %get3A_303 = arith.index_cast %add3A_285 : i32 to index
        %get3A_304 = arith.constant 0 : index
        %get3A_305 = tpu.vector_load %arg13[%get3A_302, %get3A_303, %get3A_304] {strides = array<i32>} : memref<2x20x128xi32, #tpu.memory_space<vmem>>, vector<16xi32>,
        %shift_left3A = arith.constant 16 : i32
        %shift_left3A_306 = vector.broadcast %shift_left3A : i32 to vector<16xi32>
        %shift_left3A_307 = arith.shli %get3A_293, %shift_left3A_306 : vector<16xi32>
        %bitcast3A = vector.bitcast %shift_left3A_307 : vector<16xi32> to vector<16xf32>
        %shift_left3A_308 = arith.constant 16 : i32
        %shift_left3A_309 = vector.broadcast %shift_left3A_308 : i32 to vector<16xi32>
        %shift_left3A_310 = arith.shli %get3A_300, %shift_left3A_309 : vector<16xi32>
        %bitcast3A_311 = vector.bitcast %shift_left3A_310 : vector<16xi32> to vector<16xf32>
        %add3A_312 = arith.addf %bitcast3A, %bitcast3A_311 : vector<16xf32>
        %shift_left3A_313 = arith.constant 16 : i32
        %shift_left3A_314 = vector.broadcast %shift_left3A_313 : i32 to vector<16xi32>
        %shift_left3A_315 = arith.shli %get3A_305, %shift_left3A_314 : vector<16xi32>
        %bitcast3A_316 = vector.bitcast %shift_left3A_315 : vector<16xi32> to vector<16xf32>
        %add3A_317 = arith.addf %add3A_312, %bitcast3A_316 : vector<16xf32>
        %and3A_318 = arith.constant -65536 : i32
        %and3A_319 = vector.broadcast %and3A_318 : i32 to vector<16xi32>
        %and3A_320 = arith.andi %get3A_293, %and3A_319 : vector<16xi32>
        %bitcast3A_321 = vector.bitcast %and3A_320 : vector<16xi32> to vector<16xf32>
        %and3A_322 = arith.constant -65536 : i32
        %and3A_323 = vector.broadcast %and3A_322 : i32 to vector<16xi32>
        %and3A_324 = arith.andi %get3A_300, %and3A_323 : vector<16xi32>
        %bitcast3A_325 = vector.bitcast %and3A_324 : vector<16xi32> to vector<16xf32>
        %add3A_326 = arith.addf %bitcast3A_321, %bitcast3A_325 : vector<16xf32>
        %and3A_327 = arith.constant -65536 : i32
        %and3A_328 = vector.broadcast %and3A_327 : i32 to vector<16xi32>
        %and3A_329 = arith.andi %get3A_305, %and3A_328 : vector<16xi32>
        %bitcast3A_330 = vector.bitcast %and3A_329 : vector<16xi32> to vector<16xf32>
        %add3A_331 = arith.addf %add3A_326, %bitcast3A_330 : vector<16xf32>
        %exp3A = math.exp %add3A_317 : vector<16xf32>
        %add3A_332 = arith.constant 1.000000e+00 : f32
        %add3A_333 = vector.broadcast %add3A_332 : f32 to vector<16xf32>
        %add3A_334 = arith.addf %exp3A, %add3A_333 : vector<16xf32>
        %abs3A = math.absf %add3A_331 : vector<16xf32>
        %neg3A = arith.constant 0.000000e+00 : f32
        %neg3A_335 = vector.broadcast %neg3A : f32 to vector<16xf32>
        %neg3A_336 = arith.subf %neg3A_335, %abs3A : vector<16xf32>
        %exp3A_337 = math.exp %neg3A_336 : vector<16xf32>
        %mul3A_338 = arith.mulf %exp3A_337, %exp3A_337 : vector<16xf32>
        %mul3A_339 = arith.constant -0.469774395 : f32
        %mul3A_340 = vector.broadcast %mul3A_339 : f32 to vector<16xf32>
        %mul3A_341 = arith.mulf %mul3A_340, %exp3A_337 : vector<16xf32>
        %add3A_342 = arith.constant 0.997187674 : f32
        %add3A_343 = vector.broadcast %add3A_342 : f32 to vector<16xf32>
        %add3A_344 = arith.addf %add3A_343, %mul3A_341 : vector<16xf32>
        %mul3A_345 = arith.constant -0.0574329607 : f32
        %mul3A_346 = vector.broadcast %mul3A_345 : f32 to vector<16xf32>
        %mul3A_347 = arith.mulf %mul3A_346, %exp3A_337 : vector<16xf32>
        %add3A_348 = arith.constant 0.223107144 : f32
        %add3A_349 = vector.broadcast %add3A_348 : f32 to vector<16xf32>
        %add3A_350 = arith.addf %add3A_349, %mul3A_347 : vector<16xf32>
        %mul3A_351 = arith.mulf %mul3A_338, %add3A_350 : vector<16xf32>
        %add3A_352 = arith.addf %add3A_344, %mul3A_351 : vector<16xf32>
        %mul3A_353 = arith.mulf %exp3A_337, %add3A_352 : vector<16xf32>
        %max3A = arith.constant 0.000000e+00 : f32
        %max3A_354 = vector.broadcast %max3A : f32 to vector<16xf32>
        %max3A_355 = arith.maximumf %add3A_331, %max3A_354 : vector<16xf32>
        %add3A_356 = arith.addf %max3A_355, %mul3A_353 : vector<16xf32>
        %div3A = arith.divf %add3A_356, %add3A_334 : vector<16xf32>
        %add3A_357 = arith.constant 0 : i32
        %add3A_358 = arith.addi %mul3A_287, %add3A_357 : i32
        %swap3A = arith.constant 0 : i32
        %swap3A_359 = arith.index_cast %swap3A : i32 to index
        %swap3A_360 = arith.index_cast %add3A_358 : i32 to index
        %swap3A_361 = arith.constant 0 : index
        %swap3A_362 = tpu.vector_load %arg14[%swap3A_359, %swap3A_360, %swap3A_361] {strides = array<i32>} : memref<2x40x64xf32, #tpu.memory_space<vmem>>, vector<16xf32>,
        tpu.vector_store %arg14[%swap3A_359, %swap3A_360, %swap3A_361], %div3A {strides = array<i32>} : memref<2x40x64xf32, #tpu.memory_space<vmem>>, vector<16xf32>,
        %add3A_363 = arith.constant 0 : i32
        %add3A_364 = arith.addi %mul3A_287, %add3A_363 : i32
        %get3A_365 = arith.constant 0 : i32
        %get3A_366 = arith.index_cast %get3A_365 : i32 to index
        %get3A_367 = arith.index_cast %add3A_364 : i32 to index
        %get3A_368 = arith.constant 16 : index
        %get3A_369 = tpu.vector_load %arg11[%get3A_366, %get3A_367, %get3A_368] {strides = array<i32>} : memref<2x40x64xi32, #tpu.memory_space<vmem>>, vector<16xi32>,
        %add3A_370 = arith.constant 0 : i32
        %add3A_371 = arith.addi %mul3A_287, %add3A_370 : i32
        %get3A_372 = arith.constant 0 : i32
        %get3A_373 = arith.index_cast %get3A_372 : i32 to index
        %get3A_374 = arith.index_cast %add3A_371 : i32 to index
        %get3A_375 = arith.constant 16 : index
        %get3A_376 = tpu.vector_load %arg12[%get3A_373, %get3A_374, %get3A_375] {strides = array<i32>} : memref<2x40x64xi32, #tpu.memory_space<vmem>>, vector<16xi32>,
        %get3A_377 = arith.constant 0 : i32
        %get3A_378 = arith.index_cast %get3A_377 : i32 to index
        %get3A_379 = arith.index_cast %add3A_285 : i32 to index
        %get3A_380 = arith.constant 16 : index
        %get3A_381 = tpu.vector_load %arg13[%get3A_378, %get3A_379, %get3A_380] {strides = array<i32>} : memref<2x20x128xi32, #tpu.memory_space<vmem>>, vector<16xi32>,
        %shift_left3A_382 = arith.constant 16 : i32
        %shift_left3A_383 = vector.broadcast %shift_left3A_382 : i32 to vector<16xi32>
        %shift_left3A_384 = arith.shli %get3A_369, %shift_left3A_383 : vector<16xi32>
        %bitcast3A_385 = vector.bitcast %shift_left3A_384 : vector<16xi32> to vector<16xf32>
        %shift_left3A_386 = arith.constant 16 : i32
        %shift_left3A_387 = vector.broadcast %shift_left3A_386 : i32 to vector<16xi32>
        %shift_left3A_388 = arith.shli %get3A_376, %shift_left3A_387 : vector<16xi32>
        %bitcast3A_389 = vector.bitcast %shift_left3A_388 : vector<16xi32> to vector<16xf32>
        %add3A_390 = arith.addf %bitcast3A_385, %bitcast3A_389 : vector<16xf32>
        %shift_left3A_391 = arith.constant 16 : i32
        %shift_left3A_392 = vector.broadcast %shift_left3A_391 : i32 to vector<16xi32>
        %shift_left3A_393 = arith.shli %get3A_381, %shift_left3A_392 : vector<16xi32>
        %bitcast3A_394 = vector.bitcast %shift_left3A_393 : vector<16xi32> to vector<16xf32>
        %add3A_395 = arith.addf %add3A_390, %bitcast3A_394 : vector<16xf32>
        %and3A_396 = arith.constant -65536 : i32
        %and3A_397 = vector.broadcast %and3A_396 : i32 to vector<16xi32>
        %and3A_398 = arith.andi %get3A_369, %and3A_397 : vector<16xi32>
        %bitcast3A_399 = vector.bitcast %and3A_398 : vector<16xi32> to vector<16xf32>
        %and3A_400 = arith.constant -65536 : i32
        %and3A_401 = vector.broadcast %and3A_400 : i32 to vector<16xi32>
        %and3A_402 = arith.andi %get3A_376, %and3A_401 : vector<16xi32>
        %bitcast3A_403 = vector.bitcast %and3A_402 : vector<16xi32> to vector<16xf32>
        %add3A_404 = arith.addf %bitcast3A_399, %bitcast3A_403 : vector<16xf32>
        %and3A_405 = arith.constant -65536 : i32
        %and3A_406 = vector.broadcast %and3A_405 : i32 to vector<16xi32>
        %and3A_407 = arith.andi %get3A_381, %and3A_406 : vector<16xi32>
        %bitcast3A_408 = vector.bitcast %and3A_407 : vector<16xi32> to vector<16xf32>
        %add3A_409 = arith.addf %add3A_404, %bitcast3A_408 : vector<16xf32>
        %exp3A_410 = math.exp %add3A_395 : vector<16xf32>
        %add3A_411 = arith.constant 1.000000e+00 : f32
        %add3A_412 = vector.broadcast %add3A_411 : f32 to vector<16xf32>
        %add3A_413 = arith.addf %exp3A_410, %add3A_412 : vector<16xf32>
        %abs3A_414 = math.absf %add3A_409 : vector<16xf32>
        %neg3A_415 = arith.constant 0.000000e+00 : f32
        %neg3A_416 = vector.broadcast %neg3A_415 : f32 to vector<16xf32>
        %neg3A_417 = arith.subf %neg3A_416, %abs3A_414 : vector<16xf32>
        %exp3A_418 = math.exp %neg3A_417 : vector<16xf32>
        %mul3A_419 = arith.mulf %exp3A_418, %exp3A_418 : vector<16xf32>
        %mul3A_420 = arith.constant -0.469774395 : f32
        %mul3A_421 = vector.broadcast %mul3A_420 : f32 to vector<16xf32>
        %mul3A_422 = arith.mulf %mul3A_421, %exp3A_418 : vector<16xf32>
        %add3A_423 = arith.constant 0.997187674 : f32
        %add3A_424 = vector.broadcast %add3A_423 : f32 to vector<16xf32>
        %add3A_425 = arith.addf %add3A_424, %mul3A_422 : vector<16xf32>
        %mul3A_426 = arith.constant -0.0574329607 : f32
        %mul3A_427 = vector.broadcast %mul3A_426 : f32 to vector<16xf32>
        %mul3A_428 = arith.mulf %mul3A_427, %exp3A_418 : vector<16xf32>
        %add3A_429 = arith.constant 0.223107144 : f32
        %add3A_430 = vector.broadcast %add3A_429 : f32 to vector<16xf32>
        %add3A_431 = arith.addf %add3A_430, %mul3A_428 : vector<16xf32>
        %mul3A_432 = arith.mulf %mul3A_419, %add3A_431 : vector<16xf32>
        %add3A_433 = arith.addf %add3A_425, %mul3A_432 : vector<16xf32>
        %mul3A_434 = arith.mulf %exp3A_418, %add3A_433 : vector<16xf32>
        %max3A_435 = arith.constant 0.000000e+00 : f32
        %max3A_436 = vector.broadcast %max3A_435 : f32 to vector<16xf32>
        %max3A_437 = arith.maximumf %add3A_409, %max3A_436 : vector<16xf32>
        %add3A_438 = arith.addf %max3A_437, %mul3A_434 : vector<16xf32>
        %div3A_439 = arith.divf %add3A_438, %add3A_413 : vector<16xf32>
        %add3A_440 = arith.constant 0 : i32
        %add3A_441 = arith.addi %mul3A_287, %add3A_440 : i32
        %swap3A_442 = arith.constant 0 : i32
        %swap3A_443 = arith.index_cast %swap3A_442 : i32 to index
        %swap3A_444 = arith.index_cast %add3A_441 : i32 to index
        %swap3A_445 = arith.constant 16 : index
        %swap3A_446 = tpu.vector_load %arg14[%swap3A_443, %swap3A_444, %swap3A_445] {strides = array<i32>} : memref<2x40x64xf32, #tpu.memory_space<vmem>>, vector<16xf32>,
        tpu.vector_store %arg14[%swap3A_443, %swap3A_444, %swap3A_445], %div3A_439 {strides = array<i32>} : memref<2x40x64xf32, #tpu.memory_space<vmem>>, vector<16xf32>,
        %add3A_447 = arith.constant 0 : i32
        %add3A_448 = arith.addi %mul3A_287, %add3A_447 : i32
        %get3A_449 = arith.constant 0 : i32
        %get3A_450 = arith.index_cast %get3A_449 : i32 to index
        %get3A_451 = arith.index_cast %add3A_448 : i32 to index
        %get3A_452 = arith.constant 32 : index
        %get3A_453 = tpu.vector_load %arg11[%get3A_450, %get3A_451, %get3A_452] {strides = array<i32>} : memref<2x40x64xi32, #tpu.memory_space<vmem>>, vector<16xi32>,
        %add3A_454 = arith.constant 0 : i32
        %add3A_455 = arith.addi %mul3A_287, %add3A_454 : i32
        %get3A_456 = arith.constant 0 : i32
        %get3A_457 = arith.index_cast %get3A_456 : i32 to index
        %get3A_458 = arith.index_cast %add3A_455 : i32 to index
        %get3A_459 = arith.constant 32 : index
        %get3A_460 = tpu.vector_load %arg12[%get3A_457, %get3A_458, %get3A_459] {strides = array<i32>} : memref<2x40x64xi32, #tpu.memory_space<vmem>>, vector<16xi32>,
        %get3A_461 = arith.constant 0 : i32
        %get3A_462 = arith.index_cast %get3A_461 : i32 to index
        %get3A_463 = arith.index_cast %add3A_285 : i32 to index
        %get3A_464 = arith.constant 32 : index
        %get3A_465 = tpu.vector_load %arg13[%get3A_462, %get3A_463, %get3A_464] {strides = array<i32>} : memref<2x20x128xi32, #tpu.memory_space<vmem>>, vector<16xi32>,
        %shift_left3A_466 = arith.constant 16 : i32
        %shift_left3A_467 = vector.broadcast %shift_left3A_466 : i32 to vector<16xi32>
        %shift_left3A_468 = arith.shli %get3A_453, %shift_left3A_467 : vector<16xi32>
        %bitcast3A_469 = vector.bitcast %shift_left3A_468 : vector<16xi32> to vector<16xf32>
        %shift_left3A_470 = arith.constant 16 : i32
        %shift_left3A_471 = vector.broadcast %shift_left3A_470 : i32 to vector<16xi32>
        %shift_left3A_472 = arith.shli %get3A_460, %shift_left3A_471 : vector<16xi32>
        %bitcast3A_473 = vector.bitcast %shift_left3A_472 : vector<16xi32> to vector<16xf32>
        %add3A_474 = arith.addf %bitcast3A_469, %bitcast3A_473 : vector<16xf32>
        %shift_left3A_475 = arith.constant 16 : i32
        %shift_left3A_476 = vector.broadcast %shift_left3A_475 : i32 to vector<16xi32>
        %shift_left3A_477 = arith.shli %get3A_465, %shift_left3A_476 : vector<16xi32>
        %bitcast3A_478 = vector.bitcast %shift_left3A_477 : vector<16xi32> to vector<16xf32>
        %add3A_479 = arith.addf %add3A_474, %bitcast3A_478 : vector<16xf32>
        %and3A_480 = arith.constant -65536 : i32
        %and3A_481 = vector.broadcast %and3A_480 : i32 to vector<16xi32>
        %and3A_482 = arith.andi %get3A_453, %and3A_481 : vector<16xi32>
        %bitcast3A_483 = vector.bitcast %and3A_482 : vector<16xi32> to vector<16xf32>
        %and3A_484 = arith.constant -65536 : i32
        %and3A_485 = vector.broadcast %and3A_484 : i32 to vector<16xi32>
        %and3A_486 = arith.andi %get3A_460, %and3A_485 : vector<16xi32>
        %bitcast3A_487 = vector.bitcast %and3A_486 : vector<16xi32> to vector<16xf32>
        %add3A_488 = arith.addf %bitcast3A_483, %bitcast3A_487 : vector<16xf32>
        %and3A_489 = arith.constant -65536 : i32
        %and3A_490 = vector.broadcast %and3A_489 : i32 to vector<16xi32>
        %and3A_491 = arith.andi %get3A_465, %and3A_490 : vector<16xi32>
        %bitcast3A_492 = vector.bitcast %and3A_491 : vector<16xi32> to vector<16xf32>
        %add3A_493 = arith.addf %add3A_488, %bitcast3A_492 : vector<16xf32>
        %exp3A_494 = math.exp %add3A_479 : vector<16xf32>
        %add3A_495 = arith.constant 1.000000e+00 : f32
        %add3A_496 = vector.broadcast %add3A_495 : f32 to vector<16xf32>
        %add3A_497 = arith.addf %exp3A_494, %add3A_496 : vector<16xf32>
        %abs3A_498 = math.absf %add3A_493 : vector<16xf32>
        %neg3A_499 = arith.constant 0.000000e+00 : f32
        %neg3A_500 = vector.broadcast %neg3A_499 : f32 to vector<16xf32>
        %neg3A_501 = arith.subf %neg3A_500, %abs3A_498 : vector<16xf32>
        %exp3A_502 = math.exp %neg3A_501 : vector<16xf32>
        %mul3A_503 = arith.mulf %exp3A_502, %exp3A_502 : vector<16xf32>
        %mul3A_504 = arith.constant -0.469774395 : f32
        %mul3A_505 = vector.broadcast %mul3A_504 : f32 to vector<16xf32>
        %mul3A_506 = arith.mulf %mul3A_505, %exp3A_502 : vector<16xf32>
        %add3A_507 = arith.constant 0.997187674 : f32
        %add3A_508 = vector.broadcast %add3A_507 : f32 to vector<16xf32>
        %add3A_509 = arith.addf %add3A_508, %mul3A_506 : vector<16xf32>
        %mul3A_510 = arith.constant -0.0574329607 : f32
        %mul3A_511 = vector.broadcast %mul3A_510 : f32 to vector<16xf32>
        %mul3A_512 = arith.mulf %mul3A_511, %exp3A_502 : vector<16xf32>
        %add3A_513 = arith.constant 0.223107144 : f32
        %add3A_514 = vector.broadcast %add3A_513 : f32 to vector<16xf32>
        %add3A_515 = arith.addf %add3A_514, %mul3A_512 : vector<16xf32>
        %mul3A_516 = arith.mulf %mul3A_503, %add3A_515 : vector<16xf32>
        %add3A_517 = arith.addf %add3A_509, %mul3A_516 : vector<16xf32>
        %mul3A_518 = arith.mulf %exp3A_502, %add3A_517 : vector<16xf32>
        %max3A_519 = arith.constant 0.000000e+00 : f32
        %max3A_520 = vector.broadcast %max3A_519 : f32 to vector<16xf32>
        %max3A_521 = arith.maximumf %add3A_493, %max3A_520 : vector<16xf32>
        %add3A_522 = arith.addf %max3A_521, %mul3A_518 : vector<16xf32>
        %div3A_523 = arith.divf %add3A_522, %add3A_497 : vector<16xf32>
        %add3A_524 = arith.constant 0 : i32
        %add3A_525 = arith.addi %mul3A_287, %add3A_524 : i32
        %swap3A_526 = arith.constant 0 : i32
        %swap3A_527 = arith.index_cast %swap3A_526 : i32 to index
        %swap3A_528 = arith.index_cast %add3A_525 : i32 to index
        %swap3A_529 = arith.constant 32 : index
        %swap3A_530 = tpu.vector_load %arg14[%swap3A_527, %swap3A_528, %swap3A_529] {strides = array<i32>} : memref<2x40x64xf32, #tpu.memory_space<vmem>>, vector<16xf32>,
        tpu.vector_store %arg14[%swap3A_527, %swap3A_528, %swap3A_529], %div3A_523 {strides = array<i32>} : memref<2x40x64xf32, #tpu.memory_space<vmem>>, vector<16xf32>,
        %add3A_531 = arith.constant 0 : i32
        %add3A_532 = arith.addi %mul3A_287, %add3A_531 : i32
        %get3A_533 = arith.constant 0 : i32
        %get3A_534 = arith.index_cast %get3A_533 : i32 to index
        %get3A_535 = arith.index_cast %add3A_532 : i32 to index
        %get3A_536 = arith.constant 48 : index
        %get3A_537 = tpu.vector_load %arg11[%get3A_534, %get3A_535, %get3A_536] {strides = array<i32>} : memref<2x40x64xi32, #tpu.memory_space<vmem>>, vector<16xi32>,
        %add3A_538 = arith.constant 0 : i32
        %add3A_539 = arith.addi %mul3A_287, %add3A_538 : i32
        %get3A_540 = arith.constant 0 : i32
        %get3A_541 = arith.index_cast %get3A_540 : i32 to index
        %get3A_542 = arith.index_cast %add3A_539 : i32 to index
        %get3A_543 = arith.constant 48 : index
        %get3A_544 = tpu.vector_load %arg12[%get3A_541, %get3A_542, %get3A_543] {strides = array<i32>} : memref<2x40x64xi32, #tpu.memory_space<vmem>>, vector<16xi32>,
        %get3A_545 = arith.constant 0 : i32
        %get3A_546 = arith.index_cast %get3A_545 : i32 to index
        %get3A_547 = arith.index_cast %add3A_285 : i32 to index
        %get3A_548 = arith.constant 48 : index
        %get3A_549 = tpu.vector_load %arg13[%get3A_546, %get3A_547, %get3A_548] {strides = array<i32>} : memref<2x20x128xi32, #tpu.memory_space<vmem>>, vector<16xi32>,
        %shift_left3A_550 = arith.constant 16 : i32
        %shift_left3A_551 = vector.broadcast %shift_left3A_550 : i32 to vector<16xi32>
        %shift_left3A_552 = arith.shli %get3A_537, %shift_left3A_551 : vector<16xi32>
        %bitcast3A_553 = vector.bitcast %shift_left3A_552 : vector<16xi32> to vector<16xf32>
        %shift_left3A_554 = arith.constant 16 : i32
        %shift_left3A_555 = vector.broadcast %shift_left3A_554 : i32 to vector<16xi32>
        %shift_left3A_556 = arith.shli %get3A_544, %shift_left3A_555 : vector<16xi32>
        %bitcast3A_557 = vector.bitcast %shift_left3A_556 : vector<16xi32> to vector<16xf32>
        %add3A_558 = arith.addf %bitcast3A_553, %bitcast3A_557 : vector<16xf32>
        %shift_left3A_559 = arith.constant 16 : i32
        %shift_left3A_560 = vector.broadcast %shift_left3A_559 : i32 to vector<16xi32>
        %shift_left3A_561 = arith.shli %get3A_549, %shift_left3A_560 : vector<16xi32>
        %bitcast3A_562 = vector.bitcast %shift_left3A_561 : vector<16xi32> to vector<16xf32>
        %add3A_563 = arith.addf %add3A_558, %bitcast3A_562 : vector<16xf32>
        %and3A_564 = arith.constant -65536 : i32
        %and3A_565 = vector.broadcast %and3A_564 : i32 to vector<16xi32>
        %and3A_566 = arith.andi %get3A_537, %and3A_565 : vector<16xi32>
        %bitcast3A_567 = vector.bitcast %and3A_566 : vector<16xi32> to vector<16xf32>
        %and3A_568 = arith.constant -65536 : i32
        %and3A_569 = vector.broadcast %and3A_568 : i32 to vector<16xi32>
        %and3A_570 = arith.andi %get3A_544, %and3A_569 : vector<16xi32>
        %bitcast3A_571 = vector.bitcast %and3A_570 : vector<16xi32> to vector<16xf32>
        %add3A_572 = arith.addf %bitcast3A_567, %bitcast3A_571 : vector<16xf32>
        %and3A_573 = arith.constant -65536 : i32
        %and3A_574 = vector.broadcast %and3A_573 : i32 to vector<16xi32>
        %and3A_575 = arith.andi %get3A_549, %and3A_574 : vector<16xi32>
        %bitcast3A_576 = vector.bitcast %and3A_575 : vector<16xi32> to vector<16xf32>
        %add3A_577 = arith.addf %add3A_572, %bitcast3A_576 : vector<16xf32>
        %exp3A_578 = math.exp %add3A_563 : vector<16xf32>
        %add3A_579 = arith.constant 1.000000e+00 : f32
        %add3A_580 = vector.broadcast %add3A_579 : f32 to vector<16xf32>
        %add3A_581 = arith.addf %exp3A_578, %add3A_580 : vector<16xf32>
        %abs3A_582 = math.absf %add3A_577 : vector<16xf32>
        %neg3A_583 = arith.constant 0.000000e+00 : f32
        %neg3A_584 = vector.broadcast %neg3A_583 : f32 to vector<16xf32>
        %neg3A_585 = arith.subf %neg3A_584, %abs3A_582 : vector<16xf32>
        %exp3A_586 = math.exp %neg3A_585 : vector<16xf32>
        %mul3A_587 = arith.mulf %exp3A_586, %exp3A_586 : vector<16xf32>
        %mul3A_588 = arith.constant -0.469774395 : f32
        %mul3A_589 = vector.broadcast %mul3A_588 : f32 to vector<16xf32>
        %mul3A_590 = arith.mulf %mul3A_589, %exp3A_586 : vector<16xf32>
        %add3A_591 = arith.constant 0.997187674 : f32
        %add3A_592 = vector.broadcast %add3A_591 : f32 to vector<16xf32>
        %add3A_593 = arith.addf %add3A_592, %mul3A_590 : vector<16xf32>
        %mul3A_594 = arith.constant -0.0574329607 : f32
        %mul3A_595 = vector.broadcast %mul3A_594 : f32 to vector<16xf32>
        %mul3A_596 = arith.mulf %mul3A_595, %exp3A_586 : vector<16xf32>
        %add3A_597 = arith.constant 0.223107144 : f32
        %add3A_598 = vector.broadcast %add3A_597 : f32 to vector<16xf32>
        %add3A_599 = arith.addf %add3A_598, %mul3A_596 : vector<16xf32>
        %mul3A_600 = arith.mulf %mul3A_587, %add3A_599 : vector<16xf32>
        %add3A_601 = arith.addf %add3A_593, %mul3A_600 : vector<16xf32>
        %mul3A_602 = arith.mulf %exp3A_586, %add3A_601 : vector<16xf32>
        %max3A_603 = arith.constant 0.000000e+00 : f32
        %max3A_604 = vector.broadcast %max3A_603 : f32 to vector<16xf32>
        %max3A_605 = arith.maximumf %add3A_577, %max3A_604 : vector<16xf32>
        %add3A_606 = arith.addf %max3A_605, %mul3A_602 : vector<16xf32>
        %div3A_607 = arith.divf %add3A_606, %add3A_581 : vector<16xf32>
        %add3A_608 = arith.constant 0 : i32
        %add3A_609 = arith.addi %mul3A_287, %add3A_608 : i32
        %swap3A_610 = arith.constant 0 : i32
        %swap3A_611 = arith.index_cast %swap3A_610 : i32 to index
        %swap3A_612 = arith.index_cast %add3A_609 : i32 to index
        %swap3A_613 = arith.constant 48 : index
        %swap3A_614 = tpu.vector_load %arg14[%swap3A_611, %swap3A_612, %swap3A_613] {strides = array<i32>} : memref<2x40x64xf32, #tpu.memory_space<vmem>>, vector<16xf32>,
        tpu.vector_store %arg14[%swap3A_611, %swap3A_612, %swap3A_613], %div3A_607 {strides = array<i32>} : memref<2x40x64xf32, #tpu.memory_space<vmem>>, vector<16xf32>,
        %add3A_615 = arith.constant 1 : i32
        %add3A_616 = arith.addi %mul3A_287, %add3A_615 : i32
        %get3A_617 = arith.constant 0 : i32
        %get3A_618 = arith.index_cast %get3A_617 : i32 to index
        %get3A_619 = arith.index_cast %add3A_616 : i32 to index
        %get3A_620 = arith.constant 0 : index
        %get3A_621 = tpu.vector_load %arg11[%get3A_618, %get3A_619, %get3A_620] {strides = array<i32>} : memref<2x40x64xi32, #tpu.memory_space<vmem>>, vector<16xi32>,
        %add3A_622 = arith.constant 1 : i32
        %add3A_623 = arith.addi %mul3A_287, %add3A_622 : i32
        %get3A_624 = arith.constant 0 : i32
        %get3A_625 = arith.index_cast %get3A_624 : i32 to index
        %get3A_626 = arith.index_cast %add3A_623 : i32 to index
        %get3A_627 = arith.constant 0 : index
        %get3A_628 = tpu.vector_load %arg12[%get3A_625, %get3A_626, %get3A_627] {strides = array<i32>} : memref<2x40x64xi32, #tpu.memory_space<vmem>>, vector<16xi32>,
        %get3A_629 = arith.constant 0 : i32
        %get3A_630 = arith.index_cast %get3A_629 : i32 to index
        %get3A_631 = arith.index_cast %add3A_285 : i32 to index
        %get3A_632 = arith.constant 64 : index
        %get3A_633 = tpu.vector_load %arg13[%get3A_630, %get3A_631, %get3A_632] {strides = array<i32>} : memref<2x20x128xi32, #tpu.memory_space<vmem>>, vector<16xi32>,
        %shift_left3A_634 = arith.constant 16 : i32
        %shift_left3A_635 = vector.broadcast %shift_left3A_634 : i32 to vector<16xi32>
        %shift_left3A_636 = arith.shli %get3A_621, %shift_left3A_635 : vector<16xi32>
        %bitcast3A_637 = vector.bitcast %shift_left3A_636 : vector<16xi32> to vector<16xf32>
        %shift_left3A_638 = arith.constant 16 : i32
        %shift_left3A_639 = vector.broadcast %shift_left3A_638 : i32 to vector<16xi32>
        %shift_left3A_640 = arith.shli %get3A_628, %shift_left3A_639 : vector<16xi32>
        %bitcast3A_641 = vector.bitcast %shift_left3A_640 : vector<16xi32> to vector<16xf32>
        %add3A_642 = arith.addf %bitcast3A_637, %bitcast3A_641 : vector<16xf32>
        %shift_left3A_643 = arith.constant 16 : i32
        %shift_left3A_644 = vector.broadcast %shift_left3A_643 : i32 to vector<16xi32>
        %shift_left3A_645 = arith.shli %get3A_633, %shift_left3A_644 : vector<16xi32>
        %bitcast3A_646 = vector.bitcast %shift_left3A_645 : vector<16xi32> to vector<16xf32>
        %add3A_647 = arith.addf %add3A_642, %bitcast3A_646 : vector<16xf32>
        %and3A_648 = arith.constant -65536 : i32
        %and3A_649 = vector.broadcast %and3A_648 : i32 to vector<16xi32>
        %and3A_650 = arith.andi %get3A_621, %and3A_649 : vector<16xi32>
        %bitcast3A_651 = vector.bitcast %and3A_650 : vector<16xi32> to vector<16xf32>
        %and3A_652 = arith.constant -65536 : i32
        %and3A_653 = vector.broadcast %and3A_652 : i32 to vector<16xi32>
        %and3A_654 = arith.andi %get3A_628, %and3A_653 : vector<16xi32>
        %bitcast3A_655 = vector.bitcast %and3A_654 : vector<16xi32> to vector<16xf32>
        %add3A_656 = arith.addf %bitcast3A_651, %bitcast3A_655 : vector<16xf32>
        %and3A_657 = arith.constant -65536 : i32
        %and3A_658 = vector.broadcast %and3A_657 : i32 to vector<16xi32>
        %and3A_659 = arith.andi %get3A_633, %and3A_658 : vector<16xi32>
        %bitcast3A_660 = vector.bitcast %and3A_659 : vector<16xi32> to vector<16xf32>
        %add3A_661 = arith.addf %add3A_656, %bitcast3A_660 : vector<16xf32>
        %exp3A_662 = math.exp %add3A_647 : vector<16xf32>
        %add3A_663 = arith.constant 1.000000e+00 : f32
        %add3A_664 = vector.broadcast %add3A_663 : f32 to vector<16xf32>
        %add3A_665 = arith.addf %exp3A_662, %add3A_664 : vector<16xf32>
        %abs3A_666 = math.absf %add3A_661 : vector<16xf32>
        %neg3A_667 = arith.constant 0.000000e+00 : f32
        %neg3A_668 = vector.broadcast %neg3A_667 : f32 to vector<16xf32>
        %neg3A_669 = arith.subf %neg3A_668, %abs3A_666 : vector<16xf32>
        %exp3A_670 = math.exp %neg3A_669 : vector<16xf32>
        %mul3A_671 = arith.mulf %exp3A_670, %exp3A_670 : vector<16xf32>
        %mul3A_672 = arith.constant -0.469774395 : f32
        %mul3A_673 = vector.broadcast %mul3A_672 : f32 to vector<16xf32>
        %mul3A_674 = arith.mulf %mul3A_673, %exp3A_670 : vector<16xf32>
        %add3A_675 = arith.constant 0.997187674 : f32
        %add3A_676 = vector.broadcast %add3A_675 : f32 to vector<16xf32>
        %add3A_677 = arith.addf %add3A_676, %mul3A_674 : vector<16xf32>
        %mul3A_678 = arith.constant -0.0574329607 : f32
        %mul3A_679 = vector.broadcast %mul3A_678 : f32 to vector<16xf32>
        %mul3A_680 = arith.mulf %mul3A_679, %exp3A_670 : vector<16xf32>
        %add3A_681 = arith.constant 0.223107144 : f32
        %add3A_682 = vector.broadcast %add3A_681 : f32 to vector<16xf32>
        %add3A_683 = arith.addf %add3A_682, %mul3A_680 : vector<16xf32>
        %mul3A_684 = arith.mulf %mul3A_671, %add3A_683 : vector<16xf32>
        %add3A_685 = arith.addf %add3A_677, %mul3A_684 : vector<16xf32>
        %mul3A_686 = arith.mulf %exp3A_670, %add3A_685 : vector<16xf32>
        %max3A_687 = arith.constant 0.000000e+00 : f32
        %max3A_688 = vector.broadcast %max3A_687 : f32 to vector<16xf32>
        %max3A_689 = arith.maximumf %add3A_661, %max3A_688 : vector<16xf32>
        %add3A_690 = arith.addf %max3A_689, %mul3A_686 : vector<16xf32>
        %div3A_691 = arith.divf %add3A_690, %add3A_665 : vector<16xf32>
        %add3A_692 = arith.constant 1 : i32
        %add3A_693 = arith.addi %mul3A_287, %add3A_692 : i32
        %swap3A_694 = arith.constant 0 : i32
        %swap3A_695 = arith.index_cast %swap3A_694 : i32 to index
        %swap3A_696 = arith.index_cast %add3A_693 : i32 to index
        %swap3A_697 = arith.constant 0 : index
        %swap3A_698 = tpu.vector_load %arg14[%swap3A_695, %swap3A_696, %swap3A_697] {strides = array<i32>} : memref<2x40x64xf32, #tpu.memory_space<vmem>>, vector<16xf32>,
        tpu.vector_store %arg14[%swap3A_695, %swap3A_696, %swap3A_697], %div3A_691 {strides = array<i32>} : memref<2x40x64xf32, #tpu.memory_space<vmem>>, vector<16xf32>,
        %add3A_699 = arith.constant 1 : i32
        %add3A_700 = arith.addi %mul3A_287, %add3A_699 : i32
        %get3A_701 = arith.constant 0 : i32
        %get3A_702 = arith.index_cast %get3A_701 : i32 to index
        %get3A_703 = arith.index_cast %add3A_700 : i32 to index
        %get3A_704 = arith.constant 16 : index
        %get3A_705 = tpu.vector_load %arg11[%get3A_702, %get3A_703, %get3A_704] {strides = array<i32>} : memref<2x40x64xi32, #tpu.memory_space<vmem>>, vector<16xi32>,
        %add3A_706 = arith.constant 1 : i32
        %add3A_707 = arith.addi %mul3A_287, %add3A_706 : i32
        %get3A_708 = arith.constant 0 : i32
        %get3A_709 = arith.index_cast %get3A_708 : i32 to index
        %get3A_710 = arith.index_cast %add3A_707 : i32 to index
        %get3A_711 = arith.constant 16 : index
        %get3A_712 = tpu.vector_load %arg12[%get3A_709, %get3A_710, %get3A_711] {strides = array<i32>} : memref<2x40x64xi32, #tpu.memory_space<vmem>>, vector<16xi32>,
        %get3A_713 = arith.constant 0 : i32
        %get3A_714 = arith.index_cast %get3A_713 : i32 to index
        %get3A_715 = arith.index_cast %add3A_285 : i32 to index
        %get3A_716 = arith.constant 80 : index
        %get3A_717 = tpu.vector_load %arg13[%get3A_714, %get3A_715, %get3A_716] {strides = array<i32>} : memref<2x20x128xi32, #tpu.memory_space<vmem>>, vector<16xi32>,
        %shift_left3A_718 = arith.constant 16 : i32
        %shift_left3A_719 = vector.broadcast %shift_left3A_718 : i32 to vector<16xi32>
        %shift_left3A_720 = arith.shli %get3A_705, %shift_left3A_719 : vector<16xi32>
        %bitcast3A_721 = vector.bitcast %shift_left3A_720 : vector<16xi32> to vector<16xf32>
        %shift_left3A_722 = arith.constant 16 : i32
        %shift_left3A_723 = vector.broadcast %shift_left3A_722 : i32 to vector<16xi32>
        %shift_left3A_724 = arith.shli %get3A_712, %shift_left3A_723 : vector<16xi32>
        %bitcast3A_725 = vector.bitcast %shift_left3A_724 : vector<16xi32> to vector<16xf32>
        %add3A_726 = arith.addf %bitcast3A_721, %bitcast3A_725 : vector<16xf32>
        %shift_left3A_727 = arith.constant 16 : i32
        %shift_left3A_728 = vector.broadcast %shift_left3A_727 : i32 to vector<16xi32>
        %shift_left3A_729 = arith.shli %get3A_717, %shift_left3A_728 : vector<16xi32>
        %bitcast3A_730 = vector.bitcast %shift_left3A_729 : vector<16xi32> to vector<16xf32>
        %add3A_731 = arith.addf %add3A_726, %bitcast3A_730 : vector<16xf32>
        %and3A_732 = arith.constant -65536 : i32
        %and3A_733 = vector.broadcast %and3A_732 : i32 to vector<16xi32>
        %and3A_734 = arith.andi %get3A_705, %and3A_733 : vector<16xi32>
        %bitcast3A_735 = vector.bitcast %and3A_734 : vector<16xi32> to vector<16xf32>
        %and3A_736 = arith.constant -65536 : i32
        %and3A_737 = vector.broadcast %and3A_736 : i32 to vector<16xi32>
        %and3A_738 = arith.andi %get3A_712, %and3A_737 : vector<16xi32>
        %bitcast3A_739 = vector.bitcast %and3A_738 : vector<16xi32> to vector<16xf32>
        %add3A_740 = arith.addf %bitcast3A_735, %bitcast3A_739 : vector<16xf32>
        %and3A_741 = arith.constant -65536 : i32
        %and3A_742 = vector.broadcast %and3A_741 : i32 to vector<16xi32>
        %and3A_743 = arith.andi %get3A_717, %and3A_742 : vector<16xi32>
        %bitcast3A_744 = vector.bitcast %and3A_743 : vector<16xi32> to vector<16xf32>
        %add3A_745 = arith.addf %add3A_740, %bitcast3A_744 : vector<16xf32>
        %exp3A_746 = math.exp %add3A_731 : vector<16xf32>
        %add3A_747 = arith.constant 1.000000e+00 : f32
        %add3A_748 = vector.broadcast %add3A_747 : f32 to vector<16xf32>
        %add3A_749 = arith.addf %exp3A_746, %add3A_748 : vector<16xf32>
        %abs3A_750 = math.absf %add3A_745 : vector<16xf32>
        %neg3A_751 = arith.constant 0.000000e+00 : f32
        %neg3A_752 = vector.broadcast %neg3A_751 : f32 to vector<16xf32>
        %neg3A_753 = arith.subf %neg3A_752, %abs3A_750 : vector<16xf32>
        %exp3A_754 = math.exp %neg3A_753 : vector<16xf32>
        %mul3A_755 = arith.mulf %exp3A_754, %exp3A_754 : vector<16xf32>
        %mul3A_756 = arith.constant -0.469774395 : f32
        %mul3A_757 = vector.broadcast %mul3A_756 : f32 to vector<16xf32>
        %mul3A_758 = arith.mulf %mul3A_757, %exp3A_754 : vector<16xf32>
        %add3A_759 = arith.constant 0.997187674 : f32
        %add3A_760 = vector.broadcast %add3A_759 : f32 to vector<16xf32>
        %add3A_761 = arith.addf %add3A_760, %mul3A_758 : vector<16xf32>
        %mul3A_762 = arith.constant -0.0574329607 : f32
        %mul3A_763 = vector.broadcast %mul3A_762 : f32 to vector<16xf32>
        %mul3A_764 = arith.mulf %mul3A_763, %exp3A_754 : vector<16xf32>
        %add3A_765 = arith.constant 0.223107144 : f32
        %add3A_766 = vector.broadcast %add3A_765 : f32 to vector<16xf32>
        %add3A_767 = arith.addf %add3A_766, %mul3A_764 : vector<16xf32>
        %mul3A_768 = arith.mulf %mul3A_755, %add3A_767 : vector<16xf32>
        %add3A_769 = arith.addf %add3A_761, %mul3A_768 : vector<16xf32>
        %mul3A_770 = arith.mulf %exp3A_754, %add3A_769 : vector<16xf32>
        %max3A_771 = arith.constant 0.000000e+00 : f32
        %max3A_772 = vector.broadcast %max3A_771 : f32 to vector<16xf32>
        %max3A_773 = arith.maximumf %add3A_745, %max3A_772 : vector<16xf32>
        %add3A_774 = arith.addf %max3A_773, %mul3A_770 : vector<16xf32>
        %div3A_775 = arith.divf %add3A_774, %add3A_749 : vector<16xf32>
        %add3A_776 = arith.constant 1 : i32
        %add3A_777 = arith.addi %mul3A_287, %add3A_776 : i32
        %swap3A_778 = arith.constant 0 : i32
        %swap3A_779 = arith.index_cast %swap3A_778 : i32 to index
        %swap3A_780 = arith.index_cast %add3A_777 : i32 to index
        %swap3A_781 = arith.constant 16 : index
        %swap3A_782 = tpu.vector_load %arg14[%swap3A_779, %swap3A_780, %swap3A_781] {strides = array<i32>} : memref<2x40x64xf32, #tpu.memory_space<vmem>>, vector<16xf32>,
        tpu.vector_store %arg14[%swap3A_779, %swap3A_780, %swap3A_781], %div3A_775 {strides = array<i32>} : memref<2x40x64xf32, #tpu.memory_space<vmem>>, vector<16xf32>,
        %add3A_783 = arith.constant 1 : i32
        %add3A_784 = arith.addi %mul3A_287, %add3A_783 : i32
        %get3A_785 = arith.constant 0 : i32
        %get3A_786 = arith.index_cast %get3A_785 : i32 to index
        %get3A_787 = arith.index_cast %add3A_784 : i32 to index
        %get3A_788 = arith.constant 32 : index
        %get3A_789 = tpu.vector_load %arg11[%get3A_786, %get3A_787, %get3A_788] {strides = array<i32>} : memref<2x40x64xi32, #tpu.memory_space<vmem>>, vector<16xi32>,
        %add3A_790 = arith.constant 1 : i32
        %add3A_791 = arith.addi %mul3A_287, %add3A_790 : i32
        %get3A_792 = arith.constant 0 : i32
        %get3A_793 = arith.index_cast %get3A_792 : i32 to index
        %get3A_794 = arith.index_cast %add3A_791 : i32 to index
        %get3A_795 = arith.constant 32 : index
        %get3A_796 = tpu.vector_load %arg12[%get3A_793, %get3A_794, %get3A_795] {strides = array<i32>} : memref<2x40x64xi32, #tpu.memory_space<vmem>>, vector<16xi32>,
        %get3A_797 = arith.constant 0 : i32
        %get3A_798 = arith.index_cast %get3A_797 : i32 to index
        %get3A_799 = arith.index_cast %add3A_285 : i32 to index
        %get3A_800 = arith.constant 96 : index
        %get3A_801 = tpu.vector_load %arg13[%get3A_798, %get3A_799, %get3A_800] {strides = array<i32>} : memref<2x20x128xi32, #tpu.memory_space<vmem>>, vector<16xi32>,
        %shift_left3A_802 = arith.constant 16 : i32
        %shift_left3A_803 = vector.broadcast %shift_left3A_802 : i32 to vector<16xi32>
        %shift_left3A_804 = arith.shli %get3A_789, %shift_left3A_803 : vector<16xi32>
        %bitcast3A_805 = vector.bitcast %shift_left3A_804 : vector<16xi32> to vector<16xf32>
        %shift_left3A_806 = arith.constant 16 : i32
        %shift_left3A_807 = vector.broadcast %shift_left3A_806 : i32 to vector<16xi32>
        %shift_left3A_808 = arith.shli %get3A_796, %shift_left3A_807 : vector<16xi32>
        %bitcast3A_809 = vector.bitcast %shift_left3A_808 : vector<16xi32> to vector<16xf32>
        %add3A_810 = arith.addf %bitcast3A_805, %bitcast3A_809 : vector<16xf32>
        %shift_left3A_811 = arith.constant 16 : i32
        %shift_left3A_812 = vector.broadcast %shift_left3A_811 : i32 to vector<16xi32>
        %shift_left3A_813 = arith.shli %get3A_801, %shift_left3A_812 : vector<16xi32>
        %bitcast3A_814 = vector.bitcast %shift_left3A_813 : vector<16xi32> to vector<16xf32>
        %add3A_815 = arith.addf %add3A_810, %bitcast3A_814 : vector<16xf32>
        %and3A_816 = arith.constant -65536 : i32
        %and3A_817 = vector.broadcast %and3A_816 : i32 to vector<16xi32>
        %and3A_818 = arith.andi %get3A_789, %and3A_817 : vector<16xi32>
        %bitcast3A_819 = vector.bitcast %and3A_818 : vector<16xi32> to vector<16xf32>
        %and3A_820 = arith.constant -65536 : i32
        %and3A_821 = vector.broadcast %and3A_820 : i32 to vector<16xi32>
        %and3A_822 = arith.andi %get3A_796, %and3A_821 : vector<16xi32>
        %bitcast3A_823 = vector.bitcast %and3A_822 : vector<16xi32> to vector<16xf32>
        %add3A_824 = arith.addf %bitcast3A_819, %bitcast3A_823 : vector<16xf32>
        %and3A_825 = arith.constant -65536 : i32
        %and3A_826 = vector.broadcast %and3A_825 : i32 to vector<16xi32>
        %and3A_827 = arith.andi %get3A_801, %and3A_826 : vector<16xi32>
        %bitcast3A_828 = vector.bitcast %and3A_827 : vector<16xi32> to vector<16xf32>
        %add3A_829 = arith.addf %add3A_824, %bitcast3A_828 : vector<16xf32>
        %exp3A_830 = math.exp %add3A_815 : vector<16xf32>
        %add3A_831 = arith.constant 1.000000e+00 : f32
        %add3A_832 = vector.broadcast %add3A_831 : f32 to vector<16xf32>
        %add3A_833 = arith.addf %exp3A_830, %add3A_832 : vector<16xf32>
        %abs3A_834 = math.absf %add3A_829 : vector<16xf32>
        %neg3A_835 = arith.constant 0.000000e+00 : f32
        %neg3A_836 = vector.broadcast %neg3A_835 : f32 to vector<16xf32>
        %neg3A_837 = arith.subf %neg3A_836, %abs3A_834 : vector<16xf32>
        %exp3A_838 = math.exp %neg3A_837 : vector<16xf32>
        %mul3A_839 = arith.mulf %exp3A_838, %exp3A_838 : vector<16xf32>
        %mul3A_840 = arith.constant -0.469774395 : f32
        %mul3A_841 = vector.broadcast %mul3A_840 : f32 to vector<16xf32>
        %mul3A_842 = arith.mulf %mul3A_841, %exp3A_838 : vector<16xf32>
        %add3A_843 = arith.constant 0.997187674 : f32
        %add3A_844 = vector.broadcast %add3A_843 : f32 to vector<16xf32>
        %add3A_845 = arith.addf %add3A_844, %mul3A_842 : vector<16xf32>
        %mul3A_846 = arith.constant -0.0574329607 : f32
        %mul3A_847 = vector.broadcast %mul3A_846 : f32 to vector<16xf32>
        %mul3A_848 = arith.mulf %mul3A_847, %exp3A_838 : vector<16xf32>
        %add3A_849 = arith.constant 0.223107144 : f32
        %add3A_850 = vector.broadcast %add3A_849 : f32 to vector<16xf32>
        %add3A_851 = arith.addf %add3A_850, %mul3A_848 : vector<16xf32>
        %mul3A_852 = arith.mulf %mul3A_839, %add3A_851 : vector<16xf32>
        %add3A_853 = arith.addf %add3A_845, %mul3A_852 : vector<16xf32>
        %mul3A_854 = arith.mulf %exp3A_838, %add3A_853 : vector<16xf32>
        %max3A_855 = arith.constant 0.000000e+00 : f32
        %max3A_856 = vector.broadcast %max3A_855 : f32 to vector<16xf32>
        %max3A_857 = arith.maximumf %add3A_829, %max3A_856 : vector<16xf32>
        %add3A_858 = arith.addf %max3A_857, %mul3A_854 : vector<16xf32>
        %div3A_859 = arith.divf %add3A_858, %add3A_833 : vector<16xf32>
        %add3A_860 = arith.constant 1 : i32
        %add3A_861 = arith.addi %mul3A_287, %add3A_860 : i32
        %swap3A_862 = arith.constant 0 : i32
        %swap3A_863 = arith.index_cast %swap3A_862 : i32 to index
        %swap3A_864 = arith.index_cast %add3A_861 : i32 to index
        %swap3A_865 = arith.constant 32 : index
        %swap3A_866 = tpu.vector_load %arg14[%swap3A_863, %swap3A_864, %swap3A_865] {strides = array<i32>} : memref<2x40x64xf32, #tpu.memory_space<vmem>>, vector<16xf32>,
        tpu.vector_store %arg14[%swap3A_863, %swap3A_864, %swap3A_865], %div3A_859 {strides = array<i32>} : memref<2x40x64xf32, #tpu.memory_space<vmem>>, vector<16xf32>,
        %add3A_867 = arith.constant 1 : i32
        %add3A_868 = arith.addi %mul3A_287, %add3A_867 : i32
        %get3A_869 = arith.constant 0 : i32
        %get3A_870 = arith.index_cast %get3A_869 : i32 to index
        %get3A_871 = arith.index_cast %add3A_868 : i32 to index
        %get3A_872 = arith.constant 48 : index
        %get3A_873 = tpu.vector_load %arg11[%get3A_870, %get3A_871, %get3A_872] {strides = array<i32>} : memref<2x40x64xi32, #tpu.memory_space<vmem>>, vector<16xi32>,
        %add3A_874 = arith.constant 1 : i32
        %add3A_875 = arith.addi %mul3A_287, %add3A_874 : i32
        %get3A_876 = arith.constant 0 : i32
        %get3A_877 = arith.index_cast %get3A_876 : i32 to index
        %get3A_878 = arith.index_cast %add3A_875 : i32 to index
        %get3A_879 = arith.constant 48 : index
        %get3A_880 = tpu.vector_load %arg12[%get3A_877, %get3A_878, %get3A_879] {strides = array<i32>} : memref<2x40x64xi32, #tpu.memory_space<vmem>>, vector<16xi32>,
        %get3A_881 = arith.constant 0 : i32
        %get3A_882 = arith.index_cast %get3A_881 : i32 to index
        %get3A_883 = arith.index_cast %add3A_285 : i32 to index
        %get3A_884 = arith.constant 112 : index
        %get3A_885 = tpu.vector_load %arg13[%get3A_882, %get3A_883, %get3A_884] {strides = array<i32>} : memref<2x20x128xi32, #tpu.memory_space<vmem>>, vector<16xi32>,
        %shift_left3A_886 = arith.constant 16 : i32
        %shift_left3A_887 = vector.broadcast %shift_left3A_886 : i32 to vector<16xi32>
        %shift_left3A_888 = arith.shli %get3A_873, %shift_left3A_887 : vector<16xi32>
        %bitcast3A_889 = vector.bitcast %shift_left3A_888 : vector<16xi32> to vector<16xf32>
        %shift_left3A_890 = arith.constant 16 : i32
        %shift_left3A_891 = vector.broadcast %shift_left3A_890 : i32 to vector<16xi32>
        %shift_left3A_892 = arith.shli %get3A_880, %shift_left3A_891 : vector<16xi32>
        %bitcast3A_893 = vector.bitcast %shift_left3A_892 : vector<16xi32> to vector<16xf32>
        %add3A_894 = arith.addf %bitcast3A_889, %bitcast3A_893 : vector<16xf32>
        %shift_left3A_895 = arith.constant 16 : i32
        %shift_left3A_896 = vector.broadcast %shift_left3A_895 : i32 to vector<16xi32>
        %shift_left3A_897 = arith.shli %get3A_885, %shift_left3A_896 : vector<16xi32>
        %bitcast3A_898 = vector.bitcast %shift_left3A_897 : vector<16xi32> to vector<16xf32>
        %add3A_899 = arith.addf %add3A_894, %bitcast3A_898 : vector<16xf32>
        %and3A_900 = arith.constant -65536 : i32
        %and3A_901 = vector.broadcast %and3A_900 : i32 to vector<16xi32>
        %and3A_902 = arith.andi %get3A_873, %and3A_901 : vector<16xi32>
        %bitcast3A_903 = vector.bitcast %and3A_902 : vector<16xi32> to vector<16xf32>
        %and3A_904 = arith.constant -65536 : i32
        %and3A_905 = vector.broadcast %and3A_904 : i32 to vector<16xi32>
        %and3A_906 = arith.andi %get3A_880, %and3A_905 : vector<16xi32>
        %bitcast3A_907 = vector.bitcast %and3A_906 : vector<16xi32> to vector<16xf32>
        %add3A_908 = arith.addf %bitcast3A_903, %bitcast3A_907 : vector<16xf32>
        %and3A_909 = arith.constant -65536 : i32
        %and3A_910 = vector.broadcast %and3A_909 : i32 to vector<16xi32>
        %and3A_911 = arith.andi %get3A_885, %and3A_910 : vector<16xi32>
        %bitcast3A_912 = vector.bitcast %and3A_911 : vector<16xi32> to vector<16xf32>
        %add3A_913 = arith.addf %add3A_908, %bitcast3A_912 : vector<16xf32>
        %exp3A_914 = math.exp %add3A_899 : vector<16xf32>
        %add3A_915 = arith.constant 1.000000e+00 : f32
        %add3A_916 = vector.broadcast %add3A_915 : f32 to vector<16xf32>
        %add3A_917 = arith.addf %exp3A_914, %add3A_916 : vector<16xf32>
        %abs3A_918 = math.absf %add3A_913 : vector<16xf32>
        %neg3A_919 = arith.constant 0.000000e+00 : f32
        %neg3A_920 = vector.broadcast %neg3A_919 : f32 to vector<16xf32>
        %neg3A_921 = arith.subf %neg3A_920, %abs3A_918 : vector<16xf32>
        %exp3A_922 = math.exp %neg3A_921 : vector<16xf32>
        %mul3A_923 = arith.mulf %exp3A_922, %exp3A_922 : vector<16xf32>
        %mul3A_924 = arith.constant -0.469774395 : f32
        %mul3A_925 = vector.broadcast %mul3A_924 : f32 to vector<16xf32>
        %mul3A_926 = arith.mulf %mul3A_925, %exp3A_922 : vector<16xf32>
        %add3A_927 = arith.constant 0.997187674 : f32
        %add3A_928 = vector.broadcast %add3A_927 : f32 to vector<16xf32>
        %add3A_929 = arith.addf %add3A_928, %mul3A_926 : vector<16xf32>
        %mul3A_930 = arith.constant -0.0574329607 : f32
        %mul3A_931 = vector.broadcast %mul3A_930 : f32 to vector<16xf32>
        %mul3A_932 = arith.mulf %mul3A_931, %exp3A_922 : vector<16xf32>
        %add3A_933 = arith.constant 0.223107144 : f32
        %add3A_934 = vector.broadcast %add3A_933 : f32 to vector<16xf32>
        %add3A_935 = arith.addf %add3A_934, %mul3A_932 : vector<16xf32>
        %mul3A_936 = arith.mulf %mul3A_923, %add3A_935 : vector<16xf32>
        %add3A_937 = arith.addf %add3A_929, %mul3A_936 : vector<16xf32>
        %mul3A_938 = arith.mulf %exp3A_922, %add3A_937 : vector<16xf32>
        %max3A_939 = arith.constant 0.000000e+00 : f32
        %max3A_940 = vector.broadcast %max3A_939 : f32 to vector<16xf32>
        %max3A_941 = arith.maximumf %add3A_913, %max3A_940 : vector<16xf32>
        %add3A_942 = arith.addf %max3A_941, %mul3A_938 : vector<16xf32>
        %div3A_943 = arith.divf %add3A_942, %add3A_917 : vector<16xf32>
        %add3A_944 = arith.constant 1 : i32
        %add3A_945 = arith.addi %mul3A_287, %add3A_944 : i32
        %swap3A_946 = arith.constant 0 : i32
        %swap3A_947 = arith.index_cast %swap3A_946 : i32 to index
        %swap3A_948 = arith.index_cast %add3A_945 : i32 to index
        %swap3A_949 = arith.constant 48 : index
        %swap3A_950 = tpu.vector_load %arg14[%swap3A_947, %swap3A_948, %swap3A_949] {strides = array<i32>} : memref<2x40x64xf32, #tpu.memory_space<vmem>>, vector<16xf32>,
        tpu.vector_store %arg14[%swap3A_947, %swap3A_948, %swap3A_949], %div3A_943 {strides = array<i32>} : memref<2x40x64xf32, #tpu.memory_space<vmem>>, vector<16xf32>,
      }
      %scan3A_199 = arith.constant 20 : i32
      %run_scoped3A = arith.constant 0 : i32
      "tpu.region"() ({
        %run_scoped3A_281 = tpu.sem_alloc : memref<!tpu.dma_semaphore, #tpu.memory_space<semaphore_mem>>
        %dma_start3A_282 = arith.constant 0 : i32
        %dma_start3A_283 = arith.constant 0 : i32
        %dma_start3A_284 = tpu.memref_slice %arg14[%run_scoped3A, %dma_start3A_282, %dma_start3A_283] : memref<2x40x64xf32, #tpu.memory_space<vmem>> -> memref<1x40x64xf32, #tpu.memory_space<vmem>>
        %dma_start3A_285 = tpu.memref_squeeze %dma_start3A_284 : memref<1x40x64xf32, #tpu.memory_space<vmem>> -> memref<40x64xf32, #tpu.memory_space<vmem>>
        %dma_start3A_286 = arith.constant 0 : i32
        %dma_start3A_287 = tpu.memref_slice %arg9[%add3A_70, %dma_start3A_286] : memref<500x40xi32, #tpu.memory_space<vmem>> -> memref<1x40xi32, #tpu.memory_space<vmem>>
        %dma_start3A_288 = tpu.memref_squeeze %dma_start3A_287 : memref<1x40xi32, #tpu.memory_space<vmem>> -> memref<40xi32, #tpu.memory_space<vmem>>
        %dma_start3A_289 = arith.constant 0 : i32
        %dma_start3A_290 = arith.constant 0 : i32
        %dma_start3A_291 = tpu.memref_slice %arg15[%dma_start3A_289, %dma_start3A_290] : memref<10000x64xf32, #tpu.memory_space<vmem_shared>> -> memref<10000x64xf32, #tpu.memory_space<vmem_shared>>
        tpu.enqueue_indirect_dma source(%dma_start3A_285 : memref<40x64xf32, #tpu.memory_space<vmem>>) target(%dma_start3A_291 : memref<10000x64xf32, #tpu.memory_space<vmem_shared>>) offsets(%dma_start3A_288 : memref<40xi32, #tpu.memory_space<vmem>>) semaphore(%run_scoped3A_281 : memref<!tpu.dma_semaphore, #tpu.memory_space<semaphore_mem>>) {add = true}
        %dma_wait3A_292 = arith.constant 0 : i32
        %dma_wait3A_293 = arith.constant 0 : i32
        %dma_wait3A_294 = tpu.memref_slice %arg14[%run_scoped3A, %dma_wait3A_292, %dma_wait3A_293] : memref<2x40x64xf32, #tpu.memory_space<vmem>> -> memref<1x40x64xf32, #tpu.memory_space<vmem>>
        %dma_wait3A_295 = tpu.memref_squeeze %dma_wait3A_294 : memref<1x40x64xf32, #tpu.memory_space<vmem>> -> memref<40x64xf32, #tpu.memory_space<vmem>>
        %dma_wait3A_296 = arith.constant 0 : i32
        %dma_wait3A_297 = tpu.memref_slice %arg9[%add3A_70, %dma_wait3A_296] : memref<500x40xi32, #tpu.memory_space<vmem>> -> memref<1x40xi32, #tpu.memory_space<vmem>>
        %dma_wait3A_298 = tpu.memref_squeeze %dma_wait3A_297 : memref<1x40xi32, #tpu.memory_space<vmem>> -> memref<40xi32, #tpu.memory_space<vmem>>
        %dma_wait3A_299 = arith.constant 0 : i32
        %dma_wait3A_300 = arith.constant 0 : i32
        %dma_wait3A_301 = tpu.memref_slice %arg15[%dma_wait3A_299, %dma_wait3A_300] : memref<10000x64xf32, #tpu.memory_space<vmem_shared>> -> memref<10000x64xf32, #tpu.memory_space<vmem_shared>>
        tpu.wait_indirect_dma semaphore(%run_scoped3A_281 : memref<!tpu.dma_semaphore, #tpu.memory_space<semaphore_mem>>) src(%dma_wait3A_295 : memref<40x64xf32, #tpu.memory_space<vmem>>) dst(%dma_wait3A_301 : memref<10000x64xf32, #tpu.memory_space<vmem_shared>>)
        tpu.yield
      }) : () -> ()
      %add3A_200 = arith.constant 2 : i32
      %add3A_201 = arith.addi %add3A_70, %add3A_200 : i32
      %lt3A = arith.constant 500 : i32
      %lt3A_202 = arith.cmpi slt, %add3A_201, %lt3A : i32
      %convert_element_type3A = arith.extui %lt3A_202 : i1 to i32
      %cond3A = arith.constant 0 : i32
      %cond3A_203 = arith.cmpi ne, %convert_element_type3A, %cond3A : i32
      scf.if %cond3A_203 {
        %add3A_281 = arith.constant 2 : i32
        %add3A_282 = arith.addi %add3A_70, %add3A_281 : i32
        %dma_start3A_283 = arith.constant 0 : i32
        %dma_start3A_284 = arith.constant 0 : i32
        %dma_start3A_285 = arith.constant 0 : i32
        %dma_start3A_286 = tpu.memref_slice %arg11[%dma_start3A_283, %dma_start3A_284, %dma_start3A_285] : memref<2x40x64xi32, #tpu.memory_space<vmem>> -> memref<1x40x64xi32, #tpu.memory_space<vmem>>
        %dma_start3A_287 = tpu.memref_squeeze %dma_start3A_286 : memref<1x40x64xi32, #tpu.memory_space<vmem>> -> memref<40x64xi32, #tpu.memory_space<vmem>>
        %dma_start3A_288 = arith.constant 0 : i32
        %dma_start3A_289 = tpu.memref_slice %arg9[%add3A_282, %dma_start3A_288] : memref<500x40xi32, #tpu.memory_space<vmem>> -> memref<1x40xi32, #tpu.memory_space<vmem>>
        %dma_start3A_290 = tpu.memref_squeeze %dma_start3A_289 : memref<1x40xi32, #tpu.memory_space<vmem>> -> memref<40xi32, #tpu.memory_space<vmem>>
        %dma_start3A_291 = arith.constant 0 : i32
        %dma_start3A_292 = arith.constant 0 : i32
        %dma_start3A_293 = tpu.memref_slice %arg2[%arg0, %dma_start3A_291, %dma_start3A_292] : memref<2x10000x64xi32, #tpu.memory_space<hbm>> -> memref<1x10000x64xi32, #tpu.memory_space<hbm>>
        %dma_start3A_294 = tpu.memref_squeeze %dma_start3A_293 : memref<1x10000x64xi32, #tpu.memory_space<hbm>> -> memref<10000x64xi32, #tpu.memory_space<hbm>>
        %dma_start3A_295 = arith.constant 0 : i32
        %dma_start3A_296 = arith.constant 0 : i32
        %dma_start3A_297 = tpu.memref_slice %dma_start3A_294[%dma_start3A_295, %dma_start3A_296] : memref<10000x64xi32, #tpu.memory_space<hbm>> -> memref<10000x64xi32, #tpu.memory_space<hbm>>
        tpu.enqueue_indirect_dma source(%dma_start3A_297 : memref<10000x64xi32, #tpu.memory_space<hbm>>) target(%dma_start3A_287 : memref<40x64xi32, #tpu.memory_space<vmem>>) offsets(%dma_start3A_290 : memref<40xi32, #tpu.memory_space<vmem>>) semaphore(%arg16 : memref<!tpu.dma_semaphore, #tpu.memory_space<semaphore_mem>>)
        %dma_start3A_298 = arith.constant 0 : i32
        %dma_start3A_299 = arith.constant 0 : i32
        %dma_start3A_300 = arith.constant 0 : i32
        %dma_start3A_301 = tpu.memref_slice %arg12[%dma_start3A_298, %dma_start3A_299, %dma_start3A_300] : memref<2x40x64xi32, #tpu.memory_space<vmem>> -> memref<1x40x64xi32, #tpu.memory_space<vmem>>
        %dma_start3A_302 = tpu.memref_squeeze %dma_start3A_301 : memref<1x40x64xi32, #tpu.memory_space<vmem>> -> memref<40x64xi32, #tpu.memory_space<vmem>>
        %dma_start3A_303 = arith.constant 0 : i32
        %dma_start3A_304 = tpu.memref_slice %arg10[%add3A_282, %dma_start3A_303] : memref<500x40xi32, #tpu.memory_space<vmem>> -> memref<1x40xi32, #tpu.memory_space<vmem>>
        %dma_start3A_305 = tpu.memref_squeeze %dma_start3A_304 : memref<1x40xi32, #tpu.memory_space<vmem>> -> memref<40xi32, #tpu.memory_space<vmem>>
        %dma_start3A_306 = arith.constant 0 : i32
        %dma_start3A_307 = arith.constant 0 : i32
        %dma_start3A_308 = tpu.memref_slice %arg3[%arg0, %dma_start3A_306, %dma_start3A_307] : memref<2x10000x64xi32, #tpu.memory_space<hbm>> -> memref<1x10000x64xi32, #tpu.memory_space<hbm>>
        %dma_start3A_309 = tpu.memref_squeeze %dma_start3A_308 : memref<1x10000x64xi32, #tpu.memory_space<hbm>> -> memref<10000x64xi32, #tpu.memory_space<hbm>>
        %dma_start3A_310 = arith.constant 0 : i32
        %dma_start3A_311 = arith.constant 0 : i32
        %dma_start3A_312 = tpu.memref_slice %dma_start3A_309[%dma_start3A_310, %dma_start3A_311] : memref<10000x64xi32, #tpu.memory_space<hbm>> -> memref<10000x64xi32, #tpu.memory_space<hbm>>
        tpu.enqueue_indirect_dma source(%dma_start3A_312 : memref<10000x64xi32, #tpu.memory_space<hbm>>) target(%dma_start3A_302 : memref<40x64xi32, #tpu.memory_space<vmem>>) offsets(%dma_start3A_305 : memref<40xi32, #tpu.memory_space<vmem>>) semaphore(%arg16 : memref<!tpu.dma_semaphore, #tpu.memory_space<semaphore_mem>>)
        %mul3A_313 = arith.constant 20 : i32
        %mul3A_314 = arith.muli %add3A_282, %mul3A_313 : i32
        %add3A_315 = arith.addi %add3A, %mul3A_314 : i32
        %dma_start3A_316 = arith.constant 0 : i32
        %dma_start3A_317 = arith.constant 0 : i32
        %dma_start3A_318 = arith.constant 0 : i32
        %dma_start3A_319 = tpu.memref_slice %arg13[%dma_start3A_316, %dma_start3A_317, %dma_start3A_318] : memref<2x20x128xi32, #tpu.memory_space<vmem>> -> memref<1x20x128xi32, #tpu.memory_space<vmem>>
        %dma_start3A_320 = tpu.memref_squeeze %dma_start3A_319 : memref<1x20x128xi32, #tpu.memory_space<vmem>> -> memref<20x128xi32, #tpu.memory_space<vmem>>
        %dma_start3A_321 = arith.constant 0 : i32
        %dma_start3A_322 = arith.constant 0 : i32
        %dma_start3A_323 = tpu.memref_slice %arg4[%arg0, %dma_start3A_321, %dma_start3A_322] : memref<2x160000x128xi32, #tpu.memory_space<hbm>> -> memref<1x160000x128xi32, #tpu.memory_space<hbm>>
        %dma_start3A_324 = tpu.memref_squeeze %dma_start3A_323 : memref<1x160000x128xi32, #tpu.memory_space<hbm>> -> memref<160000x128xi32, #tpu.memory_space<hbm>>
        %dma_start3A_325 = arith.constant 0 : i32
        %dma_start3A_326 = tpu.memref_slice %dma_start3A_324[%add3A_315, %dma_start3A_325] : memref<160000x128xi32, #tpu.memory_space<hbm>> -> memref<20x128xi32, #tpu.memory_space<hbm>>
        %dma_start3A_327 = arith.constant 0 : i32
        %dma_start3A_328 = arith.constant 0 : i32
        %dma_start3A_329 = tpu.memref_slice %arg13[%dma_start3A_316, %dma_start3A_327, %dma_start3A_328] : memref<2x20x128xi32, #tpu.memory_space<vmem>> -> memref<1x20x128xi32, #tpu.memory_space<vmem>>
        %dma_start3A_330 = tpu.memref_squeeze %dma_start3A_329 : memref<1x20x128xi32, #tpu.memory_space<vmem>> -> memref<20x128xi32, #tpu.memory_space<vmem>>
        %dma_start3A_331 = arith.constant 0 : i32
        %dma_start3A_332 = arith.constant 0 : i32
        %dma_start3A_333 = tpu.memref_slice %arg4[%arg0, %dma_start3A_331, %dma_start3A_332] : memref<2x160000x128xi32, #tpu.memory_space<hbm>> -> memref<1x160000x128xi32, #tpu.memory_space<hbm>>
        %dma_start3A_334 = tpu.memref_squeeze %dma_start3A_333 : memref<1x160000x128xi32, #tpu.memory_space<hbm>> -> memref<160000x128xi32, #tpu.memory_space<hbm>>
        %dma_start3A_335 = arith.constant 0 : i32
        %dma_start3A_336 = tpu.memref_slice %dma_start3A_334[%add3A_315, %dma_start3A_335] : memref<160000x128xi32, #tpu.memory_space<hbm>> -> memref<20x128xi32, #tpu.memory_space<hbm>>
        tpu.enqueue_dma source(%dma_start3A_336 : memref<20x128xi32, #tpu.memory_space<hbm>>) target(%dma_start3A_330 : memref<20x128xi32, #tpu.memory_space<vmem>>) target_semaphore(%arg16 : memref<!tpu.dma_semaphore, #tpu.memory_space<semaphore_mem>>)
      } else {
      }
      %dma_wait3A_204 = arith.constant 1 : i32
      %dma_wait3A_205 = arith.constant 0 : i32
      %dma_wait3A_206 = arith.constant 0 : i32
      %dma_wait3A_207 = tpu.memref_slice %arg11[%dma_wait3A_204, %dma_wait3A_205, %dma_wait3A_206] : memref<2x40x64xi32, #tpu.memory_space<vmem>> -> memref<1x40x64xi32, #tpu.memory_space<vmem>>
      %dma_wait3A_208 = tpu.memref_squeeze %dma_wait3A_207 : memref<1x40x64xi32, #tpu.memory_space<vmem>> -> memref<40x64xi32, #tpu.memory_space<vmem>>
      %dma_wait3A_209 = arith.constant 0 : i32
      %dma_wait3A_210 = arith.constant 0 : i32
      %dma_wait3A_211 = tpu.memref_slice %arg2[%arg0, %dma_wait3A_209, %dma_wait3A_210] : memref<2x10000x64xi32, #tpu.memory_space<hbm>> -> memref<1x10000x64xi32, #tpu.memory_space<hbm>>
      %dma_wait3A_212 = tpu.memref_squeeze %dma_wait3A_211 : memref<1x10000x64xi32, #tpu.memory_space<hbm>> -> memref<10000x64xi32, #tpu.memory_space<hbm>>
      %dma_wait3A_213 = arith.constant 0 : i32
      %dma_wait3A_214 = arith.constant 0 : i32
      %dma_wait3A_215 = tpu.memref_slice %dma_wait3A_212[%dma_wait3A_213, %dma_wait3A_214] : memref<10000x64xi32, #tpu.memory_space<hbm>> -> memref<40x64xi32, #tpu.memory_space<hbm>>
      %dma_wait3A_216 = arith.constant 0 : i32
      %dma_wait3A_217 = arith.constant 0 : i32
      %dma_wait3A_218 = tpu.memref_slice %arg11[%dma_wait3A_204, %dma_wait3A_216, %dma_wait3A_217] : memref<2x40x64xi32, #tpu.memory_space<vmem>> -> memref<1x40x64xi32, #tpu.memory_space<vmem>>
      %dma_wait3A_219 = tpu.memref_squeeze %dma_wait3A_218 : memref<1x40x64xi32, #tpu.memory_space<vmem>> -> memref<40x64xi32, #tpu.memory_space<vmem>>
      %dma_wait3A_220 = arith.constant 0 : i32
      %dma_wait3A_221 = arith.constant 0 : i32
      %dma_wait3A_222 = tpu.memref_slice %arg2[%arg0, %dma_wait3A_220, %dma_wait3A_221] : memref<2x10000x64xi32, #tpu.memory_space<hbm>> -> memref<1x10000x64xi32, #tpu.memory_space<hbm>>
      %dma_wait3A_223 = tpu.memref_squeeze %dma_wait3A_222 : memref<1x10000x64xi32, #tpu.memory_space<hbm>> -> memref<10000x64xi32, #tpu.memory_space<hbm>>
      %dma_wait3A_224 = arith.constant 0 : i32
      %dma_wait3A_225 = arith.constant 0 : i32
      %dma_wait3A_226 = tpu.memref_slice %dma_wait3A_223[%dma_wait3A_224, %dma_wait3A_225] : memref<10000x64xi32, #tpu.memory_space<hbm>> -> memref<40x64xi32, #tpu.memory_space<hbm>>
      tpu.wait_dma2 semaphore(%arg17 : memref<!tpu.dma_semaphore, #tpu.memory_space<semaphore_mem>>) src(%dma_wait3A_226 : memref<40x64xi32, #tpu.memory_space<hbm>>) dst(%dma_wait3A_219 : memref<40x64xi32, #tpu.memory_space<vmem>>)
      %dma_wait3A_227 = arith.constant 1 : i32
      %dma_wait3A_228 = arith.constant 0 : i32
      %dma_wait3A_229 = arith.constant 0 : i32
      %dma_wait3A_230 = tpu.memref_slice %arg12[%dma_wait3A_227, %dma_wait3A_228, %dma_wait3A_229] : memref<2x40x64xi32, #tpu.memory_space<vmem>> -> memref<1x40x64xi32, #tpu.memory_space<vmem>>
      %dma_wait3A_231 = tpu.memref_squeeze %dma_wait3A_230 : memref<1x40x64xi32, #tpu.memory_space<vmem>> -> memref<40x64xi32, #tpu.memory_space<vmem>>
      %dma_wait3A_232 = arith.constant 0 : i32
      %dma_wait3A_233 = arith.constant 0 : i32
      %dma_wait3A_234 = tpu.memref_slice %arg3[%arg0, %dma_wait3A_232, %dma_wait3A_233] : memref<2x10000x64xi32, #tpu.memory_space<hbm>> -> memref<1x10000x64xi32, #tpu.memory_space<hbm>>
      %dma_wait3A_235 = tpu.memref_squeeze %dma_wait3A_234 : memref<1x10000x64xi32, #tpu.memory_space<hbm>> -> memref<10000x64xi32, #tpu.memory_space<hbm>>
      %dma_wait3A_236 = arith.constant 0 : i32
      %dma_wait3A_237 = arith.constant 0 : i32
      %dma_wait3A_238 = tpu.memref_slice %dma_wait3A_235[%dma_wait3A_236, %dma_wait3A_237] : memref<10000x64xi32, #tpu.memory_space<hbm>> -> memref<40x64xi32, #tpu.memory_space<hbm>>
      %dma_wait3A_239 = arith.constant 0 : i32
      %dma_wait3A_240 = arith.constant 0 : i32
      %dma_wait3A_241 = tpu.memref_slice %arg12[%dma_wait3A_227, %dma_wait3A_239, %dma_wait3A_240] : memref<2x40x64xi32, #tpu.memory_space<vmem>> -> memref<1x40x64xi32, #tpu.memory_space<vmem>>
      %dma_wait3A_242 = tpu.memref_squeeze %dma_wait3A_241 : memref<1x40x64xi32, #tpu.memory_space<vmem>> -> memref<40x64xi32, #tpu.memory_space<vmem>>
      %dma_wait3A_243 = arith.constant 0 : i32
      %dma_wait3A_244 = arith.constant 0 : i32
      %dma_wait3A_245 = tpu.memref_slice %arg3[%arg0, %dma_wait3A_243, %dma_wait3A_244] : memref<2x10000x64xi32, #tpu.memory_space<hbm>> -> memref<1x10000x64xi32, #tpu.memory_space<hbm>>
      %dma_wait3A_246 = tpu.memref_squeeze %dma_wait3A_245 : memref<1x10000x64xi32, #tpu.memory_space<hbm>> -> memref<10000x64xi32, #tpu.memory_space<hbm>>
      %dma_wait3A_247 = arith.constant 0 : i32
      %dma_wait3A_248 = arith.constant 0 : i32
      %dma_wait3A_249 = tpu.memref_slice %dma_wait3A_246[%dma_wait3A_247, %dma_wait3A_248] : memref<10000x64xi32, #tpu.memory_space<hbm>> -> memref<40x64xi32, #tpu.memory_space<hbm>>
      tpu.wait_dma2 semaphore(%arg17 : memref<!tpu.dma_semaphore, #tpu.memory_space<semaphore_mem>>) src(%dma_wait3A_249 : memref<40x64xi32, #tpu.memory_space<hbm>>) dst(%dma_wait3A_242 : memref<40x64xi32, #tpu.memory_space<vmem>>)
      %dma_wait3A_250 = arith.constant 1 : i32
      %dma_wait3A_251 = arith.constant 0 : i32
      %dma_wait3A_252 = arith.constant 0 : i32
      %dma_wait3A_253 = tpu.memref_slice %arg13[%dma_wait3A_250, %dma_wait3A_251, %dma_wait3A_252] : memref<2x20x128xi32, #tpu.memory_space<vmem>> -> memref<1x20x128xi32, #tpu.memory_space<vmem>>
      %dma_wait3A_254 = tpu.memref_squeeze %dma_wait3A_253 : memref<1x20x128xi32, #tpu.memory_space<vmem>> -> memref<20x128xi32, #tpu.memory_space<vmem>>
      %dma_wait3A_255 = arith.constant 0 : i32
      %dma_wait3A_256 = arith.constant 0 : i32
      %dma_wait3A_257 = tpu.memref_slice %arg4[%arg0, %dma_wait3A_255, %dma_wait3A_256] : memref<2x160000x128xi32, #tpu.memory_space<hbm>> -> memref<1x160000x128xi32, #tpu.memory_space<hbm>>
      %dma_wait3A_258 = tpu.memref_squeeze %dma_wait3A_257 : memref<1x160000x128xi32, #tpu.memory_space<hbm>> -> memref<160000x128xi32, #tpu.memory_space<hbm>>
      %dma_wait3A_259 = arith.constant 0 : i32
      %dma_wait3A_260 = arith.constant 0 : i32
      %dma_wait3A_261 = tpu.memref_slice %dma_wait3A_258[%dma_wait3A_259, %dma_wait3A_260] : memref<160000x128xi32, #tpu.memory_space<hbm>> -> memref<20x128xi32, #tpu.memory_space<hbm>>
      %dma_wait3A_262 = arith.constant 0 : i32
      %dma_wait3A_263 = arith.constant 0 : i32
      %dma_wait3A_264 = tpu.memref_slice %arg13[%dma_wait3A_250, %dma_wait3A_262, %dma_wait3A_263] : memref<2x20x128xi32, #tpu.memory_space<vmem>> -> memref<1x20x128xi32, #tpu.memory_space<vmem>>
      %dma_wait3A_265 = tpu.memref_squeeze %dma_wait3A_264 : memref<1x20x128xi32, #tpu.memory_space<vmem>> -> memref<20x128xi32, #tpu.memory_space<vmem>>
      %dma_wait3A_266 = arith.constant 0 : i32
      %dma_wait3A_267 = arith.constant 0 : i32
      %dma_wait3A_268 = tpu.memref_slice %arg4[%arg0, %dma_wait3A_266, %dma_wait3A_267] : memref<2x160000x128xi32, #tpu.memory_space<hbm>> -> memref<1x160000x128xi32, #tpu.memory_space<hbm>>
      %dma_wait3A_269 = tpu.memref_squeeze %dma_wait3A_268 : memref<1x160000x128xi32, #tpu.memory_space<hbm>> -> memref<160000x128xi32, #tpu.memory_space<hbm>>
      %dma_wait3A_270 = arith.constant 0 : i32
      %dma_wait3A_271 = arith.constant 0 : i32
      %dma_wait3A_272 = tpu.memref_slice %dma_wait3A_269[%dma_wait3A_270, %dma_wait3A_271] : memref<160000x128xi32, #tpu.memory_space<hbm>> -> memref<20x128xi32, #tpu.memory_space<hbm>>
      tpu.wait_dma2 semaphore(%arg17 : memref<!tpu.dma_semaphore, #tpu.memory_space<semaphore_mem>>) src(%dma_wait3A_272 : memref<20x128xi32, #tpu.memory_space<hbm>>) dst(%dma_wait3A_265 : memref<20x128xi32, #tpu.memory_space<vmem>>)
      %scan3A_273 = arith.constant 0 : i32
      %scan3A_274 = arith.constant 20 : i32
      %scan3A_275 = arith.addi %scan3A_273, %scan3A_274 : i32
      %scan3A_276 = arith.constant 1 : i32
      scf.for %scan3A_281 = %scan3A_273 to %scan3A_275 step %scan3A_276  : i32 {
        %mul3A_282 = arith.constant 1 : i32
        %mul3A_283 = arith.muli %scan3A_281, %mul3A_282 : i32
        %add3A_284 = arith.constant 0 : i32
        %add3A_285 = arith.addi %add3A_284, %mul3A_283 : i32
        %mul3A_286 = arith.constant 2 : i32
        %mul3A_287 = arith.muli %mul3A_286, %add3A_285 : i32
        %add3A_288 = arith.constant 0 : i32
        %add3A_289 = arith.addi %mul3A_287, %add3A_288 : i32
        %get3A = arith.constant 1 : i32
        %get3A_290 = arith.index_cast %get3A : i32 to index
        %get3A_291 = arith.index_cast %add3A_289 : i32 to index
        %get3A_292 = arith.constant 0 : index
        %get3A_293 = tpu.vector_load %arg11[%get3A_290, %get3A_291, %get3A_292] {strides = array<i32>} : memref<2x40x64xi32, #tpu.memory_space<vmem>>, vector<16xi32>,
        %add3A_294 = arith.constant 0 : i32
        %add3A_295 = arith.addi %mul3A_287, %add3A_294 : i32
        %get3A_296 = arith.constant 1 : i32
        %get3A_297 = arith.index_cast %get3A_296 : i32 to index
        %get3A_298 = arith.index_cast %add3A_295 : i32 to index
        %get3A_299 = arith.constant 0 : index
        %get3A_300 = tpu.vector_load %arg12[%get3A_297, %get3A_298, %get3A_299] {strides = array<i32>} : memref<2x40x64xi32, #tpu.memory_space<vmem>>, vector<16xi32>,
        %get3A_301 = arith.constant 1 : i32
        %get3A_302 = arith.index_cast %get3A_301 : i32 to index
        %get3A_303 = arith.index_cast %add3A_285 : i32 to index
        %get3A_304 = arith.constant 0 : index
        %get3A_305 = tpu.vector_load %arg13[%get3A_302, %get3A_303, %get3A_304] {strides = array<i32>} : memref<2x20x128xi32, #tpu.memory_space<vmem>>, vector<16xi32>,
        %shift_left3A = arith.constant 16 : i32
        %shift_left3A_306 = vector.broadcast %shift_left3A : i32 to vector<16xi32>
        %shift_left3A_307 = arith.shli %get3A_293, %shift_left3A_306 : vector<16xi32>
        %bitcast3A = vector.bitcast %shift_left3A_307 : vector<16xi32> to vector<16xf32>
        %shift_left3A_308 = arith.constant 16 : i32
        %shift_left3A_309 = vector.broadcast %shift_left3A_308 : i32 to vector<16xi32>
        %shift_left3A_310 = arith.shli %get3A_300, %shift_left3A_309 : vector<16xi32>
        %bitcast3A_311 = vector.bitcast %shift_left3A_310 : vector<16xi32> to vector<16xf32>
        %add3A_312 = arith.addf %bitcast3A, %bitcast3A_311 : vector<16xf32>
        %shift_left3A_313 = arith.constant 16 : i32
        %shift_left3A_314 = vector.broadcast %shift_left3A_313 : i32 to vector<16xi32>
        %shift_left3A_315 = arith.shli %get3A_305, %shift_left3A_314 : vector<16xi32>
        %bitcast3A_316 = vector.bitcast %shift_left3A_315 : vector<16xi32> to vector<16xf32>
        %add3A_317 = arith.addf %add3A_312, %bitcast3A_316 : vector<16xf32>
        %and3A_318 = arith.constant -65536 : i32
        %and3A_319 = vector.broadcast %and3A_318 : i32 to vector<16xi32>
        %and3A_320 = arith.andi %get3A_293, %and3A_319 : vector<16xi32>
        %bitcast3A_321 = vector.bitcast %and3A_320 : vector<16xi32> to vector<16xf32>
        %and3A_322 = arith.constant -65536 : i32
        %and3A_323 = vector.broadcast %and3A_322 : i32 to vector<16xi32>
        %and3A_324 = arith.andi %get3A_300, %and3A_323 : vector<16xi32>
        %bitcast3A_325 = vector.bitcast %and3A_324 : vector<16xi32> to vector<16xf32>
        %add3A_326 = arith.addf %bitcast3A_321, %bitcast3A_325 : vector<16xf32>
        %and3A_327 = arith.constant -65536 : i32
        %and3A_328 = vector.broadcast %and3A_327 : i32 to vector<16xi32>
        %and3A_329 = arith.andi %get3A_305, %and3A_328 : vector<16xi32>
        %bitcast3A_330 = vector.bitcast %and3A_329 : vector<16xi32> to vector<16xf32>
        %add3A_331 = arith.addf %add3A_326, %bitcast3A_330 : vector<16xf32>
        %exp3A = math.exp %add3A_317 : vector<16xf32>
        %add3A_332 = arith.constant 1.000000e+00 : f32
        %add3A_333 = vector.broadcast %add3A_332 : f32 to vector<16xf32>
        %add3A_334 = arith.addf %exp3A, %add3A_333 : vector<16xf32>
        %abs3A = math.absf %add3A_331 : vector<16xf32>
        %neg3A = arith.constant 0.000000e+00 : f32
        %neg3A_335 = vector.broadcast %neg3A : f32 to vector<16xf32>
        %neg3A_336 = arith.subf %neg3A_335, %abs3A : vector<16xf32>
        %exp3A_337 = math.exp %neg3A_336 : vector<16xf32>
        %mul3A_338 = arith.mulf %exp3A_337, %exp3A_337 : vector<16xf32>
        %mul3A_339 = arith.constant -0.469774395 : f32
        %mul3A_340 = vector.broadcast %mul3A_339 : f32 to vector<16xf32>
        %mul3A_341 = arith.mulf %mul3A_340, %exp3A_337 : vector<16xf32>
        %add3A_342 = arith.constant 0.997187674 : f32
        %add3A_343 = vector.broadcast %add3A_342 : f32 to vector<16xf32>
        %add3A_344 = arith.addf %add3A_343, %mul3A_341 : vector<16xf32>
        %mul3A_345 = arith.constant -0.0574329607 : f32
        %mul3A_346 = vector.broadcast %mul3A_345 : f32 to vector<16xf32>
        %mul3A_347 = arith.mulf %mul3A_346, %exp3A_337 : vector<16xf32>
        %add3A_348 = arith.constant 0.223107144 : f32
        %add3A_349 = vector.broadcast %add3A_348 : f32 to vector<16xf32>
        %add3A_350 = arith.addf %add3A_349, %mul3A_347 : vector<16xf32>
        %mul3A_351 = arith.mulf %mul3A_338, %add3A_350 : vector<16xf32>
        %add3A_352 = arith.addf %add3A_344, %mul3A_351 : vector<16xf32>
        %mul3A_353 = arith.mulf %exp3A_337, %add3A_352 : vector<16xf32>
        %max3A = arith.constant 0.000000e+00 : f32
        %max3A_354 = vector.broadcast %max3A : f32 to vector<16xf32>
        %max3A_355 = arith.maximumf %add3A_331, %max3A_354 : vector<16xf32>
        %add3A_356 = arith.addf %max3A_355, %mul3A_353 : vector<16xf32>
        %div3A = arith.divf %add3A_356, %add3A_334 : vector<16xf32>
        %add3A_357 = arith.constant 0 : i32
        %add3A_358 = arith.addi %mul3A_287, %add3A_357 : i32
        %swap3A = arith.constant 1 : i32
        %swap3A_359 = arith.index_cast %swap3A : i32 to index
        %swap3A_360 = arith.index_cast %add3A_358 : i32 to index
        %swap3A_361 = arith.constant 0 : index
        %swap3A_362 = tpu.vector_load %arg14[%swap3A_359, %swap3A_360, %swap3A_361] {strides = array<i32>} : memref<2x40x64xf32, #tpu.memory_space<vmem>>, vector<16xf32>,
        tpu.vector_store %arg14[%swap3A_359, %swap3A_360, %swap3A_361], %div3A {strides = array<i32>} : memref<2x40x64xf32, #tpu.memory_space<vmem>>, vector<16xf32>,
        %add3A_363 = arith.constant 0 : i32
        %add3A_364 = arith.addi %mul3A_287, %add3A_363 : i32
        %get3A_365 = arith.constant 1 : i32
        %get3A_366 = arith.index_cast %get3A_365 : i32 to index
        %get3A_367 = arith.index_cast %add3A_364 : i32 to index
        %get3A_368 = arith.constant 16 : index
        %get3A_369 = tpu.vector_load %arg11[%get3A_366, %get3A_367, %get3A_368] {strides = array<i32>} : memref<2x40x64xi32, #tpu.memory_space<vmem>>, vector<16xi32>,
        %add3A_370 = arith.constant 0 : i32
        %add3A_371 = arith.addi %mul3A_287, %add3A_370 : i32
        %get3A_372 = arith.constant 1 : i32
        %get3A_373 = arith.index_cast %get3A_372 : i32 to index
        %get3A_374 = arith.index_cast %add3A_371 : i32 to index
        %get3A_375 = arith.constant 16 : index
        %get3A_376 = tpu.vector_load %arg12[%get3A_373, %get3A_374, %get3A_375] {strides = array<i32>} : memref<2x40x64xi32, #tpu.memory_space<vmem>>, vector<16xi32>,
        %get3A_377 = arith.constant 1 : i32
        %get3A_378 = arith.index_cast %get3A_377 : i32 to index
        %get3A_379 = arith.index_cast %add3A_285 : i32 to index
        %get3A_380 = arith.constant 16 : index
        %get3A_381 = tpu.vector_load %arg13[%get3A_378, %get3A_379, %get3A_380] {strides = array<i32>} : memref<2x20x128xi32, #tpu.memory_space<vmem>>, vector<16xi32>,
        %shift_left3A_382 = arith.constant 16 : i32
        %shift_left3A_383 = vector.broadcast %shift_left3A_382 : i32 to vector<16xi32>
        %shift_left3A_384 = arith.shli %get3A_369, %shift_left3A_383 : vector<16xi32>
        %bitcast3A_385 = vector.bitcast %shift_left3A_384 : vector<16xi32> to vector<16xf32>
        %shift_left3A_386 = arith.constant 16 : i32
        %shift_left3A_387 = vector.broadcast %shift_left3A_386 : i32 to vector<16xi32>
        %shift_left3A_388 = arith.shli %get3A_376, %shift_left3A_387 : vector<16xi32>
        %bitcast3A_389 = vector.bitcast %shift_left3A_388 : vector<16xi32> to vector<16xf32>
        %add3A_390 = arith.addf %bitcast3A_385, %bitcast3A_389 : vector<16xf32>
        %shift_left3A_391 = arith.constant 16 : i32
        %shift_left3A_392 = vector.broadcast %shift_left3A_391 : i32 to vector<16xi32>
        %shift_left3A_393 = arith.shli %get3A_381, %shift_left3A_392 : vector<16xi32>
        %bitcast3A_394 = vector.bitcast %shift_left3A_393 : vector<16xi32> to vector<16xf32>
        %add3A_395 = arith.addf %add3A_390, %bitcast3A_394 : vector<16xf32>
        %and3A_396 = arith.constant -65536 : i32
        %and3A_397 = vector.broadcast %and3A_396 : i32 to vector<16xi32>
        %and3A_398 = arith.andi %get3A_369, %and3A_397 : vector<16xi32>
        %bitcast3A_399 = vector.bitcast %and3A_398 : vector<16xi32> to vector<16xf32>
        %and3A_400 = arith.constant -65536 : i32
        %and3A_401 = vector.broadcast %and3A_400 : i32 to vector<16xi32>
        %and3A_402 = arith.andi %get3A_376, %and3A_401 : vector<16xi32>
        %bitcast3A_403 = vector.bitcast %and3A_402 : vector<16xi32> to vector<16xf32>
        %add3A_404 = arith.addf %bitcast3A_399, %bitcast3A_403 : vector<16xf32>
        %and3A_405 = arith.constant -65536 : i32
        %and3A_406 = vector.broadcast %and3A_405 : i32 to vector<16xi32>
        %and3A_407 = arith.andi %get3A_381, %and3A_406 : vector<16xi32>
        %bitcast3A_408 = vector.bitcast %and3A_407 : vector<16xi32> to vector<16xf32>
        %add3A_409 = arith.addf %add3A_404, %bitcast3A_408 : vector<16xf32>
        %exp3A_410 = math.exp %add3A_395 : vector<16xf32>
        %add3A_411 = arith.constant 1.000000e+00 : f32
        %add3A_412 = vector.broadcast %add3A_411 : f32 to vector<16xf32>
        %add3A_413 = arith.addf %exp3A_410, %add3A_412 : vector<16xf32>
        %abs3A_414 = math.absf %add3A_409 : vector<16xf32>
        %neg3A_415 = arith.constant 0.000000e+00 : f32
        %neg3A_416 = vector.broadcast %neg3A_415 : f32 to vector<16xf32>
        %neg3A_417 = arith.subf %neg3A_416, %abs3A_414 : vector<16xf32>
        %exp3A_418 = math.exp %neg3A_417 : vector<16xf32>
        %mul3A_419 = arith.mulf %exp3A_418, %exp3A_418 : vector<16xf32>
        %mul3A_420 = arith.constant -0.469774395 : f32
        %mul3A_421 = vector.broadcast %mul3A_420 : f32 to vector<16xf32>
        %mul3A_422 = arith.mulf %mul3A_421, %exp3A_418 : vector<16xf32>
        %add3A_423 = arith.constant 0.997187674 : f32
        %add3A_424 = vector.broadcast %add3A_423 : f32 to vector<16xf32>
        %add3A_425 = arith.addf %add3A_424, %mul3A_422 : vector<16xf32>
        %mul3A_426 = arith.constant -0.0574329607 : f32
        %mul3A_427 = vector.broadcast %mul3A_426 : f32 to vector<16xf32>
        %mul3A_428 = arith.mulf %mul3A_427, %exp3A_418 : vector<16xf32>
        %add3A_429 = arith.constant 0.223107144 : f32
        %add3A_430 = vector.broadcast %add3A_429 : f32 to vector<16xf32>
        %add3A_431 = arith.addf %add3A_430, %mul3A_428 : vector<16xf32>
        %mul3A_432 = arith.mulf %mul3A_419, %add3A_431 : vector<16xf32>
        %add3A_433 = arith.addf %add3A_425, %mul3A_432 : vector<16xf32>
        %mul3A_434 = arith.mulf %exp3A_418, %add3A_433 : vector<16xf32>
        %max3A_435 = arith.constant 0.000000e+00 : f32
        %max3A_436 = vector.broadcast %max3A_435 : f32 to vector<16xf32>
        %max3A_437 = arith.maximumf %add3A_409, %max3A_436 : vector<16xf32>
        %add3A_438 = arith.addf %max3A_437, %mul3A_434 : vector<16xf32>
        %div3A_439 = arith.divf %add3A_438, %add3A_413 : vector<16xf32>
        %add3A_440 = arith.constant 0 : i32
        %add3A_441 = arith.addi %mul3A_287, %add3A_440 : i32
        %swap3A_442 = arith.constant 1 : i32
        %swap3A_443 = arith.index_cast %swap3A_442 : i32 to index
        %swap3A_444 = arith.index_cast %add3A_441 : i32 to index
        %swap3A_445 = arith.constant 16 : index
        %swap3A_446 = tpu.vector_load %arg14[%swap3A_443, %swap3A_444, %swap3A_445] {strides = array<i32>} : memref<2x40x64xf32, #tpu.memory_space<vmem>>, vector<16xf32>,
        tpu.vector_store %arg14[%swap3A_443, %swap3A_444, %swap3A_445], %div3A_439 {strides = array<i32>} : memref<2x40x64xf32, #tpu.memory_space<vmem>>, vector<16xf32>,
        %add3A_447 = arith.constant 0 : i32
        %add3A_448 = arith.addi %mul3A_287, %add3A_447 : i32
        %get3A_449 = arith.constant 1 : i32
        %get3A_450 = arith.index_cast %get3A_449 : i32 to index
        %get3A_451 = arith.index_cast %add3A_448 : i32 to index
        %get3A_452 = arith.constant 32 : index
        %get3A_453 = tpu.vector_load %arg11[%get3A_450, %get3A_451, %get3A_452] {strides = array<i32>} : memref<2x40x64xi32, #tpu.memory_space<vmem>>, vector<16xi32>,
        %add3A_454 = arith.constant 0 : i32
        %add3A_455 = arith.addi %mul3A_287, %add3A_454 : i32
        %get3A_456 = arith.constant 1 : i32
        %get3A_457 = arith.index_cast %get3A_456 : i32 to index
        %get3A_458 = arith.index_cast %add3A_455 : i32 to index
        %get3A_459 = arith.constant 32 : index
        %get3A_460 = tpu.vector_load %arg12[%get3A_457, %get3A_458, %get3A_459] {strides = array<i32>} : memref<2x40x64xi32, #tpu.memory_space<vmem>>, vector<16xi32>,
        %get3A_461 = arith.constant 1 : i32
        %get3A_462 = arith.index_cast %get3A_461 : i32 to index
        %get3A_463 = arith.index_cast %add3A_285 : i32 to index
        %get3A_464 = arith.constant 32 : index
        %get3A_465 = tpu.vector_load %arg13[%get3A_462, %get3A_463, %get3A_464] {strides = array<i32>} : memref<2x20x128xi32, #tpu.memory_space<vmem>>, vector<16xi32>,
        %shift_left3A_466 = arith.constant 16 : i32
        %shift_left3A_467 = vector.broadcast %shift_left3A_466 : i32 to vector<16xi32>
        %shift_left3A_468 = arith.shli %get3A_453, %shift_left3A_467 : vector<16xi32>
        %bitcast3A_469 = vector.bitcast %shift_left3A_468 : vector<16xi32> to vector<16xf32>
        %shift_left3A_470 = arith.constant 16 : i32
        %shift_left3A_471 = vector.broadcast %shift_left3A_470 : i32 to vector<16xi32>
        %shift_left3A_472 = arith.shli %get3A_460, %shift_left3A_471 : vector<16xi32>
        %bitcast3A_473 = vector.bitcast %shift_left3A_472 : vector<16xi32> to vector<16xf32>
        %add3A_474 = arith.addf %bitcast3A_469, %bitcast3A_473 : vector<16xf32>
        %shift_left3A_475 = arith.constant 16 : i32
        %shift_left3A_476 = vector.broadcast %shift_left3A_475 : i32 to vector<16xi32>
        %shift_left3A_477 = arith.shli %get3A_465, %shift_left3A_476 : vector<16xi32>
        %bitcast3A_478 = vector.bitcast %shift_left3A_477 : vector<16xi32> to vector<16xf32>
        %add3A_479 = arith.addf %add3A_474, %bitcast3A_478 : vector<16xf32>
        %and3A_480 = arith.constant -65536 : i32
        %and3A_481 = vector.broadcast %and3A_480 : i32 to vector<16xi32>
        %and3A_482 = arith.andi %get3A_453, %and3A_481 : vector<16xi32>
        %bitcast3A_483 = vector.bitcast %and3A_482 : vector<16xi32> to vector<16xf32>
        %and3A_484 = arith.constant -65536 : i32
        %and3A_485 = vector.broadcast %and3A_484 : i32 to vector<16xi32>
        %and3A_486 = arith.andi %get3A_460, %and3A_485 : vector<16xi32>
        %bitcast3A_487 = vector.bitcast %and3A_486 : vector<16xi32> to vector<16xf32>
        %add3A_488 = arith.addf %bitcast3A_483, %bitcast3A_487 : vector<16xf32>
        %and3A_489 = arith.constant -65536 : i32
        %and3A_490 = vector.broadcast %and3A_489 : i32 to vector<16xi32>
        %and3A_491 = arith.andi %get3A_465, %and3A_490 : vector<16xi32>
        %bitcast3A_492 = vector.bitcast %and3A_491 : vector<16xi32> to vector<16xf32>
        %add3A_493 = arith.addf %add3A_488, %bitcast3A_492 : vector<16xf32>
        %exp3A_494 = math.exp %add3A_479 : vector<16xf32>
        %add3A_495 = arith.constant 1.000000e+00 : f32
        %add3A_496 = vector.broadcast %add3A_495 : f32 to vector<16xf32>
        %add3A_497 = arith.addf %exp3A_494, %add3A_496 : vector<16xf32>
        %abs3A_498 = math.absf %add3A_493 : vector<16xf32>
        %neg3A_499 = arith.constant 0.000000e+00 : f32
        %neg3A_500 = vector.broadcast %neg3A_499 : f32 to vector<16xf32>
        %neg3A_501 = arith.subf %neg3A_500, %abs3A_498 : vector<16xf32>
        %exp3A_502 = math.exp %neg3A_501 : vector<16xf32>
        %mul3A_503 = arith.mulf %exp3A_502, %exp3A_502 : vector<16xf32>
        %mul3A_504 = arith.constant -0.469774395 : f32
        %mul3A_505 = vector.broadcast %mul3A_504 : f32 to vector<16xf32>
        %mul3A_506 = arith.mulf %mul3A_505, %exp3A_502 : vector<16xf32>
        %add3A_507 = arith.constant 0.997187674 : f32
        %add3A_508 = vector.broadcast %add3A_507 : f32 to vector<16xf32>
        %add3A_509 = arith.addf %add3A_508, %mul3A_506 : vector<16xf32>
        %mul3A_510 = arith.constant -0.0574329607 : f32
        %mul3A_511 = vector.broadcast %mul3A_510 : f32 to vector<16xf32>
        %mul3A_512 = arith.mulf %mul3A_511, %exp3A_502 : vector<16xf32>
        %add3A_513 = arith.constant 0.223107144 : f32
        %add3A_514 = vector.broadcast %add3A_513 : f32 to vector<16xf32>
        %add3A_515 = arith.addf %add3A_514, %mul3A_512 : vector<16xf32>
        %mul3A_516 = arith.mulf %mul3A_503, %add3A_515 : vector<16xf32>
        %add3A_517 = arith.addf %add3A_509, %mul3A_516 : vector<16xf32>
        %mul3A_518 = arith.mulf %exp3A_502, %add3A_517 : vector<16xf32>
        %max3A_519 = arith.constant 0.000000e+00 : f32
        %max3A_520 = vector.broadcast %max3A_519 : f32 to vector<16xf32>
        %max3A_521 = arith.maximumf %add3A_493, %max3A_520 : vector<16xf32>
        %add3A_522 = arith.addf %max3A_521, %mul3A_518 : vector<16xf32>
        %div3A_523 = arith.divf %add3A_522, %add3A_497 : vector<16xf32>
        %add3A_524 = arith.constant 0 : i32
        %add3A_525 = arith.addi %mul3A_287, %add3A_524 : i32
        %swap3A_526 = arith.constant 1 : i32
        %swap3A_527 = arith.index_cast %swap3A_526 : i32 to index
        %swap3A_528 = arith.index_cast %add3A_525 : i32 to index
        %swap3A_529 = arith.constant 32 : index
        %swap3A_530 = tpu.vector_load %arg14[%swap3A_527, %swap3A_528, %swap3A_529] {strides = array<i32>} : memref<2x40x64xf32, #tpu.memory_space<vmem>>, vector<16xf32>,
        tpu.vector_store %arg14[%swap3A_527, %swap3A_528, %swap3A_529], %div3A_523 {strides = array<i32>} : memref<2x40x64xf32, #tpu.memory_space<vmem>>, vector<16xf32>,
        %add3A_531 = arith.constant 0 : i32
        %add3A_532 = arith.addi %mul3A_287, %add3A_531 : i32
        %get3A_533 = arith.constant 1 : i32
        %get3A_534 = arith.index_cast %get3A_533 : i32 to index
        %get3A_535 = arith.index_cast %add3A_532 : i32 to index
        %get3A_536 = arith.constant 48 : index
        %get3A_537 = tpu.vector_load %arg11[%get3A_534, %get3A_535, %get3A_536] {strides = array<i32>} : memref<2x40x64xi32, #tpu.memory_space<vmem>>, vector<16xi32>,
        %add3A_538 = arith.constant 0 : i32
        %add3A_539 = arith.addi %mul3A_287, %add3A_538 : i32
        %get3A_540 = arith.constant 1 : i32
        %get3A_541 = arith.index_cast %get3A_540 : i32 to index
        %get3A_542 = arith.index_cast %add3A_539 : i32 to index
        %get3A_543 = arith.constant 48 : index
        %get3A_544 = tpu.vector_load %arg12[%get3A_541, %get3A_542, %get3A_543] {strides = array<i32>} : memref<2x40x64xi32, #tpu.memory_space<vmem>>, vector<16xi32>,
        %get3A_545 = arith.constant 1 : i32
        %get3A_546 = arith.index_cast %get3A_545 : i32 to index
        %get3A_547 = arith.index_cast %add3A_285 : i32 to index
        %get3A_548 = arith.constant 48 : index
        %get3A_549 = tpu.vector_load %arg13[%get3A_546, %get3A_547, %get3A_548] {strides = array<i32>} : memref<2x20x128xi32, #tpu.memory_space<vmem>>, vector<16xi32>,
        %shift_left3A_550 = arith.constant 16 : i32
        %shift_left3A_551 = vector.broadcast %shift_left3A_550 : i32 to vector<16xi32>
        %shift_left3A_552 = arith.shli %get3A_537, %shift_left3A_551 : vector<16xi32>
        %bitcast3A_553 = vector.bitcast %shift_left3A_552 : vector<16xi32> to vector<16xf32>
        %shift_left3A_554 = arith.constant 16 : i32
        %shift_left3A_555 = vector.broadcast %shift_left3A_554 : i32 to vector<16xi32>
        %shift_left3A_556 = arith.shli %get3A_544, %shift_left3A_555 : vector<16xi32>
        %bitcast3A_557 = vector.bitcast %shift_left3A_556 : vector<16xi32> to vector<16xf32>
        %add3A_558 = arith.addf %bitcast3A_553, %bitcast3A_557 : vector<16xf32>
        %shift_left3A_559 = arith.constant 16 : i32
        %shift_left3A_560 = vector.broadcast %shift_left3A_559 : i32 to vector<16xi32>
        %shift_left3A_561 = arith.shli %get3A_549, %shift_left3A_560 : vector<16xi32>
        %bitcast3A_562 = vector.bitcast %shift_left3A_561 : vector<16xi32> to vector<16xf32>
        %add3A_563 = arith.addf %add3A_558, %bitcast3A_562 : vector<16xf32>
        %and3A_564 = arith.constant -65536 : i32
        %and3A_565 = vector.broadcast %and3A_564 : i32 to vector<16xi32>
        %and3A_566 = arith.andi %get3A_537, %and3A_565 : vector<16xi32>
        %bitcast3A_567 = vector.bitcast %and3A_566 : vector<16xi32> to vector<16xf32>
        %and3A_568 = arith.constant -65536 : i32
        %and3A_569 = vector.broadcast %and3A_568 : i32 to vector<16xi32>
        %and3A_570 = arith.andi %get3A_544, %and3A_569 : vector<16xi32>
        %bitcast3A_571 = vector.bitcast %and3A_570 : vector<16xi32> to vector<16xf32>
        %add3A_572 = arith.addf %bitcast3A_567, %bitcast3A_571 : vector<16xf32>
        %and3A_573 = arith.constant -65536 : i32
        %and3A_574 = vector.broadcast %and3A_573 : i32 to vector<16xi32>
        %and3A_575 = arith.andi %get3A_549, %and3A_574 : vector<16xi32>
        %bitcast3A_576 = vector.bitcast %and3A_575 : vector<16xi32> to vector<16xf32>
        %add3A_577 = arith.addf %add3A_572, %bitcast3A_576 : vector<16xf32>
        %exp3A_578 = math.exp %add3A_563 : vector<16xf32>
        %add3A_579 = arith.constant 1.000000e+00 : f32
        %add3A_580 = vector.broadcast %add3A_579 : f32 to vector<16xf32>
        %add3A_581 = arith.addf %exp3A_578, %add3A_580 : vector<16xf32>
        %abs3A_582 = math.absf %add3A_577 : vector<16xf32>
        %neg3A_583 = arith.constant 0.000000e+00 : f32
        %neg3A_584 = vector.broadcast %neg3A_583 : f32 to vector<16xf32>
        %neg3A_585 = arith.subf %neg3A_584, %abs3A_582 : vector<16xf32>
        %exp3A_586 = math.exp %neg3A_585 : vector<16xf32>
        %mul3A_587 = arith.mulf %exp3A_586, %exp3A_586 : vector<16xf32>
        %mul3A_588 = arith.constant -0.469774395 : f32
        %mul3A_589 = vector.broadcast %mul3A_588 : f32 to vector<16xf32>
        %mul3A_590 = arith.mulf %mul3A_589, %exp3A_586 : vector<16xf32>
        %add3A_591 = arith.constant 0.997187674 : f32
        %add3A_592 = vector.broadcast %add3A_591 : f32 to vector<16xf32>
        %add3A_593 = arith.addf %add3A_592, %mul3A_590 : vector<16xf32>
        %mul3A_594 = arith.constant -0.0574329607 : f32
        %mul3A_595 = vector.broadcast %mul3A_594 : f32 to vector<16xf32>
        %mul3A_596 = arith.mulf %mul3A_595, %exp3A_586 : vector<16xf32>
        %add3A_597 = arith.constant 0.223107144 : f32
        %add3A_598 = vector.broadcast %add3A_597 : f32 to vector<16xf32>
        %add3A_599 = arith.addf %add3A_598, %mul3A_596 : vector<16xf32>
        %mul3A_600 = arith.mulf %mul3A_587, %add3A_599 : vector<16xf32>
        %add3A_601 = arith.addf %add3A_593, %mul3A_600 : vector<16xf32>
        %mul3A_602 = arith.mulf %exp3A_586, %add3A_601 : vector<16xf32>
        %max3A_603 = arith.constant 0.000000e+00 : f32
        %max3A_604 = vector.broadcast %max3A_603 : f32 to vector<16xf32>
        %max3A_605 = arith.maximumf %add3A_577, %max3A_604 : vector<16xf32>
        %add3A_606 = arith.addf %max3A_605, %mul3A_602 : vector<16xf32>
        %div3A_607 = arith.divf %add3A_606, %add3A_581 : vector<16xf32>
        %add3A_608 = arith.constant 0 : i32
        %add3A_609 = arith.addi %mul3A_287, %add3A_608 : i32
        %swap3A_610 = arith.constant 1 : i32
        %swap3A_611 = arith.index_cast %swap3A_610 : i32 to index
        %swap3A_612 = arith.index_cast %add3A_609 : i32 to index
        %swap3A_613 = arith.constant 48 : index
        %swap3A_614 = tpu.vector_load %arg14[%swap3A_611, %swap3A_612, %swap3A_613] {strides = array<i32>} : memref<2x40x64xf32, #tpu.memory_space<vmem>>, vector<16xf32>,
        tpu.vector_store %arg14[%swap3A_611, %swap3A_612, %swap3A_613], %div3A_607 {strides = array<i32>} : memref<2x40x64xf32, #tpu.memory_space<vmem>>, vector<16xf32>,
        %add3A_615 = arith.constant 1 : i32
        %add3A_616 = arith.addi %mul3A_287, %add3A_615 : i32
        %get3A_617 = arith.constant 1 : i32
        %get3A_618 = arith.index_cast %get3A_617 : i32 to index
        %get3A_619 = arith.index_cast %add3A_616 : i32 to index
        %get3A_620 = arith.constant 0 : index
        %get3A_621 = tpu.vector_load %arg11[%get3A_618, %get3A_619, %get3A_620] {strides = array<i32>} : memref<2x40x64xi32, #tpu.memory_space<vmem>>, vector<16xi32>,
        %add3A_622 = arith.constant 1 : i32
        %add3A_623 = arith.addi %mul3A_287, %add3A_622 : i32
        %get3A_624 = arith.constant 1 : i32
        %get3A_625 = arith.index_cast %get3A_624 : i32 to index
        %get3A_626 = arith.index_cast %add3A_623 : i32 to index
        %get3A_627 = arith.constant 0 : index
        %get3A_628 = tpu.vector_load %arg12[%get3A_625, %get3A_626, %get3A_627] {strides = array<i32>} : memref<2x40x64xi32, #tpu.memory_space<vmem>>, vector<16xi32>,
        %get3A_629 = arith.constant 1 : i32
        %get3A_630 = arith.index_cast %get3A_629 : i32 to index
        %get3A_631 = arith.index_cast %add3A_285 : i32 to index
        %get3A_632 = arith.constant 64 : index
        %get3A_633 = tpu.vector_load %arg13[%get3A_630, %get3A_631, %get3A_632] {strides = array<i32>} : memref<2x20x128xi32, #tpu.memory_space<vmem>>, vector<16xi32>,
        %shift_left3A_634 = arith.constant 16 : i32
        %shift_left3A_635 = vector.broadcast %shift_left3A_634 : i32 to vector<16xi32>
        %shift_left3A_636 = arith.shli %get3A_621, %shift_left3A_635 : vector<16xi32>
        %bitcast3A_637 = vector.bitcast %shift_left3A_636 : vector<16xi32> to vector<16xf32>
        %shift_left3A_638 = arith.constant 16 : i32
        %shift_left3A_639 = vector.broadcast %shift_left3A_638 : i32 to vector<16xi32>
        %shift_left3A_640 = arith.shli %get3A_628, %shift_left3A_639 : vector<16xi32>
        %bitcast3A_641 = vector.bitcast %shift_left3A_640 : vector<16xi32> to vector<16xf32>
        %add3A_642 = arith.addf %bitcast3A_637, %bitcast3A_641 : vector<16xf32>
        %shift_left3A_643 = arith.constant 16 : i32
        %shift_left3A_644 = vector.broadcast %shift_left3A_643 : i32 to vector<16xi32>
        %shift_left3A_645 = arith.shli %get3A_633, %shift_left3A_644 : vector<16xi32>
        %bitcast3A_646 = vector.bitcast %shift_left3A_645 : vector<16xi32> to vector<16xf32>
        %add3A_647 = arith.addf %add3A_642, %bitcast3A_646 : vector<16xf32>
        %and3A_648 = arith.constant -65536 : i32
        %and3A_649 = vector.broadcast %and3A_648 : i32 to vector<16xi32>
        %and3A_650 = arith.andi %get3A_621, %and3A_649 : vector<16xi32>
        %bitcast3A_651 = vector.bitcast %and3A_650 : vector<16xi32> to vector<16xf32>
        %and3A_652 = arith.constant -65536 : i32
        %and3A_653 = vector.broadcast %and3A_652 : i32 to vector<16xi32>
        %and3A_654 = arith.andi %get3A_628, %and3A_653 : vector<16xi32>
        %bitcast3A_655 = vector.bitcast %and3A_654 : vector<16xi32> to vector<16xf32>
        %add3A_656 = arith.addf %bitcast3A_651, %bitcast3A_655 : vector<16xf32>
        %and3A_657 = arith.constant -65536 : i32
        %and3A_658 = vector.broadcast %and3A_657 : i32 to vector<16xi32>
        %and3A_659 = arith.andi %get3A_633, %and3A_658 : vector<16xi32>
        %bitcast3A_660 = vector.bitcast %and3A_659 : vector<16xi32> to vector<16xf32>
        %add3A_661 = arith.addf %add3A_656, %bitcast3A_660 : vector<16xf32>
        %exp3A_662 = math.exp %add3A_647 : vector<16xf32>
        %add3A_663 = arith.constant 1.000000e+00 : f32
        %add3A_664 = vector.broadcast %add3A_663 : f32 to vector<16xf32>
        %add3A_665 = arith.addf %exp3A_662, %add3A_664 : vector<16xf32>
        %abs3A_666 = math.absf %add3A_661 : vector<16xf32>
        %neg3A_667 = arith.constant 0.000000e+00 : f32
        %neg3A_668 = vector.broadcast %neg3A_667 : f32 to vector<16xf32>
        %neg3A_669 = arith.subf %neg3A_668, %abs3A_666 : vector<16xf32>
        %exp3A_670 = math.exp %neg3A_669 : vector<16xf32>
        %mul3A_671 = arith.mulf %exp3A_670, %exp3A_670 : vector<16xf32>
        %mul3A_672 = arith.constant -0.469774395 : f32
        %mul3A_673 = vector.broadcast %mul3A_672 : f32 to vector<16xf32>
        %mul3A_674 = arith.mulf %mul3A_673, %exp3A_670 : vector<16xf32>
        %add3A_675 = arith.constant 0.997187674 : f32
        %add3A_676 = vector.broadcast %add3A_675 : f32 to vector<16xf32>
        %add3A_677 = arith.addf %add3A_676, %mul3A_674 : vector<16xf32>
        %mul3A_678 = arith.constant -0.0574329607 : f32
        %mul3A_679 = vector.broadcast %mul3A_678 : f32 to vector<16xf32>
        %mul3A_680 = arith.mulf %mul3A_679, %exp3A_670 : vector<16xf32>
        %add3A_681 = arith.constant 0.223107144 : f32
        %add3A_682 = vector.broadcast %add3A_681 : f32 to vector<16xf32>
        %add3A_683 = arith.addf %add3A_682, %mul3A_680 : vector<16xf32>
        %mul3A_684 = arith.mulf %mul3A_671, %add3A_683 : vector<16xf32>
        %add3A_685 = arith.addf %add3A_677, %mul3A_684 : vector<16xf32>
        %mul3A_686 = arith.mulf %exp3A_670, %add3A_685 : vector<16xf32>
        %max3A_687 = arith.constant 0.000000e+00 : f32
        %max3A_688 = vector.broadcast %max3A_687 : f32 to vector<16xf32>
        %max3A_689 = arith.maximumf %add3A_661, %max3A_688 : vector<16xf32>
        %add3A_690 = arith.addf %max3A_689, %mul3A_686 : vector<16xf32>
        %div3A_691 = arith.divf %add3A_690, %add3A_665 : vector<16xf32>
        %add3A_692 = arith.constant 1 : i32
        %add3A_693 = arith.addi %mul3A_287, %add3A_692 : i32
        %swap3A_694 = arith.constant 1 : i32
        %swap3A_695 = arith.index_cast %swap3A_694 : i32 to index
        %swap3A_696 = arith.index_cast %add3A_693 : i32 to index
        %swap3A_697 = arith.constant 0 : index
        %swap3A_698 = tpu.vector_load %arg14[%swap3A_695, %swap3A_696, %swap3A_697] {strides = array<i32>} : memref<2x40x64xf32, #tpu.memory_space<vmem>>, vector<16xf32>,
        tpu.vector_store %arg14[%swap3A_695, %swap3A_696, %swap3A_697], %div3A_691 {strides = array<i32>} : memref<2x40x64xf32, #tpu.memory_space<vmem>>, vector<16xf32>,
        %add3A_699 = arith.constant 1 : i32
        %add3A_700 = arith.addi %mul3A_287, %add3A_699 : i32
        %get3A_701 = arith.constant 1 : i32
        %get3A_702 = arith.index_cast %get3A_701 : i32 to index
        %get3A_703 = arith.index_cast %add3A_700 : i32 to index
        %get3A_704 = arith.constant 16 : index
        %get3A_705 = tpu.vector_load %arg11[%get3A_702, %get3A_703, %get3A_704] {strides = array<i32>} : memref<2x40x64xi32, #tpu.memory_space<vmem>>, vector<16xi32>,
        %add3A_706 = arith.constant 1 : i32
        %add3A_707 = arith.addi %mul3A_287, %add3A_706 : i32
        %get3A_708 = arith.constant 1 : i32
        %get3A_709 = arith.index_cast %get3A_708 : i32 to index
        %get3A_710 = arith.index_cast %add3A_707 : i32 to index
        %get3A_711 = arith.constant 16 : index
        %get3A_712 = tpu.vector_load %arg12[%get3A_709, %get3A_710, %get3A_711] {strides = array<i32>} : memref<2x40x64xi32, #tpu.memory_space<vmem>>, vector<16xi32>,
        %get3A_713 = arith.constant 1 : i32
        %get3A_714 = arith.index_cast %get3A_713 : i32 to index
        %get3A_715 = arith.index_cast %add3A_285 : i32 to index
        %get3A_716 = arith.constant 80 : index
        %get3A_717 = tpu.vector_load %arg13[%get3A_714, %get3A_715, %get3A_716] {strides = array<i32>} : memref<2x20x128xi32, #tpu.memory_space<vmem>>, vector<16xi32>,
        %shift_left3A_718 = arith.constant 16 : i32
        %shift_left3A_719 = vector.broadcast %shift_left3A_718 : i32 to vector<16xi32>
        %shift_left3A_720 = arith.shli %get3A_705, %shift_left3A_719 : vector<16xi32>
        %bitcast3A_721 = vector.bitcast %shift_left3A_720 : vector<16xi32> to vector<16xf32>
        %shift_left3A_722 = arith.constant 16 : i32
        %shift_left3A_723 = vector.broadcast %shift_left3A_722 : i32 to vector<16xi32>
        %shift_left3A_724 = arith.shli %get3A_712, %shift_left3A_723 : vector<16xi32>
        %bitcast3A_725 = vector.bitcast %shift_left3A_724 : vector<16xi32> to vector<16xf32>
        %add3A_726 = arith.addf %bitcast3A_721, %bitcast3A_725 : vector<16xf32>
        %shift_left3A_727 = arith.constant 16 : i32
        %shift_left3A_728 = vector.broadcast %shift_left3A_727 : i32 to vector<16xi32>
        %shift_left3A_729 = arith.shli %get3A_717, %shift_left3A_728 : vector<16xi32>
        %bitcast3A_730 = vector.bitcast %shift_left3A_729 : vector<16xi32> to vector<16xf32>
        %add3A_731 = arith.addf %add3A_726, %bitcast3A_730 : vector<16xf32>
        %and3A_732 = arith.constant -65536 : i32
        %and3A_733 = vector.broadcast %and3A_732 : i32 to vector<16xi32>
        %and3A_734 = arith.andi %get3A_705, %and3A_733 : vector<16xi32>
        %bitcast3A_735 = vector.bitcast %and3A_734 : vector<16xi32> to vector<16xf32>
        %and3A_736 = arith.constant -65536 : i32
        %and3A_737 = vector.broadcast %and3A_736 : i32 to vector<16xi32>
        %and3A_738 = arith.andi %get3A_712, %and3A_737 : vector<16xi32>
        %bitcast3A_739 = vector.bitcast %and3A_738 : vector<16xi32> to vector<16xf32>
        %add3A_740 = arith.addf %bitcast3A_735, %bitcast3A_739 : vector<16xf32>
        %and3A_741 = arith.constant -65536 : i32
        %and3A_742 = vector.broadcast %and3A_741 : i32 to vector<16xi32>
        %and3A_743 = arith.andi %get3A_717, %and3A_742 : vector<16xi32>
        %bitcast3A_744 = vector.bitcast %and3A_743 : vector<16xi32> to vector<16xf32>
        %add3A_745 = arith.addf %add3A_740, %bitcast3A_744 : vector<16xf32>
        %exp3A_746 = math.exp %add3A_731 : vector<16xf32>
        %add3A_747 = arith.constant 1.000000e+00 : f32
        %add3A_748 = vector.broadcast %add3A_747 : f32 to vector<16xf32>
        %add3A_749 = arith.addf %exp3A_746, %add3A_748 : vector<16xf32>
        %abs3A_750 = math.absf %add3A_745 : vector<16xf32>
        %neg3A_751 = arith.constant 0.000000e+00 : f32
        %neg3A_752 = vector.broadcast %neg3A_751 : f32 to vector<16xf32>
        %neg3A_753 = arith.subf %neg3A_752, %abs3A_750 : vector<16xf32>
        %exp3A_754 = math.exp %neg3A_753 : vector<16xf32>
        %mul3A_755 = arith.mulf %exp3A_754, %exp3A_754 : vector<16xf32>
        %mul3A_756 = arith.constant -0.469774395 : f32
        %mul3A_757 = vector.broadcast %mul3A_756 : f32 to vector<16xf32>
        %mul3A_758 = arith.mulf %mul3A_757, %exp3A_754 : vector<16xf32>
        %add3A_759 = arith.constant 0.997187674 : f32
        %add3A_760 = vector.broadcast %add3A_759 : f32 to vector<16xf32>
        %add3A_761 = arith.addf %add3A_760, %mul3A_758 : vector<16xf32>
        %mul3A_762 = arith.constant -0.0574329607 : f32
        %mul3A_763 = vector.broadcast %mul3A_762 : f32 to vector<16xf32>
        %mul3A_764 = arith.mulf %mul3A_763, %exp3A_754 : vector<16xf32>
        %add3A_765 = arith.constant 0.223107144 : f32
        %add3A_766 = vector.broadcast %add3A_765 : f32 to vector<16xf32>
        %add3A_767 = arith.addf %add3A_766, %mul3A_764 : vector<16xf32>
        %mul3A_768 = arith.mulf %mul3A_755, %add3A_767 : vector<16xf32>
        %add3A_769 = arith.addf %add3A_761, %mul3A_768 : vector<16xf32>
        %mul3A_770 = arith.mulf %exp3A_754, %add3A_769 : vector<16xf32>
        %max3A_771 = arith.constant 0.000000e+00 : f32
        %max3A_772 = vector.broadcast %max3A_771 : f32 to vector<16xf32>
        %max3A_773 = arith.maximumf %add3A_745, %max3A_772 : vector<16xf32>
        %add3A_774 = arith.addf %max3A_773, %mul3A_770 : vector<16xf32>
        %div3A_775 = arith.divf %add3A_774, %add3A_749 : vector<16xf32>
        %add3A_776 = arith.constant 1 : i32
        %add3A_777 = arith.addi %mul3A_287, %add3A_776 : i32
        %swap3A_778 = arith.constant 1 : i32
        %swap3A_779 = arith.index_cast %swap3A_778 : i32 to index
        %swap3A_780 = arith.index_cast %add3A_777 : i32 to index
        %swap3A_781 = arith.constant 16 : index
        %swap3A_782 = tpu.vector_load %arg14[%swap3A_779, %swap3A_780, %swap3A_781] {strides = array<i32>} : memref<2x40x64xf32, #tpu.memory_space<vmem>>, vector<16xf32>,
        tpu.vector_store %arg14[%swap3A_779, %swap3A_780, %swap3A_781], %div3A_775 {strides = array<i32>} : memref<2x40x64xf32, #tpu.memory_space<vmem>>, vector<16xf32>,
        %add3A_783 = arith.constant 1 : i32
        %add3A_784 = arith.addi %mul3A_287, %add3A_783 : i32
        %get3A_785 = arith.constant 1 : i32
        %get3A_786 = arith.index_cast %get3A_785 : i32 to index
        %get3A_787 = arith.index_cast %add3A_784 : i32 to index
        %get3A_788 = arith.constant 32 : index
        %get3A_789 = tpu.vector_load %arg11[%get3A_786, %get3A_787, %get3A_788] {strides = array<i32>} : memref<2x40x64xi32, #tpu.memory_space<vmem>>, vector<16xi32>,
        %add3A_790 = arith.constant 1 : i32
        %add3A_791 = arith.addi %mul3A_287, %add3A_790 : i32
        %get3A_792 = arith.constant 1 : i32
        %get3A_793 = arith.index_cast %get3A_792 : i32 to index
        %get3A_794 = arith.index_cast %add3A_791 : i32 to index
        %get3A_795 = arith.constant 32 : index
        %get3A_796 = tpu.vector_load %arg12[%get3A_793, %get3A_794, %get3A_795] {strides = array<i32>} : memref<2x40x64xi32, #tpu.memory_space<vmem>>, vector<16xi32>,
        %get3A_797 = arith.constant 1 : i32
        %get3A_798 = arith.index_cast %get3A_797 : i32 to index
        %get3A_799 = arith.index_cast %add3A_285 : i32 to index
        %get3A_800 = arith.constant 96 : index
        %get3A_801 = tpu.vector_load %arg13[%get3A_798, %get3A_799, %get3A_800] {strides = array<i32>} : memref<2x20x128xi32, #tpu.memory_space<vmem>>, vector<16xi32>,
        %shift_left3A_802 = arith.constant 16 : i32
        %shift_left3A_803 = vector.broadcast %shift_left3A_802 : i32 to vector<16xi32>
        %shift_left3A_804 = arith.shli %get3A_789, %shift_left3A_803 : vector<16xi32>
        %bitcast3A_805 = vector.bitcast %shift_left3A_804 : vector<16xi32> to vector<16xf32>
        %shift_left3A_806 = arith.constant 16 : i32
        %shift_left3A_807 = vector.broadcast %shift_left3A_806 : i32 to vector<16xi32>
        %shift_left3A_808 = arith.shli %get3A_796, %shift_left3A_807 : vector<16xi32>
        %bitcast3A_809 = vector.bitcast %shift_left3A_808 : vector<16xi32> to vector<16xf32>
        %add3A_810 = arith.addf %bitcast3A_805, %bitcast3A_809 : vector<16xf32>
        %shift_left3A_811 = arith.constant 16 : i32
        %shift_left3A_812 = vector.broadcast %shift_left3A_811 : i32 to vector<16xi32>
        %shift_left3A_813 = arith.shli %get3A_801, %shift_left3A_812 : vector<16xi32>
        %bitcast3A_814 = vector.bitcast %shift_left3A_813 : vector<16xi32> to vector<16xf32>
        %add3A_815 = arith.addf %add3A_810, %bitcast3A_814 : vector<16xf32>
        %and3A_816 = arith.constant -65536 : i32
        %and3A_817 = vector.broadcast %and3A_816 : i32 to vector<16xi32>
        %and3A_818 = arith.andi %get3A_789, %and3A_817 : vector<16xi32>
        %bitcast3A_819 = vector.bitcast %and3A_818 : vector<16xi32> to vector<16xf32>
        %and3A_820 = arith.constant -65536 : i32
        %and3A_821 = vector.broadcast %and3A_820 : i32 to vector<16xi32>
        %and3A_822 = arith.andi %get3A_796, %and3A_821 : vector<16xi32>
        %bitcast3A_823 = vector.bitcast %and3A_822 : vector<16xi32> to vector<16xf32>
        %add3A_824 = arith.addf %bitcast3A_819, %bitcast3A_823 : vector<16xf32>
        %and3A_825 = arith.constant -65536 : i32
        %and3A_826 = vector.broadcast %and3A_825 : i32 to vector<16xi32>
        %and3A_827 = arith.andi %get3A_801, %and3A_826 : vector<16xi32>
        %bitcast3A_828 = vector.bitcast %and3A_827 : vector<16xi32> to vector<16xf32>
        %add3A_829 = arith.addf %add3A_824, %bitcast3A_828 : vector<16xf32>
        %exp3A_830 = math.exp %add3A_815 : vector<16xf32>
        %add3A_831 = arith.constant 1.000000e+00 : f32
        %add3A_832 = vector.broadcast %add3A_831 : f32 to vector<16xf32>
        %add3A_833 = arith.addf %exp3A_830, %add3A_832 : vector<16xf32>
        %abs3A_834 = math.absf %add3A_829 : vector<16xf32>
        %neg3A_835 = arith.constant 0.000000e+00 : f32
        %neg3A_836 = vector.broadcast %neg3A_835 : f32 to vector<16xf32>
        %neg3A_837 = arith.subf %neg3A_836, %abs3A_834 : vector<16xf32>
        %exp3A_838 = math.exp %neg3A_837 : vector<16xf32>
        %mul3A_839 = arith.mulf %exp3A_838, %exp3A_838 : vector<16xf32>
        %mul3A_840 = arith.constant -0.469774395 : f32
        %mul3A_841 = vector.broadcast %mul3A_840 : f32 to vector<16xf32>
        %mul3A_842 = arith.mulf %mul3A_841, %exp3A_838 : vector<16xf32>
        %add3A_843 = arith.constant 0.997187674 : f32
        %add3A_844 = vector.broadcast %add3A_843 : f32 to vector<16xf32>
        %add3A_845 = arith.addf %add3A_844, %mul3A_842 : vector<16xf32>
        %mul3A_846 = arith.constant -0.0574329607 : f32
        %mul3A_847 = vector.broadcast %mul3A_846 : f32 to vector<16xf32>
        %mul3A_848 = arith.mulf %mul3A_847, %exp3A_838 : vector<16xf32>
        %add3A_849 = arith.constant 0.223107144 : f32
        %add3A_850 = vector.broadcast %add3A_849 : f32 to vector<16xf32>
        %add3A_851 = arith.addf %add3A_850, %mul3A_848 : vector<16xf32>
        %mul3A_852 = arith.mulf %mul3A_839, %add3A_851 : vector<16xf32>
        %add3A_853 = arith.addf %add3A_845, %mul3A_852 : vector<16xf32>
        %mul3A_854 = arith.mulf %exp3A_838, %add3A_853 : vector<16xf32>
        %max3A_855 = arith.constant 0.000000e+00 : f32
        %max3A_856 = vector.broadcast %max3A_855 : f32 to vector<16xf32>
        %max3A_857 = arith.maximumf %add3A_829, %max3A_856 : vector<16xf32>
        %add3A_858 = arith.addf %max3A_857, %mul3A_854 : vector<16xf32>
        %div3A_859 = arith.divf %add3A_858, %add3A_833 : vector<16xf32>
        %add3A_860 = arith.constant 1 : i32
        %add3A_861 = arith.addi %mul3A_287, %add3A_860 : i32
        %swap3A_862 = arith.constant 1 : i32
        %swap3A_863 = arith.index_cast %swap3A_862 : i32 to index
        %swap3A_864 = arith.index_cast %add3A_861 : i32 to index
        %swap3A_865 = arith.constant 32 : index
        %swap3A_866 = tpu.vector_load %arg14[%swap3A_863, %swap3A_864, %swap3A_865] {strides = array<i32>} : memref<2x40x64xf32, #tpu.memory_space<vmem>>, vector<16xf32>,
        tpu.vector_store %arg14[%swap3A_863, %swap3A_864, %swap3A_865], %div3A_859 {strides = array<i32>} : memref<2x40x64xf32, #tpu.memory_space<vmem>>, vector<16xf32>,
        %add3A_867 = arith.constant 1 : i32
        %add3A_868 = arith.addi %mul3A_287, %add3A_867 : i32
        %get3A_869 = arith.constant 1 : i32
        %get3A_870 = arith.index_cast %get3A_869 : i32 to index
        %get3A_871 = arith.index_cast %add3A_868 : i32 to index
        %get3A_872 = arith.constant 48 : index
        %get3A_873 = tpu.vector_load %arg11[%get3A_870, %get3A_871, %get3A_872] {strides = array<i32>} : memref<2x40x64xi32, #tpu.memory_space<vmem>>, vector<16xi32>,
        %add3A_874 = arith.constant 1 : i32
        %add3A_875 = arith.addi %mul3A_287, %add3A_874 : i32
        %get3A_876 = arith.constant 1 : i32
        %get3A_877 = arith.index_cast %get3A_876 : i32 to index
        %get3A_878 = arith.index_cast %add3A_875 : i32 to index
        %get3A_879 = arith.constant 48 : index
        %get3A_880 = tpu.vector_load %arg12[%get3A_877, %get3A_878, %get3A_879] {strides = array<i32>} : memref<2x40x64xi32, #tpu.memory_space<vmem>>, vector<16xi32>,
        %get3A_881 = arith.constant 1 : i32
        %get3A_882 = arith.index_cast %get3A_881 : i32 to index
        %get3A_883 = arith.index_cast %add3A_285 : i32 to index
        %get3A_884 = arith.constant 112 : index
        %get3A_885 = tpu.vector_load %arg13[%get3A_882, %get3A_883, %get3A_884] {strides = array<i32>} : memref<2x20x128xi32, #tpu.memory_space<vmem>>, vector<16xi32>,
        %shift_left3A_886 = arith.constant 16 : i32
        %shift_left3A_887 = vector.broadcast %shift_left3A_886 : i32 to vector<16xi32>
        %shift_left3A_888 = arith.shli %get3A_873, %shift_left3A_887 : vector<16xi32>
        %bitcast3A_889 = vector.bitcast %shift_left3A_888 : vector<16xi32> to vector<16xf32>
        %shift_left3A_890 = arith.constant 16 : i32
        %shift_left3A_891 = vector.broadcast %shift_left3A_890 : i32 to vector<16xi32>
        %shift_left3A_892 = arith.shli %get3A_880, %shift_left3A_891 : vector<16xi32>
        %bitcast3A_893 = vector.bitcast %shift_left3A_892 : vector<16xi32> to vector<16xf32>
        %add3A_894 = arith.addf %bitcast3A_889, %bitcast3A_893 : vector<16xf32>
        %shift_left3A_895 = arith.constant 16 : i32
        %shift_left3A_896 = vector.broadcast %shift_left3A_895 : i32 to vector<16xi32>
        %shift_left3A_897 = arith.shli %get3A_885, %shift_left3A_896 : vector<16xi32>
        %bitcast3A_898 = vector.bitcast %shift_left3A_897 : vector<16xi32> to vector<16xf32>
        %add3A_899 = arith.addf %add3A_894, %bitcast3A_898 : vector<16xf32>
        %and3A_900 = arith.constant -65536 : i32
        %and3A_901 = vector.broadcast %and3A_900 : i32 to vector<16xi32>
        %and3A_902 = arith.andi %get3A_873, %and3A_901 : vector<16xi32>
        %bitcast3A_903 = vector.bitcast %and3A_902 : vector<16xi32> to vector<16xf32>
        %and3A_904 = arith.constant -65536 : i32
        %and3A_905 = vector.broadcast %and3A_904 : i32 to vector<16xi32>
        %and3A_906 = arith.andi %get3A_880, %and3A_905 : vector<16xi32>
        %bitcast3A_907 = vector.bitcast %and3A_906 : vector<16xi32> to vector<16xf32>
        %add3A_908 = arith.addf %bitcast3A_903, %bitcast3A_907 : vector<16xf32>
        %and3A_909 = arith.constant -65536 : i32
        %and3A_910 = vector.broadcast %and3A_909 : i32 to vector<16xi32>
        %and3A_911 = arith.andi %get3A_885, %and3A_910 : vector<16xi32>
        %bitcast3A_912 = vector.bitcast %and3A_911 : vector<16xi32> to vector<16xf32>
        %add3A_913 = arith.addf %add3A_908, %bitcast3A_912 : vector<16xf32>
        %exp3A_914 = math.exp %add3A_899 : vector<16xf32>
        %add3A_915 = arith.constant 1.000000e+00 : f32
        %add3A_916 = vector.broadcast %add3A_915 : f32 to vector<16xf32>
        %add3A_917 = arith.addf %exp3A_914, %add3A_916 : vector<16xf32>
        %abs3A_918 = math.absf %add3A_913 : vector<16xf32>
        %neg3A_919 = arith.constant 0.000000e+00 : f32
        %neg3A_920 = vector.broadcast %neg3A_919 : f32 to vector<16xf32>
        %neg3A_921 = arith.subf %neg3A_920, %abs3A_918 : vector<16xf32>
        %exp3A_922 = math.exp %neg3A_921 : vector<16xf32>
        %mul3A_923 = arith.mulf %exp3A_922, %exp3A_922 : vector<16xf32>
        %mul3A_924 = arith.constant -0.469774395 : f32
        %mul3A_925 = vector.broadcast %mul3A_924 : f32 to vector<16xf32>
        %mul3A_926 = arith.mulf %mul3A_925, %exp3A_922 : vector<16xf32>
        %add3A_927 = arith.constant 0.997187674 : f32
        %add3A_928 = vector.broadcast %add3A_927 : f32 to vector<16xf32>
        %add3A_929 = arith.addf %add3A_928, %mul3A_926 : vector<16xf32>
        %mul3A_930 = arith.constant -0.0574329607 : f32
        %mul3A_931 = vector.broadcast %mul3A_930 : f32 to vector<16xf32>
        %mul3A_932 = arith.mulf %mul3A_931, %exp3A_922 : vector<16xf32>
        %add3A_933 = arith.constant 0.223107144 : f32
        %add3A_934 = vector.broadcast %add3A_933 : f32 to vector<16xf32>
        %add3A_935 = arith.addf %add3A_934, %mul3A_932 : vector<16xf32>
        %mul3A_936 = arith.mulf %mul3A_923, %add3A_935 : vector<16xf32>
        %add3A_937 = arith.addf %add3A_929, %mul3A_936 : vector<16xf32>
        %mul3A_938 = arith.mulf %exp3A_922, %add3A_937 : vector<16xf32>
        %max3A_939 = arith.constant 0.000000e+00 : f32
        %max3A_940 = vector.broadcast %max3A_939 : f32 to vector<16xf32>
        %max3A_941 = arith.maximumf %add3A_913, %max3A_940 : vector<16xf32>
        %add3A_942 = arith.addf %max3A_941, %mul3A_938 : vector<16xf32>
        %div3A_943 = arith.divf %add3A_942, %add3A_917 : vector<16xf32>
        %add3A_944 = arith.constant 1 : i32
        %add3A_945 = arith.addi %mul3A_287, %add3A_944 : i32
        %swap3A_946 = arith.constant 1 : i32
        %swap3A_947 = arith.index_cast %swap3A_946 : i32 to index
        %swap3A_948 = arith.index_cast %add3A_945 : i32 to index
        %swap3A_949 = arith.constant 48 : index
        %swap3A_950 = tpu.vector_load %arg14[%swap3A_947, %swap3A_948, %swap3A_949] {strides = array<i32>} : memref<2x40x64xf32, #tpu.memory_space<vmem>>, vector<16xf32>,
        tpu.vector_store %arg14[%swap3A_947, %swap3A_948, %swap3A_949], %div3A_943 {strides = array<i32>} : memref<2x40x64xf32, #tpu.memory_space<vmem>>, vector<16xf32>,
      }
      %scan3A_277 = arith.constant 20 : i32
      %add3A_278 = arith.constant 1 : i32
      %add3A_279 = arith.addi %add3A_70, %add3A_278 : i32
      %run_scoped3A_280 = arith.constant 1 : i32
      "tpu.region"() ({
        %run_scoped3A_281 = tpu.sem_alloc : memref<!tpu.dma_semaphore, #tpu.memory_space<semaphore_mem>>
        %dma_start3A_282 = arith.constant 0 : i32
        %dma_start3A_283 = arith.constant 0 : i32
        %dma_start3A_284 = tpu.memref_slice %arg14[%run_scoped3A_280, %dma_start3A_282, %dma_start3A_283] : memref<2x40x64xf32, #tpu.memory_space<vmem>> -> memref<1x40x64xf32, #tpu.memory_space<vmem>>
        %dma_start3A_285 = tpu.memref_squeeze %dma_start3A_284 : memref<1x40x64xf32, #tpu.memory_space<vmem>> -> memref<40x64xf32, #tpu.memory_space<vmem>>
        %dma_start3A_286 = arith.constant 0 : i32
        %dma_start3A_287 = tpu.memref_slice %arg9[%add3A_279, %dma_start3A_286] : memref<500x40xi32, #tpu.memory_space<vmem>> -> memref<1x40xi32, #tpu.memory_space<vmem>>
        %dma_start3A_288 = tpu.memref_squeeze %dma_start3A_287 : memref<1x40xi32, #tpu.memory_space<vmem>> -> memref<40xi32, #tpu.memory_space<vmem>>
        %dma_start3A_289 = arith.constant 0 : i32
        %dma_start3A_290 = arith.constant 0 : i32
        %dma_start3A_291 = tpu.memref_slice %arg15[%dma_start3A_289, %dma_start3A_290] : memref<10000x64xf32, #tpu.memory_space<vmem_shared>> -> memref<10000x64xf32, #tpu.memory_space<vmem_shared>>
        tpu.enqueue_indirect_dma source(%dma_start3A_285 : memref<40x64xf32, #tpu.memory_space<vmem>>) target(%dma_start3A_291 : memref<10000x64xf32, #tpu.memory_space<vmem_shared>>) offsets(%dma_start3A_288 : memref<40xi32, #tpu.memory_space<vmem>>) semaphore(%run_scoped3A_281 : memref<!tpu.dma_semaphore, #tpu.memory_space<semaphore_mem>>) {add = true}
        %dma_wait3A_292 = arith.constant 0 : i32
        %dma_wait3A_293 = arith.constant 0 : i32
        %dma_wait3A_294 = tpu.memref_slice %arg14[%run_scoped3A_280, %dma_wait3A_292, %dma_wait3A_293] : memref<2x40x64xf32, #tpu.memory_space<vmem>> -> memref<1x40x64xf32, #tpu.memory_space<vmem>>
        %dma_wait3A_295 = tpu.memref_squeeze %dma_wait3A_294 : memref<1x40x64xf32, #tpu.memory_space<vmem>> -> memref<40x64xf32, #tpu.memory_space<vmem>>
        %dma_wait3A_296 = arith.constant 0 : i32
        %dma_wait3A_297 = tpu.memref_slice %arg9[%add3A_279, %dma_wait3A_296] : memref<500x40xi32, #tpu.memory_space<vmem>> -> memref<1x40xi32, #tpu.memory_space<vmem>>
        %dma_wait3A_298 = tpu.memref_squeeze %dma_wait3A_297 : memref<1x40xi32, #tpu.memory_space<vmem>> -> memref<40xi32, #tpu.memory_space<vmem>>
        %dma_wait3A_299 = arith.constant 0 : i32
        %dma_wait3A_300 = arith.constant 0 : i32
        %dma_wait3A_301 = tpu.memref_slice %arg15[%dma_wait3A_299, %dma_wait3A_300] : memref<10000x64xf32, #tpu.memory_space<vmem_shared>> -> memref<10000x64xf32, #tpu.memory_space<vmem_shared>>
        tpu.wait_indirect_dma semaphore(%run_scoped3A_281 : memref<!tpu.dma_semaphore, #tpu.memory_space<semaphore_mem>>) src(%dma_wait3A_295 : memref<40x64xf32, #tpu.memory_space<vmem>>) dst(%dma_wait3A_301 : memref<10000x64xf32, #tpu.memory_space<vmem_shared>>)
        tpu.yield
      }) : () -> ()
    }
    %scan3A_64 = arith.constant 250 : i32
    %barrier3A_65 = arith.constant 0 : index
    tpu.barrier barrier_id(%barrier3A_65)
    "tpu.region"() ({
      %run_scoped3A = tpu.sem_alloc : memref<!tpu.dma_semaphore, #tpu.memory_space<semaphore_mem>>
      %dma_start3A_66 = arith.constant 0 : i32
      %dma_start3A_67 = tpu.memref_slice %arg8[%arg0, %mul3A_0, %dma_start3A_66] : memref<2x10000x64xf32, #tpu.memory_space<hbm>> -> memref<1x625x64xf32, #tpu.memory_space<hbm>>
      %dma_start3A_68 = tpu.memref_squeeze %dma_start3A_67 : memref<1x625x64xf32, #tpu.memory_space<hbm>> -> memref<625x64xf32, #tpu.memory_space<hbm>>
      %dma_start3A_69 = arith.constant 0 : i32
      %dma_start3A_70 = tpu.memref_slice %arg15[%mul3A_0, %dma_start3A_69] : memref<10000x64xf32, #tpu.memory_space<vmem_shared>> -> memref<625x64xf32, #tpu.memory_space<vmem_shared>>
      tpu.enqueue_dma source(%dma_start3A_70 : memref<625x64xf32, #tpu.memory_space<vmem_shared>>) target(%dma_start3A_68 : memref<625x64xf32, #tpu.memory_space<hbm>>) target_semaphore(%run_scoped3A : memref<!tpu.dma_semaphore, #tpu.memory_space<semaphore_mem>>)
      %dma_wait3A = arith.constant 0 : i32
      %dma_wait3A_71 = tpu.memref_slice %arg8[%arg0, %mul3A_0, %dma_wait3A] : memref<2x10000x64xf32, #tpu.memory_space<hbm>> -> memref<1x625x64xf32, #tpu.memory_space<hbm>>
      %dma_wait3A_72 = tpu.memref_squeeze %dma_wait3A_71 : memref<1x625x64xf32, #tpu.memory_space<hbm>> -> memref<625x64xf32, #tpu.memory_space<hbm>>
      %dma_wait3A_73 = arith.constant 0 : i32
      %dma_wait3A_74 = tpu.memref_slice %arg15[%mul3A_0, %dma_wait3A_73] : memref<10000x64xf32, #tpu.memory_space<vmem_shared>> -> memref<625x64xf32, #tpu.memory_space<vmem_shared>>
      tpu.wait_dma2 semaphore(%run_scoped3A : memref<!tpu.dma_semaphore, #tpu.memory_space<semaphore_mem>>) src(%dma_wait3A_74 : memref<625x64xf32, #tpu.memory_space<vmem_shared>>) dst(%dma_wait3A_72 : memref<625x64xf32, #tpu.memory_space<hbm>>)
      tpu.yield
    }) : () -> ()
    return
  }
}

module attributes {stable_mosaic.version = 14 : i64} {
  func.func @body(%arg0: i32, %arg1: memref<2000x128xf32, #tpu.memory_space<vmem>>, %arg2: memref<128x128xf32, #tpu.memory_space<vmem>>, %arg3: memref<1x128xf32, #tpu.memory_space<vmem>>, %arg4: memref<128x256xf32, #tpu.memory_space<vmem>>, %arg5: memref<128x256xf32, #tpu.memory_space<vmem>>, %arg6: memref<2x2000x64xf32, #tpu.memory_space<vmem>>, %arg7: memref<2x2000x64xi32, #tpu.memory_space<vmem>>, %arg8: memref<2x2000x64xi32, #tpu.memory_space<vmem>>) attributes {dimension_semantics = [#tpu.dimension_semantics<arbitrary>], iteration_bounds = array<i64: 5>, scalar_prefetch = 0 : i64, scratch_operands = 0 : i64, tpu.core_type = #tpu.core_type<tc>, window_params = [{transform_indices = @transform_0, window_bounds = array<i64: 2000, 128>}, {pipeline_mode = #tpu.pipeline_mode<synchronous>, transform_indices = @transform_1, window_bounds = array<i64: 128, 128>}, {pipeline_mode = #tpu.pipeline_mode<synchronous>, transform_indices = @transform_2, window_bounds = array<i64: 1, 128>}, {pipeline_mode = #tpu.pipeline_mode<synchronous>, transform_indices = @transform_3, window_bounds = array<i64: 128, 256>}, {pipeline_mode = #tpu.pipeline_mode<synchronous>, transform_indices = @transform_4, window_bounds = array<i64: 128, 256>}, {transform_indices = @transform_5, window_bounds = array<i64: 2, 2000, 64>}, {transform_indices = @transform_6, window_bounds = array<i64: 2, 2000, 64>}, {transform_indices = @transform_7, window_bounds = array<i64: 2, 2000, 64>}]} {
    %get3A = arith.constant 0 : index
    %get3A_0 = arith.constant 0 : index
    %get3A_1 = vector.load %arg1[%get3A, %get3A_0] : memref<2000x128xf32, #tpu.memory_space<vmem>>, vector<2000x128xf32>
    %get3A_2 = arith.constant 0 : index
    %get3A_3 = arith.constant 0 : index
    %get3A_4 = vector.load %arg2[%get3A_2, %get3A_3] : memref<128x128xf32, #tpu.memory_space<vmem>>, vector<128x128xf32>
    %dot_general3A = arith.constant dense<0.000000e+00> : vector<2000x128xf32>
    %dot_general3A_5 = tpu.matmul %get3A_1, %get3A_4, %dot_general3A {dimension_numbers = #tpu.dot_dimension_numbers<[1], [0], [0], [1], [0, 0, 1, 1], [], []>, transpose_lhs_hint = false} : vector<2000x128xf32>, vector<128x128xf32>, vector<2000x128xf32> -> vector<2000x128xf32>
    %get3A_6 = arith.constant 0 : index
    %get3A_7 = arith.constant 0 : index
    %get3A_8 = vector.load %arg3[%get3A_6, %get3A_7] : memref<1x128xf32, #tpu.memory_space<vmem>>, vector<1x128xf32>
    %add3A = vector.broadcast %get3A_8 : vector<1x128xf32> to vector<2000x128xf32>
    %add3A_9 = arith.addf %dot_general3A_5, %add3A : vector<2000x128xf32>
    %max3A = arith.constant 0.000000e+00 : f32
    %max3A_10 = vector.broadcast %max3A : f32 to vector<2000x128xf32>
    %max3A_11 = arith.maximumf %add3A_9, %max3A_10 : vector<2000x128xf32>
    %slice3A = vector.extract_strided_slice %max3A_11 {offsets = [0, 0], sizes = [2000, 64], strides = [1, 1]} : vector<2000x128xf32> to vector<2000x64xf32>
    %swap3A = arith.constant 0 : index
    %swap3A_12 = arith.constant 0 : index
    %swap3A_13 = arith.constant 0 : index
    %swap3A_14 = vector.load %arg6[%swap3A, %swap3A_12, %swap3A_13] : memref<2x2000x64xf32, #tpu.memory_space<vmem>>, vector<1x2000x64xf32>
    %swap3A_15 = vector.shape_cast %swap3A_14 : vector<1x2000x64xf32> to vector<2000x64xf32>
    %swap3A_16 = vector.shape_cast %slice3A : vector<2000x64xf32> to vector<1x2000x64xf32>
    tpu.vector_store %arg6[%swap3A, %swap3A_12, %swap3A_13], %swap3A_16 {strides = array<i32>} : memref<2x2000x64xf32, #tpu.memory_space<vmem>>, vector<1x2000x64xf32>,
    %slice3A_17 = vector.extract_strided_slice %max3A_11 {offsets = [0, 64], sizes = [2000, 64], strides = [1, 1]} : vector<2000x128xf32> to vector<2000x64xf32>
    %swap3A_18 = arith.constant 1 : index
    %swap3A_19 = arith.constant 0 : index
    %swap3A_20 = arith.constant 0 : index
    %swap3A_21 = vector.load %arg6[%swap3A_18, %swap3A_19, %swap3A_20] : memref<2x2000x64xf32, #tpu.memory_space<vmem>>, vector<1x2000x64xf32>
    %swap3A_22 = vector.shape_cast %swap3A_21 : vector<1x2000x64xf32> to vector<2000x64xf32>
    %swap3A_23 = vector.shape_cast %slice3A_17 : vector<2000x64xf32> to vector<1x2000x64xf32>
    tpu.vector_store %arg6[%swap3A_18, %swap3A_19, %swap3A_20], %swap3A_23 {strides = array<i32>} : memref<2x2000x64xf32, #tpu.memory_space<vmem>>, vector<1x2000x64xf32>,
    %get3A_24 = arith.constant 0 : index
    %get3A_25 = arith.constant 0 : index
    %get3A_26 = vector.load %arg4[%get3A_24, %get3A_25] : memref<128x256xf32, #tpu.memory_space<vmem>>, vector<128x256xf32>
    %dot_general3A_27 = arith.constant dense<0.000000e+00> : vector<2000x256xf32>
    %dot_general3A_28 = tpu.matmul %max3A_11, %get3A_26, %dot_general3A_27 {dimension_numbers = #tpu.dot_dimension_numbers<[1], [0], [0], [1], [0, 0, 1, 1], [], []>, transpose_lhs_hint = false} : vector<2000x128xf32>, vector<128x256xf32>, vector<2000x256xf32> -> vector<2000x256xf32>
    %slice3A_29 = vector.extract_strided_slice %dot_general3A_28 {offsets = [0, 0], sizes = [2000, 128], strides = [1, 1]} : vector<2000x256xf32> to vector<2000x128xf32>
    %slice3A_30 = vector.extract_strided_slice %dot_general3A_28 {offsets = [0, 128], sizes = [2000, 128], strides = [1, 1]} : vector<2000x256xf32> to vector<2000x128xf32>
    %bitcast_convert_type3A = tpu.bitcast %slice3A_29 : vector<2000x128xf32> -> vector<2000x128xi32>
    %bitcast_convert_type3A_31 = tpu.bitcast %slice3A_30 : vector<2000x128xf32> -> vector<2000x128xi32>
    %add3A_32 = arith.constant 32767 : i32
    %add3A_33 = vector.broadcast %add3A_32 : i32 to vector<2000x128xi32>
    %add3A_34 = arith.addi %bitcast_convert_type3A, %add3A_33 : vector<2000x128xi32>
    %shift_right_logical3A = arith.constant 16 : i32
    %shift_right_logical3A_35 = vector.broadcast %shift_right_logical3A : i32 to vector<2000x128xi32>
    %shift_right_logical3A_36 = arith.shrui %bitcast_convert_type3A, %shift_right_logical3A_35 : vector<2000x128xi32>
    %and3A = arith.constant 1 : i32
    %and3A_37 = vector.broadcast %and3A : i32 to vector<2000x128xi32>
    %and3A_38 = arith.andi %shift_right_logical3A_36, %and3A_37 : vector<2000x128xi32>
    %add3A_39 = arith.addi %add3A_34, %and3A_38 : vector<2000x128xi32>
    %shift_right_logical3A_40 = arith.constant 16 : i32
    %shift_right_logical3A_41 = vector.broadcast %shift_right_logical3A_40 : i32 to vector<2000x128xi32>
    %shift_right_logical3A_42 = arith.shrui %add3A_39, %shift_right_logical3A_41 : vector<2000x128xi32>
    %add3A_43 = arith.constant 32767 : i32
    %add3A_44 = vector.broadcast %add3A_43 : i32 to vector<2000x128xi32>
    %add3A_45 = arith.addi %bitcast_convert_type3A_31, %add3A_44 : vector<2000x128xi32>
    %shift_right_logical3A_46 = arith.constant 16 : i32
    %shift_right_logical3A_47 = vector.broadcast %shift_right_logical3A_46 : i32 to vector<2000x128xi32>
    %shift_right_logical3A_48 = arith.shrui %bitcast_convert_type3A_31, %shift_right_logical3A_47 : vector<2000x128xi32>
    %and3A_49 = arith.constant 1 : i32
    %and3A_50 = vector.broadcast %and3A_49 : i32 to vector<2000x128xi32>
    %and3A_51 = arith.andi %shift_right_logical3A_48, %and3A_50 : vector<2000x128xi32>
    %add3A_52 = arith.addi %add3A_45, %and3A_51 : vector<2000x128xi32>
    %and3A_53 = arith.constant -65536 : i32
    %and3A_54 = vector.broadcast %and3A_53 : i32 to vector<2000x128xi32>
    %and3A_55 = arith.andi %add3A_52, %and3A_54 : vector<2000x128xi32>
    %or3A = arith.ori %and3A_55, %shift_right_logical3A_42 : vector<2000x128xi32>
    %slice3A_56 = vector.extract_strided_slice %or3A {offsets = [0, 0], sizes = [2000, 64], strides = [1, 1]} : vector<2000x128xi32> to vector<2000x64xi32>
    %swap3A_57 = arith.constant 0 : index
    %swap3A_58 = arith.constant 0 : index
    %swap3A_59 = arith.constant 0 : index
    %swap3A_60 = vector.load %arg7[%swap3A_57, %swap3A_58, %swap3A_59] : memref<2x2000x64xi32, #tpu.memory_space<vmem>>, vector<1x2000x64xi32>
    %swap3A_61 = vector.shape_cast %swap3A_60 : vector<1x2000x64xi32> to vector<2000x64xi32>
    %swap3A_62 = vector.shape_cast %slice3A_56 : vector<2000x64xi32> to vector<1x2000x64xi32>
    tpu.vector_store %arg7[%swap3A_57, %swap3A_58, %swap3A_59], %swap3A_62 {strides = array<i32>} : memref<2x2000x64xi32, #tpu.memory_space<vmem>>, vector<1x2000x64xi32>,
    %slice3A_63 = vector.extract_strided_slice %or3A {offsets = [0, 64], sizes = [2000, 64], strides = [1, 1]} : vector<2000x128xi32> to vector<2000x64xi32>
    %swap3A_64 = arith.constant 1 : index
    %swap3A_65 = arith.constant 0 : index
    %swap3A_66 = arith.constant 0 : index
    %swap3A_67 = vector.load %arg7[%swap3A_64, %swap3A_65, %swap3A_66] : memref<2x2000x64xi32, #tpu.memory_space<vmem>>, vector<1x2000x64xi32>
    %swap3A_68 = vector.shape_cast %swap3A_67 : vector<1x2000x64xi32> to vector<2000x64xi32>
    %swap3A_69 = vector.shape_cast %slice3A_63 : vector<2000x64xi32> to vector<1x2000x64xi32>
    tpu.vector_store %arg7[%swap3A_64, %swap3A_65, %swap3A_66], %swap3A_69 {strides = array<i32>} : memref<2x2000x64xi32, #tpu.memory_space<vmem>>, vector<1x2000x64xi32>,
    %get3A_70 = arith.constant 0 : index
    %get3A_71 = arith.constant 0 : index
    %get3A_72 = vector.load %arg5[%get3A_70, %get3A_71] : memref<128x256xf32, #tpu.memory_space<vmem>>, vector<128x256xf32>
    %dot_general3A_73 = arith.constant dense<0.000000e+00> : vector<2000x256xf32>
    %dot_general3A_74 = tpu.matmul %max3A_11, %get3A_72, %dot_general3A_73 {dimension_numbers = #tpu.dot_dimension_numbers<[1], [0], [0], [1], [0, 0, 1, 1], [], []>, transpose_lhs_hint = false} : vector<2000x128xf32>, vector<128x256xf32>, vector<2000x256xf32> -> vector<2000x256xf32>
    %slice3A_75 = vector.extract_strided_slice %dot_general3A_74 {offsets = [0, 0], sizes = [2000, 128], strides = [1, 1]} : vector<2000x256xf32> to vector<2000x128xf32>
    %slice3A_76 = vector.extract_strided_slice %dot_general3A_74 {offsets = [0, 128], sizes = [2000, 128], strides = [1, 1]} : vector<2000x256xf32> to vector<2000x128xf32>
    %bitcast_convert_type3A_77 = tpu.bitcast %slice3A_75 : vector<2000x128xf32> -> vector<2000x128xi32>
    %bitcast_convert_type3A_78 = tpu.bitcast %slice3A_76 : vector<2000x128xf32> -> vector<2000x128xi32>
    %add3A_79 = arith.constant 32767 : i32
    %add3A_80 = vector.broadcast %add3A_79 : i32 to vector<2000x128xi32>
    %add3A_81 = arith.addi %bitcast_convert_type3A_77, %add3A_80 : vector<2000x128xi32>
    %shift_right_logical3A_82 = arith.constant 16 : i32
    %shift_right_logical3A_83 = vector.broadcast %shift_right_logical3A_82 : i32 to vector<2000x128xi32>
    %shift_right_logical3A_84 = arith.shrui %bitcast_convert_type3A_77, %shift_right_logical3A_83 : vector<2000x128xi32>
    %and3A_85 = arith.constant 1 : i32
    %and3A_86 = vector.broadcast %and3A_85 : i32 to vector<2000x128xi32>
    %and3A_87 = arith.andi %shift_right_logical3A_84, %and3A_86 : vector<2000x128xi32>
    %add3A_88 = arith.addi %add3A_81, %and3A_87 : vector<2000x128xi32>
    %shift_right_logical3A_89 = arith.constant 16 : i32
    %shift_right_logical3A_90 = vector.broadcast %shift_right_logical3A_89 : i32 to vector<2000x128xi32>
    %shift_right_logical3A_91 = arith.shrui %add3A_88, %shift_right_logical3A_90 : vector<2000x128xi32>
    %add3A_92 = arith.constant 32767 : i32
    %add3A_93 = vector.broadcast %add3A_92 : i32 to vector<2000x128xi32>
    %add3A_94 = arith.addi %bitcast_convert_type3A_78, %add3A_93 : vector<2000x128xi32>
    %shift_right_logical3A_95 = arith.constant 16 : i32
    %shift_right_logical3A_96 = vector.broadcast %shift_right_logical3A_95 : i32 to vector<2000x128xi32>
    %shift_right_logical3A_97 = arith.shrui %bitcast_convert_type3A_78, %shift_right_logical3A_96 : vector<2000x128xi32>
    %and3A_98 = arith.constant 1 : i32
    %and3A_99 = vector.broadcast %and3A_98 : i32 to vector<2000x128xi32>
    %and3A_100 = arith.andi %shift_right_logical3A_97, %and3A_99 : vector<2000x128xi32>
    %add3A_101 = arith.addi %add3A_94, %and3A_100 : vector<2000x128xi32>
    %and3A_102 = arith.constant -65536 : i32
    %and3A_103 = vector.broadcast %and3A_102 : i32 to vector<2000x128xi32>
    %and3A_104 = arith.andi %add3A_101, %and3A_103 : vector<2000x128xi32>
    %or3A_105 = arith.ori %and3A_104, %shift_right_logical3A_91 : vector<2000x128xi32>
    %slice3A_106 = vector.extract_strided_slice %or3A_105 {offsets = [0, 0], sizes = [2000, 64], strides = [1, 1]} : vector<2000x128xi32> to vector<2000x64xi32>
    %swap3A_107 = arith.constant 0 : index
    %swap3A_108 = arith.constant 0 : index
    %swap3A_109 = arith.constant 0 : index
    %swap3A_110 = vector.load %arg8[%swap3A_107, %swap3A_108, %swap3A_109] : memref<2x2000x64xi32, #tpu.memory_space<vmem>>, vector<1x2000x64xi32>
    %swap3A_111 = vector.shape_cast %swap3A_110 : vector<1x2000x64xi32> to vector<2000x64xi32>
    %swap3A_112 = vector.shape_cast %slice3A_106 : vector<2000x64xi32> to vector<1x2000x64xi32>
    tpu.vector_store %arg8[%swap3A_107, %swap3A_108, %swap3A_109], %swap3A_112 {strides = array<i32>} : memref<2x2000x64xi32, #tpu.memory_space<vmem>>, vector<1x2000x64xi32>,
    %slice3A_113 = vector.extract_strided_slice %or3A_105 {offsets = [0, 64], sizes = [2000, 64], strides = [1, 1]} : vector<2000x128xi32> to vector<2000x64xi32>
    %swap3A_114 = arith.constant 1 : index
    %swap3A_115 = arith.constant 0 : index
    %swap3A_116 = arith.constant 0 : index
    %swap3A_117 = vector.load %arg8[%swap3A_114, %swap3A_115, %swap3A_116] : memref<2x2000x64xi32, #tpu.memory_space<vmem>>, vector<1x2000x64xi32>
    %swap3A_118 = vector.shape_cast %swap3A_117 : vector<1x2000x64xi32> to vector<2000x64xi32>
    %swap3A_119 = vector.shape_cast %slice3A_113 : vector<2000x64xi32> to vector<1x2000x64xi32>
    tpu.vector_store %arg8[%swap3A_114, %swap3A_115, %swap3A_116], %swap3A_119 {strides = array<i32>} : memref<2x2000x64xi32, #tpu.memory_space<vmem>>, vector<1x2000x64xi32>,
    return
  }
  func.func @transform_0(%arg0: i32) -> (i32, i32) {
    %c0_i32 = arith.constant 0 : i32
    %c0_i32_0 = arith.constant 0 : i32
    return %arg0, %c0_i32 : i32, i32
  }
  func.func @transform_1(%arg0: i32) -> (i32, i32) {
    %c0_i32 = arith.constant 0 : i32
    %c0_i32_0 = arith.constant 0 : i32
    %c0_i32_1 = arith.constant 0 : i32
    return %c0_i32, %c0_i32_0 : i32, i32
  }
  func.func @transform_2(%arg0: i32) -> (i32, i32) {
    %c0_i32 = arith.constant 0 : i32
    %c0_i32_0 = arith.constant 0 : i32
    %c0_i32_1 = arith.constant 0 : i32
    return %c0_i32, %c0_i32_0 : i32, i32
  }
  func.func @transform_3(%arg0: i32) -> (i32, i32) {
    %c0_i32 = arith.constant 0 : i32
    %c0_i32_0 = arith.constant 0 : i32
    %c0_i32_1 = arith.constant 0 : i32
    return %c0_i32, %c0_i32_0 : i32, i32
  }
  func.func @transform_4(%arg0: i32) -> (i32, i32) {
    %c0_i32 = arith.constant 0 : i32
    %c0_i32_0 = arith.constant 0 : i32
    %c0_i32_1 = arith.constant 0 : i32
    return %c0_i32, %c0_i32_0 : i32, i32
  }
  func.func @transform_5(%arg0: i32) -> (i32, i32, i32) {
    %c0_i32 = arith.constant 0 : i32
    %c0_i32_0 = arith.constant 0 : i32
    %c0_i32_1 = arith.constant 0 : i32
    return %c0_i32, %arg0, %c0_i32_0 : i32, i32, i32
  }
  func.func @transform_6(%arg0: i32) -> (i32, i32, i32) {
    %c0_i32 = arith.constant 0 : i32
    %c0_i32_0 = arith.constant 0 : i32
    %c0_i32_1 = arith.constant 0 : i32
    return %c0_i32, %arg0, %c0_i32_0 : i32, i32, i32
  }
  func.func @transform_7(%arg0: i32) -> (i32, i32, i32) {
    %c0_i32 = arith.constant 0 : i32
    %c0_i32_0 = arith.constant 0 : i32
    %c0_i32_1 = arith.constant 0 : i32
    return %c0_i32, %arg0, %c0_i32_0 : i32, i32, i32
  }
}

module attributes {stable_mosaic.version = 14 : i64} {
  func.func @body(%arg0: i32, %arg1: memref<1000x128xf32, #tpu.memory_space<vmem>>, %arg2: memref<128x2048xf32, #tpu.memory_space<vmem>>, %arg3: memref<1x2048xf32, #tpu.memory_space<vmem>>, %arg4: memref<2x4x1000x128xi32, #tpu.memory_space<vmem>>) attributes {dimension_semantics = [#tpu.dimension_semantics<arbitrary>], iteration_bounds = array<i64: 40>, scalar_prefetch = 0 : i64, scratch_operands = 0 : i64, tpu.core_type = #tpu.core_type<tc>, window_params = [{transform_indices = @transform_0, window_bounds = array<i64: 1000, 128>}, {pipeline_mode = #tpu.pipeline_mode<synchronous>, transform_indices = @transform_1, window_bounds = array<i64: 128, 2048>}, {pipeline_mode = #tpu.pipeline_mode<synchronous>, transform_indices = @transform_2, window_bounds = array<i64: 1, 2048>}, {transform_indices = @transform_3, window_bounds = array<i64: 2, 4, 1000, 128>}]} {
    %get3A = arith.constant 0 : index
    %get3A_0 = arith.constant 0 : index
    %get3A_1 = vector.load %arg1[%get3A, %get3A_0] : memref<1000x128xf32, #tpu.memory_space<vmem>>, vector<1000x128xf32>
    %convert_element_type3A = arith.truncf %get3A_1 : vector<1000x128xf32> to vector<1000x128xbf16>
    %get3A_2 = arith.constant 0 : index
    %get3A_3 = arith.constant 0 : index
    %get3A_4 = vector.load %arg2[%get3A_2, %get3A_3] : memref<128x2048xf32, #tpu.memory_space<vmem>>, vector<128x2048xf32>
    %convert_element_type3A_5 = arith.truncf %get3A_4 : vector<128x2048xf32> to vector<128x2048xbf16>
    %dot_general3A = arith.constant dense<0.000000e+00> : vector<1000x2048xf32>
    %dot_general3A_6 = tpu.matmul %convert_element_type3A, %convert_element_type3A_5, %dot_general3A {dimension_numbers = #tpu.dot_dimension_numbers<[1], [0], [0], [1], [0, 0, 1, 1], [], []>, transpose_lhs_hint = false} : vector<1000x128xbf16>, vector<128x2048xbf16>, vector<1000x2048xf32> -> vector<1000x2048xf32>
    %get3A_7 = arith.constant 0 : index
    %get3A_8 = arith.constant 0 : index
    %get3A_9 = vector.load %arg3[%get3A_7, %get3A_8] : memref<1x2048xf32, #tpu.memory_space<vmem>>, vector<1x2048xf32>
    %add3A = vector.broadcast %get3A_9 : vector<1x2048xf32> to vector<1000x2048xf32>
    %add3A_10 = arith.addf %dot_general3A_6, %add3A : vector<1000x2048xf32>
    %slice3A = vector.extract_strided_slice %add3A_10 {offsets = [0, 0], sizes = [1000, 128], strides = [1, 1]} : vector<1000x2048xf32> to vector<1000x128xf32>
    %slice3A_11 = vector.extract_strided_slice %add3A_10 {offsets = [0, 128], sizes = [1000, 128], strides = [1, 1]} : vector<1000x2048xf32> to vector<1000x128xf32>
    %bitcast_convert_type3A = tpu.bitcast %slice3A : vector<1000x128xf32> -> vector<1000x128xi32>
    %bitcast_convert_type3A_12 = tpu.bitcast %slice3A_11 : vector<1000x128xf32> -> vector<1000x128xi32>
    %add3A_13 = arith.constant 32767 : i32
    %add3A_14 = vector.broadcast %add3A_13 : i32 to vector<1000x128xi32>
    %add3A_15 = arith.addi %bitcast_convert_type3A, %add3A_14 : vector<1000x128xi32>
    %shift_right_logical3A = arith.constant 16 : i32
    %shift_right_logical3A_16 = vector.broadcast %shift_right_logical3A : i32 to vector<1000x128xi32>
    %shift_right_logical3A_17 = arith.shrui %bitcast_convert_type3A, %shift_right_logical3A_16 : vector<1000x128xi32>
    %and3A = arith.constant 1 : i32
    %and3A_18 = vector.broadcast %and3A : i32 to vector<1000x128xi32>
    %and3A_19 = arith.andi %shift_right_logical3A_17, %and3A_18 : vector<1000x128xi32>
    %add3A_20 = arith.addi %add3A_15, %and3A_19 : vector<1000x128xi32>
    %shift_right_logical3A_21 = arith.constant 16 : i32
    %shift_right_logical3A_22 = vector.broadcast %shift_right_logical3A_21 : i32 to vector<1000x128xi32>
    %shift_right_logical3A_23 = arith.shrui %add3A_20, %shift_right_logical3A_22 : vector<1000x128xi32>
    %add3A_24 = arith.constant 32767 : i32
    %add3A_25 = vector.broadcast %add3A_24 : i32 to vector<1000x128xi32>
    %add3A_26 = arith.addi %bitcast_convert_type3A_12, %add3A_25 : vector<1000x128xi32>
    %shift_right_logical3A_27 = arith.constant 16 : i32
    %shift_right_logical3A_28 = vector.broadcast %shift_right_logical3A_27 : i32 to vector<1000x128xi32>
    %shift_right_logical3A_29 = arith.shrui %bitcast_convert_type3A_12, %shift_right_logical3A_28 : vector<1000x128xi32>
    %and3A_30 = arith.constant 1 : i32
    %and3A_31 = vector.broadcast %and3A_30 : i32 to vector<1000x128xi32>
    %and3A_32 = arith.andi %shift_right_logical3A_29, %and3A_31 : vector<1000x128xi32>
    %add3A_33 = arith.addi %add3A_26, %and3A_32 : vector<1000x128xi32>
    %and3A_34 = arith.constant -65536 : i32
    %and3A_35 = vector.broadcast %and3A_34 : i32 to vector<1000x128xi32>
    %and3A_36 = arith.andi %add3A_33, %and3A_35 : vector<1000x128xi32>
    %or3A = arith.ori %and3A_36, %shift_right_logical3A_23 : vector<1000x128xi32>
    %swap3A = arith.constant 0 : index
    %swap3A_37 = arith.constant 0 : index
    %swap3A_38 = arith.constant 0 : index
    %swap3A_39 = arith.constant 0 : index
    %swap3A_40 = vector.load %arg4[%swap3A, %swap3A_37, %swap3A_38, %swap3A_39] : memref<2x4x1000x128xi32, #tpu.memory_space<vmem>>, vector<1x1x1000x128xi32>
    %swap3A_41 = vector.shape_cast %swap3A_40 : vector<1x1x1000x128xi32> to vector<1000x128xi32>
    %swap3A_42 = vector.shape_cast %or3A : vector<1000x128xi32> to vector<1x1x1000x128xi32>
    tpu.vector_store %arg4[%swap3A, %swap3A_37, %swap3A_38, %swap3A_39], %swap3A_42 {strides = array<i32>} : memref<2x4x1000x128xi32, #tpu.memory_space<vmem>>, vector<1x1x1000x128xi32>,
    %slice3A_43 = vector.extract_strided_slice %add3A_10 {offsets = [0, 256], sizes = [1000, 128], strides = [1, 1]} : vector<1000x2048xf32> to vector<1000x128xf32>
    %slice3A_44 = vector.extract_strided_slice %add3A_10 {offsets = [0, 384], sizes = [1000, 128], strides = [1, 1]} : vector<1000x2048xf32> to vector<1000x128xf32>
    %bitcast_convert_type3A_45 = tpu.bitcast %slice3A_43 : vector<1000x128xf32> -> vector<1000x128xi32>
    %bitcast_convert_type3A_46 = tpu.bitcast %slice3A_44 : vector<1000x128xf32> -> vector<1000x128xi32>
    %add3A_47 = arith.constant 32767 : i32
    %add3A_48 = vector.broadcast %add3A_47 : i32 to vector<1000x128xi32>
    %add3A_49 = arith.addi %bitcast_convert_type3A_45, %add3A_48 : vector<1000x128xi32>
    %shift_right_logical3A_50 = arith.constant 16 : i32
    %shift_right_logical3A_51 = vector.broadcast %shift_right_logical3A_50 : i32 to vector<1000x128xi32>
    %shift_right_logical3A_52 = arith.shrui %bitcast_convert_type3A_45, %shift_right_logical3A_51 : vector<1000x128xi32>
    %and3A_53 = arith.constant 1 : i32
    %and3A_54 = vector.broadcast %and3A_53 : i32 to vector<1000x128xi32>
    %and3A_55 = arith.andi %shift_right_logical3A_52, %and3A_54 : vector<1000x128xi32>
    %add3A_56 = arith.addi %add3A_49, %and3A_55 : vector<1000x128xi32>
    %shift_right_logical3A_57 = arith.constant 16 : i32
    %shift_right_logical3A_58 = vector.broadcast %shift_right_logical3A_57 : i32 to vector<1000x128xi32>
    %shift_right_logical3A_59 = arith.shrui %add3A_56, %shift_right_logical3A_58 : vector<1000x128xi32>
    %add3A_60 = arith.constant 32767 : i32
    %add3A_61 = vector.broadcast %add3A_60 : i32 to vector<1000x128xi32>
    %add3A_62 = arith.addi %bitcast_convert_type3A_46, %add3A_61 : vector<1000x128xi32>
    %shift_right_logical3A_63 = arith.constant 16 : i32
    %shift_right_logical3A_64 = vector.broadcast %shift_right_logical3A_63 : i32 to vector<1000x128xi32>
    %shift_right_logical3A_65 = arith.shrui %bitcast_convert_type3A_46, %shift_right_logical3A_64 : vector<1000x128xi32>
    %and3A_66 = arith.constant 1 : i32
    %and3A_67 = vector.broadcast %and3A_66 : i32 to vector<1000x128xi32>
    %and3A_68 = arith.andi %shift_right_logical3A_65, %and3A_67 : vector<1000x128xi32>
    %add3A_69 = arith.addi %add3A_62, %and3A_68 : vector<1000x128xi32>
    %and3A_70 = arith.constant -65536 : i32
    %and3A_71 = vector.broadcast %and3A_70 : i32 to vector<1000x128xi32>
    %and3A_72 = arith.andi %add3A_69, %and3A_71 : vector<1000x128xi32>
    %or3A_73 = arith.ori %and3A_72, %shift_right_logical3A_59 : vector<1000x128xi32>
    %swap3A_74 = arith.constant 1 : index
    %swap3A_75 = arith.constant 0 : index
    %swap3A_76 = arith.constant 0 : index
    %swap3A_77 = arith.constant 0 : index
    %swap3A_78 = vector.load %arg4[%swap3A_74, %swap3A_75, %swap3A_76, %swap3A_77] : memref<2x4x1000x128xi32, #tpu.memory_space<vmem>>, vector<1x1x1000x128xi32>
    %swap3A_79 = vector.shape_cast %swap3A_78 : vector<1x1x1000x128xi32> to vector<1000x128xi32>
    %swap3A_80 = vector.shape_cast %or3A_73 : vector<1000x128xi32> to vector<1x1x1000x128xi32>
    tpu.vector_store %arg4[%swap3A_74, %swap3A_75, %swap3A_76, %swap3A_77], %swap3A_80 {strides = array<i32>} : memref<2x4x1000x128xi32, #tpu.memory_space<vmem>>, vector<1x1x1000x128xi32>,
    %slice3A_81 = vector.extract_strided_slice %add3A_10 {offsets = [0, 512], sizes = [1000, 128], strides = [1, 1]} : vector<1000x2048xf32> to vector<1000x128xf32>
    %slice3A_82 = vector.extract_strided_slice %add3A_10 {offsets = [0, 640], sizes = [1000, 128], strides = [1, 1]} : vector<1000x2048xf32> to vector<1000x128xf32>
    %bitcast_convert_type3A_83 = tpu.bitcast %slice3A_81 : vector<1000x128xf32> -> vector<1000x128xi32>
    %bitcast_convert_type3A_84 = tpu.bitcast %slice3A_82 : vector<1000x128xf32> -> vector<1000x128xi32>
    %add3A_85 = arith.constant 32767 : i32
    %add3A_86 = vector.broadcast %add3A_85 : i32 to vector<1000x128xi32>
    %add3A_87 = arith.addi %bitcast_convert_type3A_83, %add3A_86 : vector<1000x128xi32>
    %shift_right_logical3A_88 = arith.constant 16 : i32
    %shift_right_logical3A_89 = vector.broadcast %shift_right_logical3A_88 : i32 to vector<1000x128xi32>
    %shift_right_logical3A_90 = arith.shrui %bitcast_convert_type3A_83, %shift_right_logical3A_89 : vector<1000x128xi32>
    %and3A_91 = arith.constant 1 : i32
    %and3A_92 = vector.broadcast %and3A_91 : i32 to vector<1000x128xi32>
    %and3A_93 = arith.andi %shift_right_logical3A_90, %and3A_92 : vector<1000x128xi32>
    %add3A_94 = arith.addi %add3A_87, %and3A_93 : vector<1000x128xi32>
    %shift_right_logical3A_95 = arith.constant 16 : i32
    %shift_right_logical3A_96 = vector.broadcast %shift_right_logical3A_95 : i32 to vector<1000x128xi32>
    %shift_right_logical3A_97 = arith.shrui %add3A_94, %shift_right_logical3A_96 : vector<1000x128xi32>
    %add3A_98 = arith.constant 32767 : i32
    %add3A_99 = vector.broadcast %add3A_98 : i32 to vector<1000x128xi32>
    %add3A_100 = arith.addi %bitcast_convert_type3A_84, %add3A_99 : vector<1000x128xi32>
    %shift_right_logical3A_101 = arith.constant 16 : i32
    %shift_right_logical3A_102 = vector.broadcast %shift_right_logical3A_101 : i32 to vector<1000x128xi32>
    %shift_right_logical3A_103 = arith.shrui %bitcast_convert_type3A_84, %shift_right_logical3A_102 : vector<1000x128xi32>
    %and3A_104 = arith.constant 1 : i32
    %and3A_105 = vector.broadcast %and3A_104 : i32 to vector<1000x128xi32>
    %and3A_106 = arith.andi %shift_right_logical3A_103, %and3A_105 : vector<1000x128xi32>
    %add3A_107 = arith.addi %add3A_100, %and3A_106 : vector<1000x128xi32>
    %and3A_108 = arith.constant -65536 : i32
    %and3A_109 = vector.broadcast %and3A_108 : i32 to vector<1000x128xi32>
    %and3A_110 = arith.andi %add3A_107, %and3A_109 : vector<1000x128xi32>
    %or3A_111 = arith.ori %and3A_110, %shift_right_logical3A_97 : vector<1000x128xi32>
    %swap3A_112 = arith.constant 0 : index
    %swap3A_113 = arith.constant 1 : index
    %swap3A_114 = arith.constant 0 : index
    %swap3A_115 = arith.constant 0 : index
    %swap3A_116 = vector.load %arg4[%swap3A_112, %swap3A_113, %swap3A_114, %swap3A_115] : memref<2x4x1000x128xi32, #tpu.memory_space<vmem>>, vector<1x1x1000x128xi32>
    %swap3A_117 = vector.shape_cast %swap3A_116 : vector<1x1x1000x128xi32> to vector<1000x128xi32>
    %swap3A_118 = vector.shape_cast %or3A_111 : vector<1000x128xi32> to vector<1x1x1000x128xi32>
    tpu.vector_store %arg4[%swap3A_112, %swap3A_113, %swap3A_114, %swap3A_115], %swap3A_118 {strides = array<i32>} : memref<2x4x1000x128xi32, #tpu.memory_space<vmem>>, vector<1x1x1000x128xi32>,
    %slice3A_119 = vector.extract_strided_slice %add3A_10 {offsets = [0, 768], sizes = [1000, 128], strides = [1, 1]} : vector<1000x2048xf32> to vector<1000x128xf32>
    %slice3A_120 = vector.extract_strided_slice %add3A_10 {offsets = [0, 896], sizes = [1000, 128], strides = [1, 1]} : vector<1000x2048xf32> to vector<1000x128xf32>
    %bitcast_convert_type3A_121 = tpu.bitcast %slice3A_119 : vector<1000x128xf32> -> vector<1000x128xi32>
    %bitcast_convert_type3A_122 = tpu.bitcast %slice3A_120 : vector<1000x128xf32> -> vector<1000x128xi32>
    %add3A_123 = arith.constant 32767 : i32
    %add3A_124 = vector.broadcast %add3A_123 : i32 to vector<1000x128xi32>
    %add3A_125 = arith.addi %bitcast_convert_type3A_121, %add3A_124 : vector<1000x128xi32>
    %shift_right_logical3A_126 = arith.constant 16 : i32
    %shift_right_logical3A_127 = vector.broadcast %shift_right_logical3A_126 : i32 to vector<1000x128xi32>
    %shift_right_logical3A_128 = arith.shrui %bitcast_convert_type3A_121, %shift_right_logical3A_127 : vector<1000x128xi32>
    %and3A_129 = arith.constant 1 : i32
    %and3A_130 = vector.broadcast %and3A_129 : i32 to vector<1000x128xi32>
    %and3A_131 = arith.andi %shift_right_logical3A_128, %and3A_130 : vector<1000x128xi32>
    %add3A_132 = arith.addi %add3A_125, %and3A_131 : vector<1000x128xi32>
    %shift_right_logical3A_133 = arith.constant 16 : i32
    %shift_right_logical3A_134 = vector.broadcast %shift_right_logical3A_133 : i32 to vector<1000x128xi32>
    %shift_right_logical3A_135 = arith.shrui %add3A_132, %shift_right_logical3A_134 : vector<1000x128xi32>
    %add3A_136 = arith.constant 32767 : i32
    %add3A_137 = vector.broadcast %add3A_136 : i32 to vector<1000x128xi32>
    %add3A_138 = arith.addi %bitcast_convert_type3A_122, %add3A_137 : vector<1000x128xi32>
    %shift_right_logical3A_139 = arith.constant 16 : i32
    %shift_right_logical3A_140 = vector.broadcast %shift_right_logical3A_139 : i32 to vector<1000x128xi32>
    %shift_right_logical3A_141 = arith.shrui %bitcast_convert_type3A_122, %shift_right_logical3A_140 : vector<1000x128xi32>
    %and3A_142 = arith.constant 1 : i32
    %and3A_143 = vector.broadcast %and3A_142 : i32 to vector<1000x128xi32>
    %and3A_144 = arith.andi %shift_right_logical3A_141, %and3A_143 : vector<1000x128xi32>
    %add3A_145 = arith.addi %add3A_138, %and3A_144 : vector<1000x128xi32>
    %and3A_146 = arith.constant -65536 : i32
    %and3A_147 = vector.broadcast %and3A_146 : i32 to vector<1000x128xi32>
    %and3A_148 = arith.andi %add3A_145, %and3A_147 : vector<1000x128xi32>
    %or3A_149 = arith.ori %and3A_148, %shift_right_logical3A_135 : vector<1000x128xi32>
    %swap3A_150 = arith.constant 1 : index
    %swap3A_151 = arith.constant 1 : index
    %swap3A_152 = arith.constant 0 : index
    %swap3A_153 = arith.constant 0 : index
    %swap3A_154 = vector.load %arg4[%swap3A_150, %swap3A_151, %swap3A_152, %swap3A_153] : memref<2x4x1000x128xi32, #tpu.memory_space<vmem>>, vector<1x1x1000x128xi32>
    %swap3A_155 = vector.shape_cast %swap3A_154 : vector<1x1x1000x128xi32> to vector<1000x128xi32>
    %swap3A_156 = vector.shape_cast %or3A_149 : vector<1000x128xi32> to vector<1x1x1000x128xi32>
    tpu.vector_store %arg4[%swap3A_150, %swap3A_151, %swap3A_152, %swap3A_153], %swap3A_156 {strides = array<i32>} : memref<2x4x1000x128xi32, #tpu.memory_space<vmem>>, vector<1x1x1000x128xi32>,
    %slice3A_157 = vector.extract_strided_slice %add3A_10 {offsets = [0, 1024], sizes = [1000, 128], strides = [1, 1]} : vector<1000x2048xf32> to vector<1000x128xf32>
    %slice3A_158 = vector.extract_strided_slice %add3A_10 {offsets = [0, 1152], sizes = [1000, 128], strides = [1, 1]} : vector<1000x2048xf32> to vector<1000x128xf32>
    %bitcast_convert_type3A_159 = tpu.bitcast %slice3A_157 : vector<1000x128xf32> -> vector<1000x128xi32>
    %bitcast_convert_type3A_160 = tpu.bitcast %slice3A_158 : vector<1000x128xf32> -> vector<1000x128xi32>
    %add3A_161 = arith.constant 32767 : i32
    %add3A_162 = vector.broadcast %add3A_161 : i32 to vector<1000x128xi32>
    %add3A_163 = arith.addi %bitcast_convert_type3A_159, %add3A_162 : vector<1000x128xi32>
    %shift_right_logical3A_164 = arith.constant 16 : i32
    %shift_right_logical3A_165 = vector.broadcast %shift_right_logical3A_164 : i32 to vector<1000x128xi32>
    %shift_right_logical3A_166 = arith.shrui %bitcast_convert_type3A_159, %shift_right_logical3A_165 : vector<1000x128xi32>
    %and3A_167 = arith.constant 1 : i32
    %and3A_168 = vector.broadcast %and3A_167 : i32 to vector<1000x128xi32>
    %and3A_169 = arith.andi %shift_right_logical3A_166, %and3A_168 : vector<1000x128xi32>
    %add3A_170 = arith.addi %add3A_163, %and3A_169 : vector<1000x128xi32>
    %shift_right_logical3A_171 = arith.constant 16 : i32
    %shift_right_logical3A_172 = vector.broadcast %shift_right_logical3A_171 : i32 to vector<1000x128xi32>
    %shift_right_logical3A_173 = arith.shrui %add3A_170, %shift_right_logical3A_172 : vector<1000x128xi32>
    %add3A_174 = arith.constant 32767 : i32
    %add3A_175 = vector.broadcast %add3A_174 : i32 to vector<1000x128xi32>
    %add3A_176 = arith.addi %bitcast_convert_type3A_160, %add3A_175 : vector<1000x128xi32>
    %shift_right_logical3A_177 = arith.constant 16 : i32
    %shift_right_logical3A_178 = vector.broadcast %shift_right_logical3A_177 : i32 to vector<1000x128xi32>
    %shift_right_logical3A_179 = arith.shrui %bitcast_convert_type3A_160, %shift_right_logical3A_178 : vector<1000x128xi32>
    %and3A_180 = arith.constant 1 : i32
    %and3A_181 = vector.broadcast %and3A_180 : i32 to vector<1000x128xi32>
    %and3A_182 = arith.andi %shift_right_logical3A_179, %and3A_181 : vector<1000x128xi32>
    %add3A_183 = arith.addi %add3A_176, %and3A_182 : vector<1000x128xi32>
    %and3A_184 = arith.constant -65536 : i32
    %and3A_185 = vector.broadcast %and3A_184 : i32 to vector<1000x128xi32>
    %and3A_186 = arith.andi %add3A_183, %and3A_185 : vector<1000x128xi32>
    %or3A_187 = arith.ori %and3A_186, %shift_right_logical3A_173 : vector<1000x128xi32>
    %swap3A_188 = arith.constant 0 : index
    %swap3A_189 = arith.constant 2 : index
    %swap3A_190 = arith.constant 0 : index
    %swap3A_191 = arith.constant 0 : index
    %swap3A_192 = vector.load %arg4[%swap3A_188, %swap3A_189, %swap3A_190, %swap3A_191] : memref<2x4x1000x128xi32, #tpu.memory_space<vmem>>, vector<1x1x1000x128xi32>
    %swap3A_193 = vector.shape_cast %swap3A_192 : vector<1x1x1000x128xi32> to vector<1000x128xi32>
    %swap3A_194 = vector.shape_cast %or3A_187 : vector<1000x128xi32> to vector<1x1x1000x128xi32>
    tpu.vector_store %arg4[%swap3A_188, %swap3A_189, %swap3A_190, %swap3A_191], %swap3A_194 {strides = array<i32>} : memref<2x4x1000x128xi32, #tpu.memory_space<vmem>>, vector<1x1x1000x128xi32>,
    %slice3A_195 = vector.extract_strided_slice %add3A_10 {offsets = [0, 1280], sizes = [1000, 128], strides = [1, 1]} : vector<1000x2048xf32> to vector<1000x128xf32>
    %slice3A_196 = vector.extract_strided_slice %add3A_10 {offsets = [0, 1408], sizes = [1000, 128], strides = [1, 1]} : vector<1000x2048xf32> to vector<1000x128xf32>
    %bitcast_convert_type3A_197 = tpu.bitcast %slice3A_195 : vector<1000x128xf32> -> vector<1000x128xi32>
    %bitcast_convert_type3A_198 = tpu.bitcast %slice3A_196 : vector<1000x128xf32> -> vector<1000x128xi32>
    %add3A_199 = arith.constant 32767 : i32
    %add3A_200 = vector.broadcast %add3A_199 : i32 to vector<1000x128xi32>
    %add3A_201 = arith.addi %bitcast_convert_type3A_197, %add3A_200 : vector<1000x128xi32>
    %shift_right_logical3A_202 = arith.constant 16 : i32
    %shift_right_logical3A_203 = vector.broadcast %shift_right_logical3A_202 : i32 to vector<1000x128xi32>
    %shift_right_logical3A_204 = arith.shrui %bitcast_convert_type3A_197, %shift_right_logical3A_203 : vector<1000x128xi32>
    %and3A_205 = arith.constant 1 : i32
    %and3A_206 = vector.broadcast %and3A_205 : i32 to vector<1000x128xi32>
    %and3A_207 = arith.andi %shift_right_logical3A_204, %and3A_206 : vector<1000x128xi32>
    %add3A_208 = arith.addi %add3A_201, %and3A_207 : vector<1000x128xi32>
    %shift_right_logical3A_209 = arith.constant 16 : i32
    %shift_right_logical3A_210 = vector.broadcast %shift_right_logical3A_209 : i32 to vector<1000x128xi32>
    %shift_right_logical3A_211 = arith.shrui %add3A_208, %shift_right_logical3A_210 : vector<1000x128xi32>
    %add3A_212 = arith.constant 32767 : i32
    %add3A_213 = vector.broadcast %add3A_212 : i32 to vector<1000x128xi32>
    %add3A_214 = arith.addi %bitcast_convert_type3A_198, %add3A_213 : vector<1000x128xi32>
    %shift_right_logical3A_215 = arith.constant 16 : i32
    %shift_right_logical3A_216 = vector.broadcast %shift_right_logical3A_215 : i32 to vector<1000x128xi32>
    %shift_right_logical3A_217 = arith.shrui %bitcast_convert_type3A_198, %shift_right_logical3A_216 : vector<1000x128xi32>
    %and3A_218 = arith.constant 1 : i32
    %and3A_219 = vector.broadcast %and3A_218 : i32 to vector<1000x128xi32>
    %and3A_220 = arith.andi %shift_right_logical3A_217, %and3A_219 : vector<1000x128xi32>
    %add3A_221 = arith.addi %add3A_214, %and3A_220 : vector<1000x128xi32>
    %and3A_222 = arith.constant -65536 : i32
    %and3A_223 = vector.broadcast %and3A_222 : i32 to vector<1000x128xi32>
    %and3A_224 = arith.andi %add3A_221, %and3A_223 : vector<1000x128xi32>
    %or3A_225 = arith.ori %and3A_224, %shift_right_logical3A_211 : vector<1000x128xi32>
    %swap3A_226 = arith.constant 1 : index
    %swap3A_227 = arith.constant 2 : index
    %swap3A_228 = arith.constant 0 : index
    %swap3A_229 = arith.constant 0 : index
    %swap3A_230 = vector.load %arg4[%swap3A_226, %swap3A_227, %swap3A_228, %swap3A_229] : memref<2x4x1000x128xi32, #tpu.memory_space<vmem>>, vector<1x1x1000x128xi32>
    %swap3A_231 = vector.shape_cast %swap3A_230 : vector<1x1x1000x128xi32> to vector<1000x128xi32>
    %swap3A_232 = vector.shape_cast %or3A_225 : vector<1000x128xi32> to vector<1x1x1000x128xi32>
    tpu.vector_store %arg4[%swap3A_226, %swap3A_227, %swap3A_228, %swap3A_229], %swap3A_232 {strides = array<i32>} : memref<2x4x1000x128xi32, #tpu.memory_space<vmem>>, vector<1x1x1000x128xi32>,
    %slice3A_233 = vector.extract_strided_slice %add3A_10 {offsets = [0, 1536], sizes = [1000, 128], strides = [1, 1]} : vector<1000x2048xf32> to vector<1000x128xf32>
    %slice3A_234 = vector.extract_strided_slice %add3A_10 {offsets = [0, 1664], sizes = [1000, 128], strides = [1, 1]} : vector<1000x2048xf32> to vector<1000x128xf32>
    %bitcast_convert_type3A_235 = tpu.bitcast %slice3A_233 : vector<1000x128xf32> -> vector<1000x128xi32>
    %bitcast_convert_type3A_236 = tpu.bitcast %slice3A_234 : vector<1000x128xf32> -> vector<1000x128xi32>
    %add3A_237 = arith.constant 32767 : i32
    %add3A_238 = vector.broadcast %add3A_237 : i32 to vector<1000x128xi32>
    %add3A_239 = arith.addi %bitcast_convert_type3A_235, %add3A_238 : vector<1000x128xi32>
    %shift_right_logical3A_240 = arith.constant 16 : i32
    %shift_right_logical3A_241 = vector.broadcast %shift_right_logical3A_240 : i32 to vector<1000x128xi32>
    %shift_right_logical3A_242 = arith.shrui %bitcast_convert_type3A_235, %shift_right_logical3A_241 : vector<1000x128xi32>
    %and3A_243 = arith.constant 1 : i32
    %and3A_244 = vector.broadcast %and3A_243 : i32 to vector<1000x128xi32>
    %and3A_245 = arith.andi %shift_right_logical3A_242, %and3A_244 : vector<1000x128xi32>
    %add3A_246 = arith.addi %add3A_239, %and3A_245 : vector<1000x128xi32>
    %shift_right_logical3A_247 = arith.constant 16 : i32
    %shift_right_logical3A_248 = vector.broadcast %shift_right_logical3A_247 : i32 to vector<1000x128xi32>
    %shift_right_logical3A_249 = arith.shrui %add3A_246, %shift_right_logical3A_248 : vector<1000x128xi32>
    %add3A_250 = arith.constant 32767 : i32
    %add3A_251 = vector.broadcast %add3A_250 : i32 to vector<1000x128xi32>
    %add3A_252 = arith.addi %bitcast_convert_type3A_236, %add3A_251 : vector<1000x128xi32>
    %shift_right_logical3A_253 = arith.constant 16 : i32
    %shift_right_logical3A_254 = vector.broadcast %shift_right_logical3A_253 : i32 to vector<1000x128xi32>
    %shift_right_logical3A_255 = arith.shrui %bitcast_convert_type3A_236, %shift_right_logical3A_254 : vector<1000x128xi32>
    %and3A_256 = arith.constant 1 : i32
    %and3A_257 = vector.broadcast %and3A_256 : i32 to vector<1000x128xi32>
    %and3A_258 = arith.andi %shift_right_logical3A_255, %and3A_257 : vector<1000x128xi32>
    %add3A_259 = arith.addi %add3A_252, %and3A_258 : vector<1000x128xi32>
    %and3A_260 = arith.constant -65536 : i32
    %and3A_261 = vector.broadcast %and3A_260 : i32 to vector<1000x128xi32>
    %and3A_262 = arith.andi %add3A_259, %and3A_261 : vector<1000x128xi32>
    %or3A_263 = arith.ori %and3A_262, %shift_right_logical3A_249 : vector<1000x128xi32>
    %swap3A_264 = arith.constant 0 : index
    %swap3A_265 = arith.constant 3 : index
    %swap3A_266 = arith.constant 0 : index
    %swap3A_267 = arith.constant 0 : index
    %swap3A_268 = vector.load %arg4[%swap3A_264, %swap3A_265, %swap3A_266, %swap3A_267] : memref<2x4x1000x128xi32, #tpu.memory_space<vmem>>, vector<1x1x1000x128xi32>
    %swap3A_269 = vector.shape_cast %swap3A_268 : vector<1x1x1000x128xi32> to vector<1000x128xi32>
    %swap3A_270 = vector.shape_cast %or3A_263 : vector<1000x128xi32> to vector<1x1x1000x128xi32>
    tpu.vector_store %arg4[%swap3A_264, %swap3A_265, %swap3A_266, %swap3A_267], %swap3A_270 {strides = array<i32>} : memref<2x4x1000x128xi32, #tpu.memory_space<vmem>>, vector<1x1x1000x128xi32>,
    %slice3A_271 = vector.extract_strided_slice %add3A_10 {offsets = [0, 1792], sizes = [1000, 128], strides = [1, 1]} : vector<1000x2048xf32> to vector<1000x128xf32>
    %slice3A_272 = vector.extract_strided_slice %add3A_10 {offsets = [0, 1920], sizes = [1000, 128], strides = [1, 1]} : vector<1000x2048xf32> to vector<1000x128xf32>
    %bitcast_convert_type3A_273 = tpu.bitcast %slice3A_271 : vector<1000x128xf32> -> vector<1000x128xi32>
    %bitcast_convert_type3A_274 = tpu.bitcast %slice3A_272 : vector<1000x128xf32> -> vector<1000x128xi32>
    %add3A_275 = arith.constant 32767 : i32
    %add3A_276 = vector.broadcast %add3A_275 : i32 to vector<1000x128xi32>
    %add3A_277 = arith.addi %bitcast_convert_type3A_273, %add3A_276 : vector<1000x128xi32>
    %shift_right_logical3A_278 = arith.constant 16 : i32
    %shift_right_logical3A_279 = vector.broadcast %shift_right_logical3A_278 : i32 to vector<1000x128xi32>
    %shift_right_logical3A_280 = arith.shrui %bitcast_convert_type3A_273, %shift_right_logical3A_279 : vector<1000x128xi32>
    %and3A_281 = arith.constant 1 : i32
    %and3A_282 = vector.broadcast %and3A_281 : i32 to vector<1000x128xi32>
    %and3A_283 = arith.andi %shift_right_logical3A_280, %and3A_282 : vector<1000x128xi32>
    %add3A_284 = arith.addi %add3A_277, %and3A_283 : vector<1000x128xi32>
    %shift_right_logical3A_285 = arith.constant 16 : i32
    %shift_right_logical3A_286 = vector.broadcast %shift_right_logical3A_285 : i32 to vector<1000x128xi32>
    %shift_right_logical3A_287 = arith.shrui %add3A_284, %shift_right_logical3A_286 : vector<1000x128xi32>
    %add3A_288 = arith.constant 32767 : i32
    %add3A_289 = vector.broadcast %add3A_288 : i32 to vector<1000x128xi32>
    %add3A_290 = arith.addi %bitcast_convert_type3A_274, %add3A_289 : vector<1000x128xi32>
    %shift_right_logical3A_291 = arith.constant 16 : i32
    %shift_right_logical3A_292 = vector.broadcast %shift_right_logical3A_291 : i32 to vector<1000x128xi32>
    %shift_right_logical3A_293 = arith.shrui %bitcast_convert_type3A_274, %shift_right_logical3A_292 : vector<1000x128xi32>
    %and3A_294 = arith.constant 1 : i32
    %and3A_295 = vector.broadcast %and3A_294 : i32 to vector<1000x128xi32>
    %and3A_296 = arith.andi %shift_right_logical3A_293, %and3A_295 : vector<1000x128xi32>
    %add3A_297 = arith.addi %add3A_290, %and3A_296 : vector<1000x128xi32>
    %and3A_298 = arith.constant -65536 : i32
    %and3A_299 = vector.broadcast %and3A_298 : i32 to vector<1000x128xi32>
    %and3A_300 = arith.andi %add3A_297, %and3A_299 : vector<1000x128xi32>
    %or3A_301 = arith.ori %and3A_300, %shift_right_logical3A_287 : vector<1000x128xi32>
    %swap3A_302 = arith.constant 1 : index
    %swap3A_303 = arith.constant 3 : index
    %swap3A_304 = arith.constant 0 : index
    %swap3A_305 = arith.constant 0 : index
    %swap3A_306 = vector.load %arg4[%swap3A_302, %swap3A_303, %swap3A_304, %swap3A_305] : memref<2x4x1000x128xi32, #tpu.memory_space<vmem>>, vector<1x1x1000x128xi32>
    %swap3A_307 = vector.shape_cast %swap3A_306 : vector<1x1x1000x128xi32> to vector<1000x128xi32>
    %swap3A_308 = vector.shape_cast %or3A_301 : vector<1000x128xi32> to vector<1x1x1000x128xi32>
    tpu.vector_store %arg4[%swap3A_302, %swap3A_303, %swap3A_304, %swap3A_305], %swap3A_308 {strides = array<i32>} : memref<2x4x1000x128xi32, #tpu.memory_space<vmem>>, vector<1x1x1000x128xi32>,
    return
  }
  func.func @transform_0(%arg0: i32) -> (i32, i32) {
    %c0_i32 = arith.constant 0 : i32
    %c0_i32_0 = arith.constant 0 : i32
    return %arg0, %c0_i32 : i32, i32
  }
  func.func @transform_1(%arg0: i32) -> (i32, i32) {
    %c0_i32 = arith.constant 0 : i32
    %c0_i32_0 = arith.constant 0 : i32
    %c0_i32_1 = arith.constant 0 : i32
    return %c0_i32, %c0_i32_0 : i32, i32
  }
  func.func @transform_2(%arg0: i32) -> (i32, i32) {
    %c0_i32 = arith.constant 0 : i32
    %c0_i32_0 = arith.constant 0 : i32
    %c0_i32_1 = arith.constant 0 : i32
    return %c0_i32, %c0_i32_0 : i32, i32
  }
  func.func @transform_3(%arg0: i32) -> (i32, i32, i32, i32) {
    %c0_i32 = arith.constant 0 : i32
    %c0_i32_0 = arith.constant 0 : i32
    %c0_i32_1 = arith.constant 0 : i32
    %c0_i32_2 = arith.constant 0 : i32
    return %c0_i32, %c0_i32_0, %arg0, %c0_i32_1 : i32, i32, i32, i32
  }
}

module attributes {stable_mosaic.version = 14 : i64} {
  func.func @body(%arg0: i32, %arg1: memref<2x2000x64xf32, #tpu.memory_space<vmem>>, %arg2: memref<128x128xf32, #tpu.memory_space<vmem>>, %arg3: memref<1x128xf32, #tpu.memory_space<vmem>>, %arg4: memref<2000x128xf32, #tpu.memory_space<vmem>>) attributes {dimension_semantics = [#tpu.dimension_semantics<arbitrary>], iteration_bounds = array<i64: 5>, scalar_prefetch = 0 : i64, scratch_operands = 0 : i64, tpu.core_type = #tpu.core_type<tc>, window_params = [{transform_indices = @transform_0, window_bounds = array<i64: 2, 2000, 64>}, {pipeline_mode = #tpu.pipeline_mode<synchronous>, transform_indices = @transform_1, window_bounds = array<i64: 128, 128>}, {pipeline_mode = #tpu.pipeline_mode<synchronous>, transform_indices = @transform_2, window_bounds = array<i64: 1, 128>}, {transform_indices = @transform_3, window_bounds = array<i64: 2000, 128>}]} {
    %get3A = arith.constant 0 : index
    %get3A_0 = arith.constant 0 : index
    %get3A_1 = arith.constant 0 : index
    %get3A_2 = vector.load %arg1[%get3A, %get3A_0, %get3A_1] : memref<2x2000x64xf32, #tpu.memory_space<vmem>>, vector<1x2000x64xf32>
    %get3A_3 = vector.shape_cast %get3A_2 : vector<1x2000x64xf32> to vector<2000x64xf32>
    %get3A_4 = arith.constant 1 : index
    %get3A_5 = arith.constant 0 : index
    %get3A_6 = arith.constant 0 : index
    %get3A_7 = vector.load %arg1[%get3A_4, %get3A_5, %get3A_6] : memref<2x2000x64xf32, #tpu.memory_space<vmem>>, vector<1x2000x64xf32>
    %get3A_8 = vector.shape_cast %get3A_7 : vector<1x2000x64xf32> to vector<2000x64xf32>
    %concatenate3A = tpu.concatenate %get3A_3, %get3A_8 in 1 : vector<2000x64xf32>, vector<2000x64xf32> -> vector<2000x128xf32>
    %get3A_9 = arith.constant 0 : index
    %get3A_10 = arith.constant 0 : index
    %get3A_11 = vector.load %arg2[%get3A_9, %get3A_10] : memref<128x128xf32, #tpu.memory_space<vmem>>, vector<128x128xf32>
    %dot_general3A = arith.constant dense<0.000000e+00> : vector<2000x128xf32>
    %dot_general3A_12 = tpu.matmul %concatenate3A, %get3A_11, %dot_general3A {dimension_numbers = #tpu.dot_dimension_numbers<[1], [0], [0], [1], [0, 0, 1, 1], [], []>, transpose_lhs_hint = false} : vector<2000x128xf32>, vector<128x128xf32>, vector<2000x128xf32> -> vector<2000x128xf32>
    %get3A_13 = arith.constant 0 : index
    %get3A_14 = arith.constant 0 : index
    %get3A_15 = vector.load %arg3[%get3A_13, %get3A_14] : memref<1x128xf32, #tpu.memory_space<vmem>>, vector<1x128xf32>
    %add3A = vector.broadcast %get3A_15 : vector<1x128xf32> to vector<2000x128xf32>
    %add3A_16 = arith.addf %dot_general3A_12, %add3A : vector<2000x128xf32>
    %max3A = arith.constant 0.000000e+00 : f32
    %max3A_17 = vector.broadcast %max3A : f32 to vector<2000x128xf32>
    %max3A_18 = arith.maximumf %add3A_16, %max3A_17 : vector<2000x128xf32>
    %swap3A = arith.constant 0 : index
    %swap3A_19 = arith.constant 0 : index
    %swap3A_20 = vector.load %arg4[%swap3A, %swap3A_19] : memref<2000x128xf32, #tpu.memory_space<vmem>>, vector<2000x128xf32>
    tpu.vector_store %arg4[%swap3A, %swap3A_19], %max3A_18 {strides = array<i32>} : memref<2000x128xf32, #tpu.memory_space<vmem>>, vector<2000x128xf32>,
    return
  }
  func.func @transform_0(%arg0: i32) -> (i32, i32, i32) {
    %c0_i32 = arith.constant 0 : i32
    %c0_i32_0 = arith.constant 0 : i32
    %c0_i32_1 = arith.constant 0 : i32
    return %c0_i32, %arg0, %c0_i32_0 : i32, i32, i32
  }
  func.func @transform_1(%arg0: i32) -> (i32, i32) {
    %c0_i32 = arith.constant 0 : i32
    %c0_i32_0 = arith.constant 0 : i32
    %c0_i32_1 = arith.constant 0 : i32
    return %c0_i32, %c0_i32_0 : i32, i32
  }
  func.func @transform_2(%arg0: i32) -> (i32, i32) {
    %c0_i32 = arith.constant 0 : i32
    %c0_i32_0 = arith.constant 0 : i32
    %c0_i32_1 = arith.constant 0 : i32
    return %c0_i32, %c0_i32_0 : i32, i32
  }
  func.func @transform_3(%arg0: i32) -> (i32, i32) {
    %c0_i32 = arith.constant 0 : i32
    %c0_i32_0 = arith.constant 0 : i32
    return %arg0, %c0_i32 : i32, i32
  }
}

</mosaic_0001>

<sc_bundles>
// kernel: kernel.6.cloned.1.call-start
scs
__scs_entry_jumppad:
0x0: {  	(pc) =	sbr.rel $0x88, $3  }
0x1: {  	(tag) =	ssettag $0x0;
	lr =	simm.s32 $0x1  }
0x2: {  	[smem:$0x3F96] =	sst lr;
	_ =	strace $0xD0000000  }
0x3: {  	_ = 	snop  }
0x4: {  	_ = 	snop  }
0x5: {  	_ = 	snop  }
0x6: {  	_ = 	snop  }
0x7: {  	_ = 	snop  }
__scs_overlays_trampoline_lowered:
0x8: {  	[smem:$0x3FA5] =	sst s0  }
0x9: {  	[smem:$0x3FA6] =	sst s1  }
0xa: {  	[smem:$0x3FA7] =	sst s2  }
0xb: {  	[smem:$0x3FA8] =	sst s3  }
0xc: {  	[smem:$0x3FA9] =	sst s4  }
0xd: {  	[smem:$0x3FAA] =	sst s5  }
0xe: {  	[smem:$0x3FAB] =	sst s6  }
0xf: {  	[smem:$0x3FAC] =	sst s7  }
0x10: {  	[smem:$0x3FAD] =	sst s8  }
0x11: {  	[smem:$0x3FAE] =	sst s9;
	s0 =	simm.s32 @!p0 $0x0  }
0x12: {  	s1 =	sld [smem:$0x3F94];
	s0 =	simm.s32 @p0 $0x1  }
0x13: {  	[smem:$0x3FAF] =	sst s0;
	s0 =	simm.s32 @!p1 $0x0  }
0x14: {  	s2 =	sld [smem:$0x3F93];
	s0 =	simm.s32 @p1 $0x1  }
0x15: {  	[smem:$0x3FB0] =	sst s0;
	s0 =	simm.s32 @!p2 $0x0  }
0x16: {  	s3 =	sld [smem:$0x3FDB];
	s0 =	simm.s32 @p2 $0x1  }
0x17: {  	s4 =	simm.s32 $0x1BF5;
	[smem:$0x3FB2] =	sst s0  }
0x18: {  	s0 =	sld [smem:$0x3F95];
	_ =	swait.ge [sflag:s4], $0x0  }
0x19: {  	s7 =	sld [smem:$0x3F96]  }
0x1a: {  	s8 =	sadd.s32 $0xFFFFE003, lr  }
0x1b: {  	s9 =	sadd.s32 $0xFFFFFEF7, lr;
	s5 =	simm.s32 $0xFFFFFFFF;
	p2 =	slt.u32 s8, $0xFFFFF086  }
0x1c: {  	p1 =	slt.u32 s9, $0xF7A;
	s5 =	simm.s32 @!p2 $0x0  }
0x1d: {  	s5 =	simm.s32 @p1 $0x1;
	p0 =	seq.s32 s7, s2  }
0x1e: {  	s7 =	smul.u32 @!p0 $0xF7A, s2;
	p2 =	seq.s32 @!p0 s5, $0x0  }
0x1f: {  	s9 =	smul.u32 $0xF7A, s1;
	s8 =	simm.s32 @!p0 $0x1BF5;
	p2 =	por !p2, p0  }
0x20: {  	[sflag:s8] =	ssyncset.s32 @!p0 $0xFFFFF086;
	s6 =	sadd.s32 @!p0 s3, s7;
	s7 =	simm.s32 @!p0 $0x108  }
0x21: {  	s3 =	sadd.s32 s3, s9;
	s6 =	sadd.s32 @!p0 $0x88, s6;
	s7 =	simm.s32 @p2 $0x1082  }
0x22: {  	[simem:s7], [sflag:s8] =	dma.local @!p0 [hbm:s6], $0xF7A  }
0x23: {  	s9 =	sor.u32 $0xD0000000, s2;
	s6 =	simm.s32 $0x108;
	_ =	swait.ge @!p0 [sflag:s8], $0x0  }
0x24: {  	s3 =	sadd.s32 $0x88, s3;
	s6 =	simm.s32 @!p1 $0x1082;
	[sflag:s4] =	ssyncset.s32 $0xFFFFF086  }
0x25: {  	[simem:s6], [sflag:s4] =	dma.local [hbm:s3], $0xF7A  }
0x26: {  	[smem:$0x3F96] =	sst s1;
	(tag) =	ssettag s2;
	_ =	strace s9  }
0x27: {  	s1 =	sld [smem:$0x3FA6]  }
0x28: {  	s2 =	sld [smem:$0x3FA7]  }
0x29: {  	s4 =	sld [smem:$0x3FA9]  }
0x2a: {  	p0 =	seq.s32 s5, $0x0;
	s5 =	sld [smem:$0x3FAA]  }
0x2b: {  	s6 =	sld [smem:$0x3FAB]  }
0x2c: {  	s7 =	sld [smem:$0x3FAC]  }
0x2d: {  	s3 =	simm.s32 $0x108;
	s8 =	sld [smem:$0x3FAD]  }
0x2e: {  	s3 =	simm.s32 @!p0 $0x1082;
	s9 =	sld [smem:$0x3FAE]  }
0x2f: {  	lr =	sadd.s32 s0, s3;
	s0 =	sld [smem:$0x3FA5]  }
0x30: {  	s3 =	sld [smem:$0x3FA8]  }
0x31: {  	[smem:$0x3FB1] =	sst s10  }
0x32: {  	s10 =	sld [smem:$0x3FAF];
	_ =	sdelay $0x3  }
0x33: {  	p0 =	seq.s32 s10, $0x1;
	s10 =	sld [smem:$0x3FB1];
	_ =	sdelay $0x3  }
0x34: {  	[smem:$0x3FB1] =	sst s10  }
0x35: {  	s10 =	sld [smem:$0x3FB0];
	_ =	sdelay $0x3  }
0x36: {  	p1 =	seq.s32 s10, $0x1;
	s10 =	sld [smem:$0x3FB1];
	_ =	sdelay $0x3  }
0x37: {  	[smem:$0x3FB1] =	sst s10  }
0x38: {  	s10 =	sld [smem:$0x3FB2]  }
0x39: {  	_ = 	snop;
	(pc) =	sbr.ind lr, $3  }
0x3a: {  	_ = 	snop  }
0x3b: {  	_ = 	snop  }
0x3c: {  	p2 =	seq.s32 s10, $0x1;
	s10 =	sld [smem:$0x3FB1]  }
0x3d: {  	_ =	shalt  }
0x3e: {  	_ =	shalt  }
0x3f: {  	_ =	shalt  }
0x40: {  	_ =	shalt  }
0x41: {  	_ =	shalt  }
0x42: {  	_ =	shalt  }
0x43: {  	_ =	shalt  }
0x44: {  	_ =	shalt  }
0x45: {  	_ =	shalt  }
0x46: {  	_ =	shalt  }
0x47: {  	_ =	shalt  }
0x48: {  	_ =	shalt  }
0x49: {  	_ =	shalt  }
0x4a: {  	_ =	shalt  }
0x4b: {  	_ =	shalt  }
0x4c: {  	_ =	shalt  }
0x4d: {  	_ =	shalt  }
0x4e: {  	_ =	shalt  }
0x4f: {  	_ =	shalt  }
0x50: {  	_ =	shalt  }
0x51: {  	_ =	shalt  }
0x52: {  	_ =	shalt  }
0x53: {  	_ =	shalt  }
0x54: {  	_ =	shalt  }
0x55: {  	_ =	shalt  }
0x56: {  	_ =	shalt  }
0x57: {  	_ =	shalt  }
0x58: {  	_ =	shalt  }
0x59: {  	_ =	shalt  }
0x5a: {  	_ =	shalt  }
0x5b: {  	_ =	shalt  }
0x5c: {  	_ =	shalt  }
0x5d: {  	_ =	shalt  }
0x5e: {  	_ =	shalt  }
0x5f: {  	_ =	shalt  }
0x60: {  	_ =	shalt  }
0x61: {  	_ =	shalt  }
0x62: {  	_ =	shalt  }
0x63: {  	_ =	shalt  }
0x64: {  	_ =	shalt  }
0x65: {  	_ =	shalt  }
0x66: {  	_ =	shalt  }
0x67: {  	_ =	shalt  }
0x68: {  	_ =	shalt  }
0x69: {  	_ =	shalt  }
0x6a: {  	_ =	shalt  }
0x6b: {  	_ =	shalt  }
0x6c: {  	_ =	shalt  }
0x6d: {  	_ =	shalt  }
0x6e: {  	_ =	shalt  }
0x6f: {  	_ =	shalt  }
0x70: {  	_ =	shalt  }
0x71: {  	_ =	shalt  }
0x72: {  	_ =	shalt  }
0x73: {  	_ =	shalt  }
0x74: {  	_ =	shalt  }
0x75: {  	_ =	shalt  }
0x76: {  	_ =	shalt  }
0x77: {  	_ =	shalt  }
0x78: {  	_ =	shalt  }
0x79: {  	_ =	shalt  }
0x7a: {  	_ =	shalt  }
0x7b: {  	_ =	shalt  }
0x7c: {  	_ =	shalt  }
0x7d: {  	_ =	shalt  }
0x7e: {  	_ =	shalt  }
0x7f: {  	_ =	shalt  }
0x80: {  	_ =	shalt  }
0x81: {  	_ =	shalt  }
0x82: {  	_ =	shalt  }
0x83: {  	_ =	shalt  }
0x84: {  	_ =	shalt  }
0x85: {  	_ =	shalt  }
0x86: {  	_ =	shalt  }
0x87: {  	_ =	shalt  }
.Lfunc_end0:
.L_simem_size_0:
called_computation_lowered:
.L_overlay_start_0:
0x88: {  	s2 =	sld [smem:$0x3FD9]  }
0x89: {  	s3 =	sld [smem:$0x3FFE];
	_ =	sdelay $0x1  }
0x8a: {  	s1 =	srdreg.scid  }
0x8b: {  	s0 =	sand.u32 $0x1, s1  }
0x8c: {  	s17 =	sshll.u32 s0, $0xA;
	s2 =	sadd.s32 s3, s2  }
0x8d: {  	s2 =	sadd.s32 s2, s17  }
0x8e: {  	[smem:$0x3FBD] =	sst s2  }
0x8f: {  	_ = 	snop  }
0x90: {  	s2 =	sld [smem:$0x3FD0];
	(tm) =	ssettm $0x1  }
0x91: {  	s18 =	sld [smem:$0x3FFB];
	_ =	sdelay $0x3  }
0x92: {  	_ =	strace s18  }
0x93: {  	s3 =	sld [smem:$0x3FFC];
	_ =	sdelay $0x3  }
0x94: {  	_ =	strace s3  }
0x95: {  	s3 =	sld [smem:$0x3FFD];
	_ =	sdelay $0x3  }
0x96: {  	_ =	strace s3  }
0x97: {  	_ =	strace $0x8FFFFFFF  }
0x98: {  	s19 =	sld [smem:$0x3FDB];
	_ =	sdelay $0x1  }
0x99: {  	s4 =	simm.s32 $_scs_section_size  }
0x9a: {  	s5 =	simm.s32 $_size__tile_overlayer_lowered;
	s6 =	simm.s32 $_tile_overlayer_lowered  }
0x9b: {  	s22 =	simm.s32 $0x1BFF;
	s21 =	sshll.u32 s6, $0x1;
	s3 =	sadd.s32 s4, s19  }
0x9c: {  	s7 =	simm.s32 $0x0;
	s20 =	sshll.u32 s5, $0x1;
	s5 =	sadd.s32 s21, s3  }
0x9d: {  	[timem:s7], [sflag:s22] =	dma.local [hbm:s5], s20  }
0x9e: {  	_ =	swait.ge [sflag:s22], s20  }
0x9f: {  	s4 =	ssub.s32 $0x0, s20;
	[sflag:s22] =	ssyncset.done $0x0  }
0xa0: {  	[sflag:s22] =	ssyncadd.s32 s4;
	_ =	sdelay $0x1  }
0xa1: {  	s23 =	simm.s32 $0x1B8B  }
0xa2: {  	_ =	swait.ge [sflag:s23], $0x1  }
0xa3: {  	[sflag:s23] =	ssyncset.done $0x0  }
0xa4: {  	s25 =	simm.s32 $0x1B8E;
	s24 =	sld [smem:$0x3FFE];
	[sflag:s23] =	ssyncadd.s32 $0xFFFFFFFF  }
0xa5: {  	s26 =	simm.s32 $execute0_lowered;
	[smem:$0x3FD2] =	sst s25  }
0xa6: {  	s5 =	sshll.u32 s26, $0x1;
	_ =	strace $0x80000046;
	[dreg:$0x1] =	wrdreg $0xFFFFFFFF  }
0xa7: {  	s28 =	simm.s32 $_size_execute0_lowered;
	s3 =	sadd.s32 s3, s5;
	[dreg:$0x0] =	wrdreg $0x0  }
0xa8: {  	s5 =	sshll.u32 s28, $0x1;
	[dreg:$0x2] =	wrdreg s3  }
0xa9: {  	[dreg:$0x3] =	wrdreg s5  }
0xaa: {  	[dreg:$0x4] =	wrdreg $0xC0  }
0xab: {  	_ =	task [dreg:s7], $0x5FFFF  }
0xac: {  	[dreg:$0x1] =	wrdreg $0xFFFFFFFF  }
0xad: {  	[dreg:$0x0] =	wrdreg $0x60  }
0xae: {  	[dreg:$0x2] =	wrdreg s2  }
0xaf: {  	[dreg:$0x3] =	wrdreg s24  }
0xb0: {  	[dreg:$0x4] =	wrdreg $0xEC400  }
0xb1: {  	[dreg:$0x5] =	wrdreg $0x9  }
0xb2: {  	_ =	task.clear_ibuf [dreg:s7], $0x6FFFF;
	_ =	strace $0x90000046  }
0xb3: {  	s29 =	simm.s32 $0x9;
	_ =	strace $0x80000048  }
0xb4: {  	_ =	swait.ge [sflag:s29], $0x1  }
0xb5: {  	[sflag:s29] =	ssyncadd.s32 $0xFFFFFFFF  }
0xb6: {  	_ =	strace $0x90000048  }
0xb7: {  	_ =	sfence  }
0xb8: {  	s30 =	sld [smem:$0x0];
	_ =	sdelay $0x2  }
0xb9: {  	s31 =	sshll.u32 s1, $0xD;
	s1 =	sshrl.u32 s1, $0x2  }
0xba: {  	s3 =	sand.u32 $0x4000, s31;
	s1 =	sadd.s32 s1, s30  }
0xbb: {  	s0 =	sor.u32 s3, s0;
	s1 =	sshll.u32 s1, $0x11  }
0xbc: {  	s0 =	sor.u32 s1, s0  }
0xbd: {  	s0 =	sadd.s32 $0x8F2B, s0  }
0xbe: {  	[sflag:s0] =	ssyncadd.remote.s32 $0x1  }
0xbf: {  	_ =	sfence.sel $0xFFFF  }
0xc0: {  	[dreg:$0x0] =	wrdreg $0xFFFFFFFF;
	(pc) =	sbr.abs _section_cstart, $3  }
0xc1: {  	[dreg:$0x1] =	wrdreg $0xFFFFFFFF  }
0xc2: {  	_ =	task.clear_ibuf [dreg:s7], $0x2FFFF;
	_ =	strace $0x9FFFFFFF  }
0xc3: {  	(tm) =	ssettm $0x7FFFFFFF  }
tec
execute0_lowered:
.L_overlay_start_1:
0x0: {  	(tag) =	ssettag $0x1  }
0x1: {  	s0 =	rddreg [dreg:$0x0]  }
0x2: {  	s3 =	rddreg [dreg:$0x1]  }
0x3: {  	s2 =	srdreg.scid;
	s1 =	rddreg [dreg:$0x2]  }
0x4: {  	s15 =	stileid.u32;
	s17 =	simm.s32 $0x28;
	s22 =	simm.s32 $0xA640  }
0x5: {  	s23 =	simm.s32 $0xBA40;
	s28 =	simm.s32 $0x2;
	s7 =	smul.u32 $0x9C40, s15  }
0x6: {  	s29 =	simm.s32 $0xE240;
	s4 =	sand.u32 $0x1, s2;
	s24 =	smul.u32 $0x9C4, s15  }
0x7: {  	s30 =	simm.s32 $0x0;
	s2 =	simm.s32 $0x0;
	s5 =	smul.u32 $0x9C400, s4  }
0x8: {  	s11 =	sshrl.u32 s15, $0x2;
	s12 =	sand.u32 $0x3, s15;
	s6 =	smul.u32 $0x271000, s4  }
0x9: {  	s31 =	sshll.u32 s15, $0x6;
	[smem:$0x7FF] =	sst s2;
	s11 =	smul.u32 $0x9C40, s11  }
0xa: {  	s4 =	ssub.s32 $0x2, s4;
	s12 =	smul.u32 $0x2710, s12;
	s15 =	sor.u32 $0x1C03, s31  }
0xb: {  	_ =	strace $0x80000047;
	s25 =	sshrl.u32 s4, $0x1;
	s14 =	sadd.s32 s7, s1  }
0xc: {  	s8 =	sshrl.u32 s5, $0x3;
	s10 =	sadd.s32 s6, s3;
	s5 =	sadd.s32 s7, s5  }
0xd: {  	s6 =	sadd.s32 s24, s3;
	s13 =	ssub.s32 s4, s25;
	s4 =	sadd.s32 s12, s11  }
0xe: {  	s16 =	sshrl.u32 s14, $0x3;
	s24 =	simm.s32 $0xCE40;
	s25 =	simm.s32 $0x1  }
0xf: {  	s9 =	sadd.s32 s8, s3;
	s5 =	sshrl.u32 s5, $0x3;
	s8 =	sadd.s32 s0, s8  }
0x10: {  	s10 =	sadd.s32 $0x195800, s10;
	s26 =	sshll.u32 s4, $0x4;
	s12 =	smax.u32 s13, $0x1  }
0x11: {  	s13 =	simm.s32 $0x3;
	s3 =	sadd.s32 s5, s3;
	s5 =	sadd.s32 $0xAB000, s6  }
0x12: {  	s6 =	sadd.s32 $0xB4E00, s6;
	s9 =	sadd.s32 $0x147400, s9;
	s20 =	sadd.s32 s26, s10  }
0x13: {  	s26 =	simm.s32 $0xD840;
	s7 =	sadd.s32 $0x16E600, s3;
	s11 =	sadd.s32 $0xBEC00, s3  }
.LBB2_1:
0x14: {  	[tilespmem:s2], [sflag:$0x3] =	stream.linear.gather [hbm4b:s5+s2], $0x4E20, $0x38;
	[tilespmem:$0x18880] =	vst v63  }
0x15: {  	_ =	swait.ge [sflag:s13], $0x4E20  }
0x16: {  	[sflag:s13] =	ssyncset.done $0x0  }
0x17: {  	s0 =	simm.s32 $0x4E20;
	[sflag:s13] =	ssyncadd.s32 $0xFFFFB1E0  }
0x18: {  	[tilespmem:s0], [sflag:$0x3] =	stream.linear.gather [hbm4b:s6+s2], $0x4E20, $0x38;
	[tilespmem:$0x18880] =	vst v63  }
0x19: {  	_ =	swait.ge [sflag:s13], $0x4E20  }
0x1a: {  	[sflag:s13] =	ssyncset.done $0x0  }
0x1b: {  	[sflag:s13] =	ssyncadd.s32 $0xFFFFB1E0  }
0x1c: {  	[spmem:s16], [sflag:s15] =	dma.local [hbm:s7], $0x1388  }
0x1d: {  	_ =	swait.ge [sflag:s13], $0x1388  }
0x1e: {  	[sflag:s13] =	ssyncset.done $0x0  }
0x1f: {  	[sflag:s13] =	ssyncadd.s32 $0xFFFFEC78  }
0x20: {  	s3 =	simm.s32 $0x9C40;
	[bflag:$0x0] =	sbarrier.arrive $0xFFFF  }
0x21: {  	[tilespmem:s3], [sflag:$0x1] =	stream.indirect.gather [hbm4b:s8+s17], $0x40, s2, s17, $0xb8;
	[tilespmem:$0x18880] =	vst v63  }
0x22: {  	s19 =	simm.s32 $0xB040  }
0x23: {  	[tilespmem:s19], [sflag:$0x1] =	stream.indirect.gather [hbm4b:s9+s17], $0x40, s0, s17, $0xb8;
	[tilespmem:$0x18880] =	vst v63  }
0x24: {  	s21 =	simm.s32 $0xC440;
	s31 =	simm.s32 $0x0  }
0x25: {  	[tilespmem:s21], [sflag:$0x1] =	stream.linear.gather [hbm4b:s20+s2], $0xA00, $0x38;
	[tilespmem:$0x18880] =	vst v63  }
.LBB2_2:
0x26: {  	s3 =	sshllo.u32 s31, $0x1  }
0x27: {  	s0 =	smul.u32 $0x28, s3  }
0x28: {  	s3 =	smul.u32 $0x14, s3  }
0x29: {  	[tilespmem:s22], [sflag:$0x2] =	stream.indirect.gather [hbm4b:s8+s17], $0x40, s0, s17, $0xb8;
	[tilespmem:$0x18880] =	vst v63  }
0x2a: {  	s3 =	sadd.s32 s4, s3  }
0x2b: {  	s14 =	sadd.s32 $0x4E20, s0;
	s3 =	sshll.u32 s3, $0x4  }
0x2c: {  	[tilespmem:s23], [sflag:$0x2] =	stream.indirect.gather [hbm4b:s9+s17], $0x40, s14, s17, $0xb8;
	[tilespmem:$0x18880] =	vst v63  }
0x2d: {  	s3 =	sand.u32 $0x1FFFFFC0, s3  }
0x2e: {  	s21 =	simm.s32 $0x0;
	s3 =	sadd.s32 s10, s3  }
0x2f: {  	[tilespmem:s24], [sflag:$0x2] =	stream.linear.gather [hbm4b:s3+s21], $0xA00, $0x38;
	[tilespmem:$0x18880] =	vst v63  }
0x30: {  	_ =	swait.ge [sflag:s25], $0xA00  }
0x31: {  	[sflag:s25] =	ssyncset.done $0x0  }
0x32: {  	[sflag:s25] =	ssyncadd.s32 $0xFFFFF600  }
0x33: {  	_ =	swait.ge [sflag:s25], $0xA00  }
0x34: {  	[sflag:s25] =	ssyncset.done $0x0  }
0x35: {  	[sflag:s25] =	ssyncadd.s32 $0xFFFFF600  }
0x36: {  	_ =	swait.ge [sflag:s25], $0xA00  }
0x37: {  	[sflag:s25] =	ssyncset.done $0x0  }
0x38: {  	s18 =	simm.s32 $0x0;
	[sflag:s25] =	ssyncadd.s32 $0xFFFFF600  }
0x39: {  	v0 =	vld [tilespmem:s18+$0x9CB0]  }
0x3a: {  	v1 =	vld [tilespmem:s18+$0xB0B0]  }
0x3b: {  	v2 =	vld [tilespmem:s18+$0x9C40]  }
0x3c: {  	v3 =	vld [tilespmem:s18+$0xC4B0]  }
0x3d: {  	v4 =	vld [tilespmem:s18+$0xB040]  }
0x3e: {  	v10 =	vld [tilespmem:s18+$0x9C60]  }
0x3f: {  	v13 =	vld [tilespmem:s18+$0x9C70]  }
0x40: {  	v5 =	vld [tilespmem:s18+$0x9C50];
	v7 =	vand.u32 $0xFFFF0000, v0;
	v8 =	vand.u32 $0xFFFF0000, v1;
	v9 =	vand.u32 $0xFFFF0000, v2  }
0x41: {  	v26 =	vld [tilespmem:s18+$0xC480];
	v0 =	vshll.u32 v0, $0x10;
	v1 =	vshll.u32 v1, $0x10;
	v11 =	vand.u32 $0xFFFF0000, v3  }
0x42: {  	v6 =	vld [tilespmem:s18+$0xB050];
	v12 =	vand.u32 $0xFFFF0000, v4;
	v3 =	vshll.u32 v3, $0x10;
	v2 =	vshll.u32 v2, $0x10  }
0x43: {  	v15 =	vand.u32 $0xFFFF0000, v10;
	v4 =	vshll.u32 v4, $0x10;
	v7 =	vadd.f32 v8, v7  }
0x44: {  	v18 =	vand.u32 $0xFFFF0000, v13;
	v10 =	vshll.u32 v10, $0x10;
	v8 =	vld [tilespmem:s18+$0xB060];
	v0 =	vadd.f32 v1, v0  }
0x45: {  	v13 =	vshll.u32 v13, $0x10;
	v2 =	vadd.f32 v4, v2;
	v1 =	vadd.f32 v11, v7  }
0x46: {  	v14 =	vld [tilespmem:s18+$0x9C80];
	v32 =	vand.u32 $0xFFFF0000, v26;
	v7 =	vadd.f32 v12, v9;
	v0 =	vadd.f32 v3, v0  }
0x47: {  	v9 =	vand.u32 $0xFFFF0000, v5;
	v11 =	vld [tilespmem:s18+$0xB070];
	v12 =	vand.u32 $0xFFFF0000, v6;
	v6 =	vshll.u32 v6, $0x10  }
0x48: {  	v9 =	vadd.f32 v12, v9;
	v12 =	vld [tilespmem:s18+$0xB080];
	v3 =	vand.u32 $0x7FFFFFFF, v1;
	v0 =	vmul.f32 $1.442695020e+00, v0  }
0x49: {  	v17 =	vld [tilespmem:s18+$0x9C90];
	v1 =	vmax.f32 v1, $0.0e+00;
	v3 =	vsub.f32 $0.0e+00, v3;
	v16 =	vand.u32 $0xFFFF0000, v8  }
0x4a: {  	v20 =	vld [tilespmem:s18+$0x9CA0];
	v8 =	vshll.u32 v8, $0x10;
	v15 =	vadd.f32 v16, v15;
	(erf) = vpow2.f32 v0  }
0x4b: {  	v16 =	vld [tilespmem:s18+$0xB090];
	v0 =	vshll.u32 v5, $0x10;
	v4 =	vadd.f32 v8, v10;
	v3 =	vmul.f32 $1.442695020e+00, v3  }
0x4c: {  	v22 =	vld [tilespmem:s18+$0xC450];
	v19 =	vand.u32 $0xFFFF0000, v11;
	v11 =	vshll.u32 v11, $0x10;
	v0 =	vadd.f32 v6, v0  }
0x4d: {  	v5 =	vadd.f32 v19, v18;
	v18 =	vld [tilespmem:s18+$0xB0A0];
	v21 =	vand.u32 $0xFFFF0000, v12;
	v12 =	vshll.u32 v12, $0x10  }
0x4e: {  	v19 =	vld [tilespmem:s18+$0xC440];
	v6 =	vadd.f32 v11, v13;
	(erf) = vpow2.f32 v3;
	v3 =	vand.u32 $0xFFFF0000, v14  }
0x4f: {  	v14 =	vshll.u32 v14, $0x10;
	v3 =	vadd.f32 v21, v3;
	v21 =	vand.u32 $0xFFFF0000, v17  }
0x50: {  	v23 =	vld [tilespmem:s18+$0xC460];
	v17 =	vshll.u32 v17, $0x10;
	v10 =	vadd.f32 v12, v14;
	v24 =	vand.u32 $0xFFFF0000, v16  }
0x51: {  	v25 =	vld [tilespmem:s18+$0xC470];
	v16 =	vshll.u32 v16, $0x10;
	v21 =	vadd.f32 v24, v21;
	v24 =	vand.u32 $0xFFFF0000, v20  }
0x52: {  	v29 =	vld [tilespmem:s18+$0xC490];
	v20 =	vshll.u32 v20, $0x10;
	v11 =	vadd.f32 v16, v17;
	v17 =	vshll.u32 v22, $0x10  }
0x53: {  	v27 =	vand.u32 $0xFFFF0000, v18;
	v28 =	vand.u32 $0xFFFF0000, v19;
	v18 =	vshll.u32 v18, $0x10  }
0x54: {  	v30 =	vld [tilespmem:s18+$0xC4A0];
	v0 =	vadd.f32 v17, v0;
	v24 =	vadd.f32 v27, v24;
	v27 =	vand.u32 $0xFFFF0000, v22  }
0x55: {  	v7 =	vadd.f32 v28, v7;
	v9 =	vadd.f32 v27, v9;
	v27 =	vand.u32 $0xFFFF0000, v23  }
0x56: {  	v13 =	vadd.f32 v18, v20;
	v15 =	vadd.f32 v27, v15;
	v27 =	vand.u32 $0xFFFF0000, v25  }
0x57: {  	v28 =	vpop (erf);
	v5 =	vadd.f32 v27, v5;
	v27 =	vadd.f32 v32, v3;
	v3 =	vand.u32 $0xFFFF0000, v29  }
0x58: {  	v0 =	vmul.f32 $1.442695020e+00, v0;
	v28 =	vadd.f32 $1.000000000e+00, v28;
	v31 =	vpop (erf);
	v21 =	vadd.f32 v3, v21  }
0x59: {  	v3 =	vand.u32 $0xFFFF0000, v30;
	v33 =	vmul.f32 $5.743296070e-02, v31;
	v55 =	vmul.f32 v31, v31  }
0x5a: {  	v56 =	vand.u32 $0x7FFFFFFF, v15;
	v34 =	vmul.f32 $4.697743950e-01, v31;
	(erf) = vrcp.f32 v28  }
0x5b: {  	v28 =	vand.u32 $0x7FFFFFFF, v7;
	v24 =	vadd.f32 v3, v24;
	v33 =	vsub.f32 $2.231071440e-01, v33  }
0x5c: {  	v3 =	vand.u32 $0x7FFFFFFF, v9;
	v35 =	vand.u32 $0x7FFFFFFF, v5;
	v36 =	vand.u32 $0x7FFFFFFF, v27  }
0x5d: {  	v14 =	vsub.f32 $0.0e+00, v28;
	v34 =	vsub.f32 $9.971876740e-01, v34;
	v32 =	vmul.f32 v33, v55  }
0x5e: {  	v18 =	vsub.f32 $0.0e+00, v56;
	v57 =	vand.u32 $0x7FFFFFFF, v21;
	v3 =	vsub.f32 $0.0e+00, v3  }
0x5f: {  	v20 =	vsub.f32 $0.0e+00, v36;
	v14 =	vmul.f32 $1.442695020e+00, v14;
	v32 =	vadd.f32 v32, v34  }
0x60: {  	v22 =	vsub.f32 $0.0e+00, v57;
	v17 =	vmul.f32 $1.442695020e+00, v18;
	v3 =	vmul.f32 $1.442695020e+00, v3  }
0x61: {  	v12 =	vand.u32 $0x7FFFFFFF, v24;
	(erf) = vpow2.f32 v14;
	v8 =	vmul.f32 v32, v31  }
0x62: {  	v12 =	vsub.f32 $0.0e+00, v12;
	v14 =	vmul.f32 $1.442695020e+00, v22;
	(erf) = vpow2.f32 v3  }
0x63: {  	(erf) = vpow2.f32 v17;
	v1 =	vadd.f32 v8, v1;
	v8 =	vshll.u32 v19, $0x10  }
0x64: {  	v16 =	vpop (erf);
	v19 =	vsub.f32 $0.0e+00, v35;
	v2 =	vadd.f32 v8, v2;
	v8 =	vshll.u32 v29, $0x10  }
0x65: {  	v1 =	vmul.f32 v1, v16;
	v16 =	vshll.u32 v23, $0x10;
	v23 =	vshll.u32 v25, $0x10  }
0x66: {  	v25 =	vshll.u32 v26, $0x10;
	v26 =	vshll.u32 v30, $0x10;
	v18 =	vmul.f32 $1.442695020e+00, v19  }
0x67: {  	v8 =	vadd.f32 v8, v11;
	v4 =	vadd.f32 v16, v4;
	v16 =	vmul.f32 $1.442695020e+00, v20  }
0x68: {  	v3 =	vadd.f32 v25, v10;
	v10 =	vmul.f32 $1.442695020e+00, v12;
	(erf) = vpow2.f32 v18  }
0x69: {  	v6 =	vadd.f32 v23, v6;
	v11 =	vmul.f32 $1.442695020e+00, v2;
	(erf) = vpow2.f32 v16  }
0x6a: {  	v12 =	vadd.f32 v26, v13;
	v13 =	vmul.f32 $1.442695020e+00, v4;
	(erf) = vpow2.f32 v14  }
0x6b: {  	v6 =	vmul.f32 $1.442695020e+00, v6;
	(erf) = vpow2.f32 v10  }
0x6c: {  	v7 =	vmax.f32 v7, $0.0e+00;
	v10 =	vmul.f32 $1.442695020e+00, v3;
	(erf) = vpow2.f32 v11  }
0x6d: {  	v3 =	vmax.f32 v5, $0.0e+00;
	v5 =	vmul.f32 $1.442695020e+00, v8;
	v11 =	vpop (erf);
	(erf) = vpow2.f32 v0  }
0x6e: {  	v2 =	vmax.f32 v15, $0.0e+00;
	v0 =	vmul.f32 $1.442695020e+00, v12;
	v12 =	vmul.f32 $5.743296070e-02, v11  }
0x6f: {  	s3 =	simm.s32 $0x80;
	[tilespmem:s18+$0xD8B0] =	vst v1;
	v4 =	vmax.f32 v27, $0.0e+00;
	v20 =	vmul.f32 $4.697743950e-01, v11;
	(erf) = vpow2.f32 v13;
	v13 =	vpop (erf)  }
0x70: {  	v63 =	vld [tilespmem:s3+$0x9CA0];
	v14 =	vmax.f32 v9, $0.0e+00;
	(erf) = vpow2.f32 v6;
	v6 =	vmul.f32 $5.743296070e-02, v13  }
0x71: {  	v9 =	vmax.f32 v21, $0.0e+00;
	v15 =	vpop (erf);
	v23 =	vmul.f32 v13, v13;
	v26 =	vmul.f32 $4.697743950e-01, v13  }
0x72: {  	(erf) = vpow2.f32 v10;
	v10 =	vsub.f32 $2.231071440e-01, v12;
	v12 =	vmul.f32 $5.743296070e-02, v15  }
0x73: {  	v8 =	vmax.f32 v24, $0.0e+00;
	v28 =	vmul.f32 v15, v15;
	v30 =	vmul.f32 $4.697743950e-01, v15;
	v17 =	vpop (erf)  }
0x74: {  	(erf) = vpow2.f32 v5;
	v5 =	vsub.f32 $2.231071440e-01, v6;
	v6 =	vmul.f32 $5.743296070e-02, v17  }
0x75: {  	v53 =	vand.u32 $0xFFFF0000, v63;
	v18 =	vpop (erf);
	(erf) = vpow2.f32 v0;
	v0 =	vmul.f32 v11, v11  }
0x76: {  	v20 =	vsub.f32 $9.971876740e-01, v20;
	v31 =	vmul.f32 v17, v17;
	v59 =	vmul.f32 $4.697743950e-01, v17  }
0x77: {  	v12 =	vsub.f32 $2.231071440e-01, v12;
	v16 =	vmul.f32 $5.743296070e-02, v18;
	v60 =	vmul.f32 v18, v18  }
0x78: {  	v19 =	vpop (erf);
	v62 =	vmul.f32 $4.697743950e-01, v18;
	v5 =	vmul.f32 v5, v23;
	v23 =	vsub.f32 $9.971876740e-01, v30  }
0x79: {  	v6 =	vsub.f32 $2.231071440e-01, v6;
	v21 =	vmul.f32 $5.743296070e-02, v19;
	v37 =	vmul.f32 v19, v19  }
0x7a: {  	v22 =	vpop (erf);
	v39 =	vmul.f32 $4.697743950e-01, v19;
	v0 =	vmul.f32 v10, v0;
	v10 =	vsub.f32 $9.971876740e-01, v26  }
0x7b: {  	v12 =	vmul.f32 v12, v28;
	v16 =	vsub.f32 $2.231071440e-01, v16;
	v25 =	vpop (erf);
	v1 =	vsub.f32 $9.971876740e-01, v62  }
0x7c: {  	v24 =	vmul.f32 $5.743296070e-02, v22;
	v25 =	vadd.f32 $1.000000000e+00, v25;
	v21 =	vsub.f32 $2.231071440e-01, v21  }
0x7d: {  	v40 =	vmul.f32 v22, v22;
	v26 =	vsub.f32 $9.971876740e-01, v39;
	v0 =	vadd.f32 v0, v20  }
0x7e: {  	v42 =	vmul.f32 $4.697743950e-01, v22;
	v27 =	vpop (erf);
	v5 =	vadd.f32 v5, v10;
	v10 =	vadd.f32 v12, v23  }
0x7f: {  	v6 =	vmul.f32 v6, v31;
	v27 =	vadd.f32 $1.000000000e+00, v27;
	v24 =	vsub.f32 $2.231071440e-01, v24;
	v29 =	vpop (erf)  }
0x80: {  	v47 =	vld [tilespmem:s3+$0xC490];
	v16 =	vmul.f32 v16, v60;
	v20 =	vsub.f32 $9.971876740e-01, v42;
	v29 =	vadd.f32 $1.000000000e+00, v29  }
0x81: {  	v58 =	vpop (erf);
	(erf) = vrcp.f32 v25;
	v25 =	vsub.f32 $9.971876740e-01, v59;
	v21 =	vmul.f32 v21, v37  }
0x82: {  	v23 =	vld [tilespmem:s3+$0x9C40];
	v0 =	vmul.f32 v0, v11;
	v5 =	vmul.f32 v5, v13;
	v32 =	vadd.f32 $1.000000000e+00, v58;
	v61 =	vpop (erf)  }
0x83: {  	v24 =	vmul.f32 v24, v40;
	v1 =	vadd.f32 v16, v1;
	v35 =	vadd.f32 $1.000000000e+00, v61  }
0x84: {  	v28 =	vld [tilespmem:s3+$0xB0B0];
	v16 =	vmul.f32 v10, v15;
	v6 =	vadd.f32 v6, v25;
	v11 =	vadd.f32 v21, v26  }
0x85: {  	v37 =	vld [tilespmem:s3+$0xC460];
	v58 =	vand.u32 $0xFFFF0000, v47;
	v38 =	vpop (erf);
	v12 =	vadd.f32 v0, v7;
	v14 =	vadd.f32 v5, v14  }
0x86: {  	v40 =	vld [tilespmem:s3+$0xC470];
	v38 =	vadd.f32 $1.000000000e+00, v38;
	v41 =	vpop (erf);
	(erf) = vrcp.f32 v27;
	v20 =	vadd.f32 v24, v20  }
0x87: {  	v25 =	vld [tilespmem:s3+$0xC4B0];
	v15 =	vmul.f32 v1, v18;
	v7 =	vand.u32 $0xFFFF0000, v23;
	v2 =	vadd.f32 v16, v2  }
0x88: {  	v21 =	vld [tilespmem:s3+$0xB040];
	v41 =	vadd.f32 $1.000000000e+00, v41;
	(erf) = vrcp.f32 v29;
	v13 =	vmul.f32 v6, v17  }
0x89: {  	v27 =	vld [tilespmem:s3+$0x9CB0];
	v11 =	vmul.f32 v11, v19;
	v6 =	vand.u32 $0xFFFF0000, v28;
	v19 =	vshll.u32 v28, $0x10  }
0x8a: {  	v24 =	vld [tilespmem:s3+$0x9C70];
	(erf) = vrcp.f32 v32;
	v10 =	vmul.f32 v20, v22;
	v32 =	vshll.u32 v63, $0x10  }
0x8b: {  	v1 =	vld [tilespmem:s3+$0xB050];
	v49 =	vand.u32 $0xFFFF0000, v37;
	v4 =	vadd.f32 v15, v4;
	(erf) = vrcp.f32 v35  }
0x8c: {  	v17 =	vld [tilespmem:s3+$0x9C60];
	v56 =	vand.u32 $0xFFFF0000, v40;
	v40 =	vshll.u32 v40, $0x10;
	(erf) = vrcp.f32 v38  }
0x8d: {  	v29 =	vld [tilespmem:s3+$0x9C90];
	v20 =	vand.u32 $0xFFFF0000, v25;
	v22 =	vand.u32 $0xFFFF0000, v21;
	v21 =	vshll.u32 v21, $0x10  }
0x8e: {  	(erf) = vrcp.f32 v41;
	v5 =	vand.u32 $0xFFFF0000, v27;
	v18 =	vshll.u32 v27, $0x10  }
0x8f: {  	v0 =	vld [tilespmem:s3+$0x9C50];
	v30 =	vand.u32 $0xFFFF0000, v24;
	v24 =	vshll.u32 v24, $0x10;
	v5 =	vadd.f32 v6, v5  }
0x90: {  	v35 =	vld [tilespmem:s3+$0xC450];
	v18 =	vadd.f32 v19, v18;
	v19 =	vshll.u32 v23, $0x10;
	v23 =	vshll.u32 v25, $0x10  }
0x91: {  	v25 =	vand.u32 $0xFFFF0000, v1;
	v27 =	vand.u32 $0xFFFF0000, v17;
	v1 =	vshll.u32 v1, $0x10  }
0x92: {  	v6 =	vld [tilespmem:s3+$0xB060];
	v33 =	vpop (erf);
	v17 =	vshll.u32 v17, $0x10;
	v51 =	vand.u32 $0xFFFF0000, v29;
	v29 =	vshll.u32 v29, $0x10  }
0x93: {  	v19 =	vadd.f32 v21, v19;
	v12 =	vmul.f32 v12, v33;
	v20 =	vadd.f32 v20, v5  }
0x94: {  	v5 =	vadd.f32 v22, v7;
	v22 =	vand.u32 $0xFFFF0000, v0;
	v18 =	vadd.f32 v23, v18  }
0x95: {  	v7 =	vld [tilespmem:s3+$0xB070];
	v0 =	vshll.u32 v0, $0x10;
	v54 =	vand.u32 $0xFFFF0000, v35;
	v22 =	vadd.f32 v25, v22  }
0x96: {  	v26 =	vld [tilespmem:s3+$0x9C80];
	v36 =	vpop (erf);
	v0 =	vadd.f32 v1, v0;
	v23 =	vand.u32 $0x7FFFFFFF, v20;
	v18 =	vmul.f32 $1.442695020e+00, v18  }
0x97: {  	v25 =	vld [tilespmem:s3+$0xB080];
	v38 =	vpop (erf);
	v20 =	vmax.f32 v20, $0.0e+00;
	v23 =	vsub.f32 $0.0e+00, v23;
	v28 =	vand.u32 $0xFFFF0000, v6  }
0x98: {  	v6 =	vshll.u32 v6, $0x10;
	v22 =	vadd.f32 v54, v22;
	v15 =	vmul.f32 v2, v38  }
0x99: {  	v42 =	vld [tilespmem:s3+$0xC480];
	v2 =	vadd.f32 v11, v9;
	v27 =	vadd.f32 v28, v27;
	v23 =	vmul.f32 $1.442695020e+00, v23  }
0x9a: {  	v28 =	vld [tilespmem:s3+$0xB090];
	(erf) = vpow2.f32 v18;
	v6 =	vadd.f32 v6, v17;
	v31 =	vand.u32 $0xFFFF0000, v7  }
0x9b: {  	v7 =	vshll.u32 v7, $0x10;
	v18 =	vadd.f32 v31, v30;
	v30 =	vld [tilespmem:s3+$0xB0A0];
	(erf) = vpow2.f32 v23  }
0x9c: {  	v31 =	vand.u32 $0xFFFF0000, v26;
	v50 =	vand.u32 $0xFFFF0000, v25;
	v26 =	vshll.u32 v26, $0x10;
	v23 =	vld [tilespmem:s3+$0xC440]  }
0x9d: {  	v25 =	vshll.u32 v25, $0x10;
	v27 =	vadd.f32 v49, v27;
	v7 =	vadd.f32 v7, v24  }
0x9e: {  	v61 =	vand.u32 $0x7FFFFFFF, v22;
	v31 =	vadd.f32 v50, v31;
	v21 =	vadd.f32 v25, v26  }
0x9f: {  	v48 =	vld [tilespmem:s3+$0xC4A0];
	v41 =	vpop (erf);
	v18 =	vadd.f32 v56, v18;
	v62 =	vand.u32 $0x7FFFFFFF, v27;
	v52 =	vand.u32 $0xFFFF0000, v28  }
0xa0: {  	v43 =	vpop (erf);
	v28 =	vshll.u32 v28, $0x10;
	v34 =	vadd.f32 v52, v51;
	v51 =	vand.u32 $0xFFFF0000, v42  }
0xa1: {  	v46 =	vpop (erf);
	v24 =	vadd.f32 v28, v29;
	v44 =	vand.u32 $0xFFFF0000, v30;
	v45 =	vand.u32 $0xFFFF0000, v23  }
0xa2: {  	v63 =	vand.u32 $0x7FFFFFFF, v18;
	v39 =	vadd.f32 v44, v53;
	v44 =	vadd.f32 v45, v5;
	v5 =	vpop (erf)  }
0xa3: {  	v28 =	vshll.u32 v35, $0x10;
	v29 =	vsub.f32 $0.0e+00, v61;
	v42 =	vshll.u32 v42, $0x10;
	v55 =	vpop (erf)  }
0xa4: {  	v61 =	vshll.u32 v48, $0x10;
	v30 =	vshll.u32 v30, $0x10;
	v45 =	vadd.f32 $1.000000000e+00, v55;
	v50 =	vpop (erf)  }
0xa5: {  	v31 =	vadd.f32 v51, v31;
	v0 =	vadd.f32 v28, v0;
	v57 =	vmul.f32 $5.743296070e-02, v50  }
0xa6: {  	v28 =	vadd.f32 v40, v7;
	v53 =	vand.u32 $0xFFFF0000, v48;
	(erf) = vrcp.f32 v45  }
0xa7: {  	v59 =	vmul.f32 v50, v50;
	v52 =	vmul.f32 $4.697743950e-01, v50;
	v49 =	vsub.f32 $2.231071440e-01, v57  }
0xa8: {  	v34 =	vadd.f32 v58, v34;
	v25 =	vadd.f32 v30, v32;
	v23 =	vshll.u32 v23, $0x10  }
0xa9: {  	v30 =	vsub.f32 $0.0e+00, v62;
	v60 =	vsub.f32 $9.971876740e-01, v52;
	v45 =	vmul.f32 v49, v59  }
0xaa: {  	v58 =	vsub.f32 $0.0e+00, v63;
	v19 =	vadd.f32 v23, v19;
	v23 =	vshll.u32 v47, $0x10  }
0xab: {  	v47 =	vmul.f32 $1.442695020e+00, v0;
	v39 =	vadd.f32 v53, v39;
	v45 =	vadd.f32 v45, v60  }
0xac: {  	v28 =	vmul.f32 $1.442695020e+00, v28;
	v56 =	vand.u32 $0x7FFFFFFF, v34;
	v23 =	vadd.f32 v23, v24  }
0xad: {  	v25 =	vadd.f32 v61, v25;
	v1 =	vand.u32 $0x7FFFFFFF, v39;
	v17 =	vmul.f32 v45, v50  }
0xae: {  	v54 =	vand.u32 $0x7FFFFFFF, v44;
	v55 =	vand.u32 $0x7FFFFFFF, v31;
	v1 =	vsub.f32 $0.0e+00, v1  }
0xaf: {  	v19 =	vmul.f32 $1.442695020e+00, v19;
	v17 =	vadd.f32 v17, v20;
	v20 =	vsub.f32 $0.0e+00, v54  }
0xb0: {  	v24 =	vmul.f32 $1.442695020e+00, v1;
	v1 =	vmax.f32 v18, $0.0e+00;
	v18 =	vmul.f32 $1.442695020e+00, v25;
	v26 =	vpop (erf)  }
0xb1: {  	v26 =	vmul.f32 v17, v26;
	v17 =	vshll.u32 v37, $0x10;
	v20 =	vmul.f32 $1.442695020e+00, v20  }
0xb2: {  	v25 =	vmul.f32 v2, v46;
	v6 =	vadd.f32 v17, v6;
	v17 =	vmul.f32 $1.442695020e+00, v29  }
0xb3: {  	v59 =	vsub.f32 $0.0e+00, v55;
	v29 =	vmul.f32 $1.442695020e+00, v30;
	(erf) = vpow2.f32 v20  }
0xb4: {  	v60 =	vsub.f32 $0.0e+00, v56;
	v30 =	vmul.f32 $1.442695020e+00, v58;
	(erf) = vpow2.f32 v17  }
0xb5: {  	v21 =	vadd.f32 v42, v21;
	v62 =	vmul.f32 $1.442695020e+00, v59;
	(erf) = vpow2.f32 v29  }
0xb6: {  	v63 =	vmul.f32 $1.442695020e+00, v60;
	(erf) = vpow2.f32 v30  }
0xb7: {  	v20 =	vmul.f32 $1.442695020e+00, v21;
	(erf) = vpow2.f32 v62  }
0xb8: {  	v21 =	vmul.f32 v14, v36;
	(erf) = vpow2.f32 v63  }
0xb9: {  	v3 =	vadd.f32 v13, v3;
	v48 =	vmul.f32 $1.442695020e+00, v6;
	(erf) = vpow2.f32 v24  }
0xba: {  	v17 =	vmul.f32 $1.442695020e+00, v23;
	(erf) = vpow2.f32 v19  }
0xbb: {  	v6 =	vmax.f32 v22, $0.0e+00;
	v22 =	vmul.f32 v3, v41;
	(erf) = vpow2.f32 v47  }
0xbc: {  	v16 =	vadd.f32 v10, v8;
	v23 =	vmul.f32 v4, v43;
	v9 =	vpop (erf);
	(erf) = vpow2.f32 v48  }
0xbd: {  	v0 =	vmax.f32 v27, $0.0e+00;
	v13 =	vmul.f32 $5.743296070e-02, v9;
	v11 =	vpop (erf);
	(erf) = vpow2.f32 v28  }
0xbe: {  	v7 =	vmax.f32 v44, $0.0e+00;
	v29 =	vmul.f32 $4.697743950e-01, v9;
	v8 =	vmul.f32 $5.743296070e-02, v11  }
0xbf: {  	v3 =	vmax.f32 v31, $0.0e+00;
	v10 =	vpop (erf);
	(erf) = vpow2.f32 v20;
	v31 =	vmul.f32 v11, v11  }
0xc0: {  	v4 =	vmax.f32 v34, $0.0e+00;
	v34 =	vmul.f32 $4.697743950e-01, v11;
	v20 =	vmul.f32 $5.743296070e-02, v10  }
0xc1: {  	v19 =	vsub.f32 $2.231071440e-01, v13;
	v36 =	vmul.f32 v10, v10;
	v38 =	vmul.f32 $4.697743950e-01, v10;
	v13 =	vpop (erf)  }
0xc2: {  	v24 =	vsub.f32 $2.231071440e-01, v8;
	(erf) = vpow2.f32 v17;
	v8 =	vmul.f32 $5.743296070e-02, v13;
	v14 =	vpop (erf)  }
0xc3: {  	v2 =	vmax.f32 v39, $0.0e+00;
	(erf) = vpow2.f32 v18;
	v18 =	vmul.f32 v9, v9;
	v17 =	vpop (erf)  }
0xc4: {  	[tilespmem:s3+$0xD8B0] =	vst v26;
	v39 =	vmul.f32 v13, v13;
	v30 =	vsub.f32 $2.231071440e-01, v8;
	v8 =	vmul.f32 $5.743296070e-02, v17  }
0xc5: {  	[tilespmem:s18+$0xD840] =	vst v12;
	v29 =	vsub.f32 $9.971876740e-01, v29;
	v53 =	vmul.f32 $4.697743950e-01, v13;
	v12 =	vmul.f32 v24, v31  }
0xc6: {  	v27 =	vsub.f32 $2.231071440e-01, v20;
	v28 =	vmul.f32 $5.743296070e-02, v14;
	v54 =	vmul.f32 v14, v14;
	v20 =	vpop (erf)  }
0xc7: {  	[tilespmem:s18+$0xD860] =	vst v15;
	v15 =	vsub.f32 $9.971876740e-01, v38;
	v56 =	vmul.f32 $4.697743950e-01, v14;
	v57 =	vmul.f32 v17, v17;
	v50 =	vpop (erf)  }
0xc8: {  	v59 =	vmul.f32 $4.697743950e-01, v17;
	v63 =	vmul.f32 v19, v18;
	v35 =	vsub.f32 $2.231071440e-01, v8;
	v8 =	vpop (erf)  }
0xc9: {  	v19 =	vmul.f32 v27, v36;
	v18 =	vsub.f32 $9.971876740e-01, v53;
	v33 =	vadd.f32 $1.000000000e+00, v50;
	v51 =	vpop (erf)  }
0xca: {  	v28 =	vsub.f32 $2.231071440e-01, v28;
	v49 =	vmul.f32 $5.743296070e-02, v20;
	v8 =	vadd.f32 $1.000000000e+00, v8;
	v52 =	vpop (erf)  }
0xcb: {  	v60 =	vmul.f32 v20, v20;
	(erf) = vrcp.f32 v33;
	v37 =	vadd.f32 $1.000000000e+00, v51;
	v55 =	vpop (erf)  }
0xcc: {  	v62 =	vmul.f32 $4.697743950e-01, v20;
	v40 =	vadd.f32 $1.000000000e+00, v52;
	(erf) = vrcp.f32 v8;
	v58 =	vpop (erf)  }
0xcd: {  	[tilespmem:s18+$0xD880] =	vst v23;
	v23 =	vsub.f32 $9.971876740e-01, v56;
	v43 =	vadd.f32 $1.000000000e+00, v55;
	v61 =	vpop (erf);
	(erf) = vrcp.f32 v37  }
0xce: {  	[tilespmem:s18+$0xD870] =	vst v22;
	v22 =	vmul.f32 v30, v39;
	v46 =	vadd.f32 $1.000000000e+00, v58;
	(erf) = vrcp.f32 v40  }
0xcf: {  	v32 =	vsub.f32 $2.231071440e-01, v49;
	v49 =	vadd.f32 $1.000000000e+00, v61;
	(erf) = vrcp.f32 v43  }
0xd0: {  	[tilespmem:s18+$0xD890] =	vst v25;
	v25 =	vsub.f32 $9.971876740e-01, v59;
	v29 =	vadd.f32 v63, v29;
	(erf) = vrcp.f32 v46  }
0xd1: {  	s14 =	simm.s32 $0x100;
	[tilespmem:s18+$0xD850] =	vst v21;
	v24 =	vmul.f32 v28, v54;
	v8 =	vsub.f32 $9.971876740e-01, v34;
	(erf) = vrcp.f32 v49  }
0xd2: {  	s19 =	sshll.u32 s31, $0x1;
	s21 =	simm.s32 $0x600;
	v21 =	vld [tilespmem:s14+$0x9CB0];
	v27 =	vsub.f32 $9.971876740e-01, v62;
	v26 =	vmul.f32 v35, v57;
	v28 =	vmul.f32 v32, v60  }
.LBB2_3:
0xd3: {  	p0 =	sne.s32 s21, $0x2600;
	v30 =	vld [tilespmem:s14+$0xB0B0];
	v12 =	vadd.f32 v12, v8;
	v15 =	vadd.f32 v19, v15;
	v5 =	vmul.f32 v16, v5  }
0xd4: {  	v19 =	vadd.f32 v22, v18;
	v22 =	vadd.f32 v24, v23;
	v31 =	vld [tilespmem:s14+$0x9C40];
	v16 =	vmul.f32 v29, v9;
	v8 =	vpop (erf)  }
0xd5: {  	v24 =	vadd.f32 v26, v25;
	v25 =	vadd.f32 v28, v27;
	v23 =	vld [tilespmem:s14+$0xC4B0];
	v29 =	vmul.f32 v12, v11;
	v9 =	vpop (erf);
	[tilespmem:s18+$0xD8A0] =	vst v5;
	s18 =	smov.u32 s3;
	s3 =	smov.u32 s14  }
0xd6: {  	v18 =	vmul.f32 v15, v10;
	v26 =	vld [tilespmem:s3+$0xB040];
	v12 =	vadd.f32 v16, v7;
	v16 =	vmul.f32 v19, v13;
	v10 =	vpop (erf)  }
0xd7: {  	v17 =	vmul.f32 v24, v17;
	v19 =	vmul.f32 v22, v14;
	v7 =	vld [tilespmem:s3+$0x9C50];
	v15 =	vadd.f32 v29, v6;
	v11 =	vpop (erf)  }
0xd8: {  	v20 =	vmul.f32 v25, v20;
	v32 =	vand.u32 $0xFFFF0000, v21;
	v6 =	vld [tilespmem:s3+$0xB050];
	v28 =	vand.u32 $0xFFFF0000, v30;
	v13 =	vpop (erf)  }
0xd9: {  	v22 =	vshll.u32 v31, $0x10;
	v24 =	vand.u32 $0xFFFF0000, v31;
	v25 =	vld [tilespmem:s3+$0x9C60];
	v27 =	vadd.f32 v28, v32;
	v14 =	vpop (erf)  }
0xda: {  	v21 =	vshll.u32 v21, $0x10;
	v29 =	vshll.u32 v30, $0x10;
	v28 =	vld [tilespmem:s3+$0xB060];
	v30 =	vand.u32 $0xFFFF0000, v23;
	v5 =	vpop (erf)  }
0xdb: {  	v21 =	vadd.f32 v29, v21;
	v31 =	vand.u32 $0xFFFF0000, v26;
	v32 =	vld [tilespmem:s3+$0x9C70];
	v27 =	vadd.f32 v30, v27  }
0xdc: {  	v23 =	vshll.u32 v23, $0x10;
	v24 =	vadd.f32 v31, v24;
	v29 =	vand.u32 $0xFFFF0000, v7;
	v30 =	vld [tilespmem:s3+$0xB070]  }
0xdd: {  	v21 =	vadd.f32 v23, v21;
	v31 =	vand.u32 $0xFFFF0000, v6;
	v33 =	vld [tilespmem:s3+$0x9C80];
	v23 =	vand.u32 $0x7FFFFFFF, v27  }
0xde: {  	v29 =	vadd.f32 v31, v29;
	v31 =	vand.u32 $0xFFFF0000, v25;
	v34 =	vld [tilespmem:s3+$0xB080];
	v23 =	vsub.f32 $0.0e+00, v23  }
0xdf: {  	v26 =	vshll.u32 v26, $0x10;
	v21 =	vmul.f32 $1.442695020e+00, v21;
	v35 =	vand.u32 $0xFFFF0000, v28;
	v36 =	vld [tilespmem:s3+$0x9C90]  }
0xe0: {  	v31 =	vadd.f32 v35, v31;
	v35 =	vand.u32 $0xFFFF0000, v32;
	v37 =	vld [tilespmem:s3+$0xB090];
	v23 =	vmul.f32 $1.442695020e+00, v23  }
0xe1: {  	v7 =	vshll.u32 v7, $0x10;
	v38 =	vand.u32 $0xFFFF0000, v30;
	v39 =	vld [tilespmem:s3+$0x9CA0];
	(erf) = vpow2.f32 v21  }
0xe2: {  	v21 =	vadd.f32 v38, v35;
	v35 =	vand.u32 $0xFFFF0000, v33;
	v38 =	vld [tilespmem:s3+$0xB0A0];
	(erf) = vpow2.f32 v23  }
0xe3: {  	v6 =	vshll.u32 v6, $0x10;
	v25 =	vshll.u32 v25, $0x10;
	v23 =	vld [tilespmem:s3+$0xC440];
	v40 =	vand.u32 $0xFFFF0000, v34  }
0xe4: {  	v28 =	vshll.u32 v28, $0x10;
	v41 =	vld [tilespmem:s3+$0xC450];
	v35 =	vadd.f32 v40, v35;
	v40 =	vand.u32 $0xFFFF0000, v36  }
0xe5: {  	v32 =	vshll.u32 v32, $0x10;
	v30 =	vshll.u32 v30, $0x10;
	v42 =	vld [tilespmem:s3+$0xC460];
	v43 =	vand.u32 $0xFFFF0000, v37  }
0xe6: {  	v33 =	vshll.u32 v33, $0x10;
	v44 =	vld [tilespmem:s3+$0xC470];
	v40 =	vadd.f32 v43, v40;
	v43 =	vand.u32 $0xFFFF0000, v39  }
0xe7: {  	v34 =	vshll.u32 v34, $0x10;
	v36 =	vshll.u32 v36, $0x10;
	v45 =	vld [tilespmem:s3+$0xC480];
	v46 =	vand.u32 $0xFFFF0000, v38  }
0xe8: {  	v37 =	vshll.u32 v37, $0x10;
	v47 =	vand.u32 $0xFFFF0000, v23;
	v48 =	vld [tilespmem:s3+$0xC490];
	v43 =	vadd.f32 v46, v43  }
0xe9: {  	v39 =	vshll.u32 v39, $0x10;
	v24 =	vadd.f32 v47, v24;
	v46 =	vand.u32 $0xFFFF0000, v41;
	v47 =	vld [tilespmem:s3+$0xC4A0]  }
0xea: {  	v38 =	vshll.u32 v38, $0x10;
	v29 =	vadd.f32 v46, v29;
	v46 =	vand.u32 $0xFFFF0000, v42;
	v49 =	vpop (erf)  }
0xeb: {  	v31 =	vadd.f32 v46, v31;
	v46 =	vand.u32 $0xFFFF0000, v44;
	v49 =	vadd.f32 $1.000000000e+00, v49;
	v50 =	vpop (erf)  }
0xec: {  	v21 =	vadd.f32 v46, v21;
	v46 =	vand.u32 $0xFFFF0000, v45;
	v51 =	vmul.f32 $5.743296070e-02, v50  }
0xed: {  	v35 =	vadd.f32 v46, v35;
	v46 =	vand.u32 $0xFFFF0000, v48;
	(erf) = vrcp.f32 v49  }
0xee: {  	v52 =	vmul.f32 $4.697743950e-01, v50;
	v49 =	vmul.f32 v50, v50;
	v51 =	vsub.f32 $2.231071440e-01, v51  }
0xef: {  	v53 =	vand.u32 $0x7FFFFFFF, v24;
	v40 =	vadd.f32 v46, v40;
	v46 =	vand.u32 $0xFFFF0000, v47  }
0xf0: {  	v43 =	vadd.f32 v46, v43;
	v46 =	vsub.f32 $9.971876740e-01, v52;
	v49 =	vmul.f32 v51, v49  }
0xf1: {  	v54 =	vand.u32 $0x7FFFFFFF, v21;
	v52 =	vand.u32 $0x7FFFFFFF, v31;
	v51 =	vand.u32 $0x7FFFFFFF, v29  }
0xf2: {  	v55 =	vand.u32 $0x7FFFFFFF, v35;
	v56 =	vand.u32 $0x7FFFFFFF, v40;
	v46 =	vadd.f32 v49, v46  }
0xf3: {  	v22 =	vadd.f32 v26, v22;
	v6 =	vadd.f32 v6, v7;
	v7 =	vand.u32 $0x7FFFFFFF, v43  }
0xf4: {  	v25 =	vadd.f32 v28, v25;
	v26 =	vadd.f32 v30, v32;
	v46 =	vmul.f32 v46, v50  }
0xf5: {  	v27 =	vmax.f32 v27, $0.0e+00;
	v30 =	vadd.f32 v34, v33;
	v32 =	vadd.f32 v37, v36  }
0xf6: {  	v23 =	vshll.u32 v23, $0x10;
	v33 =	vadd.f32 v38, v39;
	v27 =	vadd.f32 v46, v27;
	v28 =	vpop (erf)  }
0xf7: {  	v36 =	vshll.u32 v41, $0x10;
	v34 =	vsub.f32 $0.0e+00, v53;
	v37 =	vsub.f32 $0.0e+00, v51  }
0xf8: {  	v39 =	vsub.f32 $0.0e+00, v54;
	v38 =	vsub.f32 $0.0e+00, v52;
	v27 =	vmul.f32 v27, v28  }
0xf9: {  	v41 =	vsub.f32 $0.0e+00, v55;
	v28 =	vshll.u32 v42, $0x10;
	v42 =	vsub.f32 $0.0e+00, v56  }
0xfa: {  	v44 =	vshll.u32 v44, $0x10;
	v45 =	vshll.u32 v45, $0x10;
	v46 =	vsub.f32 $0.0e+00, v7;
	[tilespmem:s3+$0xD8B0] =	vst v27  }
0xfb: {  	v22 =	vadd.f32 v23, v22;
	v23 =	vshll.u32 v47, $0x10;
	v7 =	vshll.u32 v48, $0x10  }
0xfc: {  	v25 =	vadd.f32 v28, v25;
	v27 =	vmul.f32 $1.442695020e+00, v34;
	v34 =	vadd.f32 v36, v6  }
0xfd: {  	v26 =	vadd.f32 v44, v26;
	v30 =	vadd.f32 v45, v30;
	v28 =	vmul.f32 $1.442695020e+00, v37  }
0xfe: {  	v23 =	vadd.f32 v23, v33;
	v32 =	vadd.f32 v7, v32;
	v36 =	vmul.f32 $1.442695020e+00, v38  }
0xff: {  	v33 =	vmul.f32 $1.442695020e+00, v41;
	v7 =	vmax.f32 v24, $0.0e+00;
	v24 =	vmul.f32 $1.442695020e+00, v39  }
0x100: {  	v37 =	vmul.f32 $1.442695020e+00, v46;
	v6 =	vmax.f32 v29, $0.0e+00;
	v29 =	vmul.f32 $1.442695020e+00, v42  }
0x101: {  	v22 =	vmul.f32 $1.442695020e+00, v22;
	v31 =	vmax.f32 v31, $0.0e+00;
	v34 =	vmul.f32 $1.442695020e+00, v34  }
0x102: {  	v26 =	vmul.f32 $1.442695020e+00, v26;
	v21 =	vmax.f32 v21, $0.0e+00;
	v25 =	vmul.f32 $1.442695020e+00, v25  }
0x103: {  	v30 =	vmul.f32 $1.442695020e+00, v30;
	v35 =	vmax.f32 v35, $0.0e+00;
	v32 =	vmul.f32 $1.442695020e+00, v32  }
0x104: {  	v23 =	vmul.f32 $1.442695020e+00, v23;
	v38 =	vmax.f32 v40, $0.0e+00;
	(erf) = vpow2.f32 v27  }
0x105: {  	v18 =	vadd.f32 v18, v0;
	v0 =	vmovc v31;
	v27 =	vmax.f32 v43, $0.0e+00;
	(erf) = vpow2.f32 v28  }
0x106: {  	v19 =	vadd.f32 v19, v3;
	v3 =	vmovc v35;
	v28 =	vadd.f32 v16, v1;
	v1 =	vmovc v21;
	(erf) = vpow2.f32 v36  }
0x107: {  	v17 =	vadd.f32 v17, v4;
	v4 =	vmovc v38;
	v16 =	vadd.f32 v20, v2;
	v2 =	vmovc v27;
	(erf) = vpow2.f32 v24  }
0x108: {  	v8 =	vmul.f32 v12, v8;
	(erf) = vpow2.f32 v33  }
0x109: {  	v9 =	vmul.f32 v15, v9;
	(erf) = vpow2.f32 v29  }
0x10a: {  	(erf) = vpow2.f32 v37;
	[tilespmem:s18+$0xD840] =	vst v8;
	v8 =	vmul.f32 v18, v10  }
0x10b: {  	v10 =	vmul.f32 v28, v11;
	(erf) = vpow2.f32 v22;
	[tilespmem:s18+$0xD850] =	vst v9  }
0x10c: {  	(erf) = vpow2.f32 v34;
	[tilespmem:s18+$0xD860] =	vst v8;
	v8 =	vmul.f32 v19, v13  }
0x10d: {  	v12 =	vmul.f32 v17, v14;
	v9 =	vpop (erf);
	(erf) = vpow2.f32 v25;
	[tilespmem:s18+$0xD870] =	vst v10  }
0x10e: {  	v17 =	vmul.f32 $5.743296070e-02, v9;
	v11 =	vpop (erf);
	(erf) = vpow2.f32 v26;
	[tilespmem:s18+$0xD880] =	vst v8  }
0x10f: {  	v8 =	vmul.f32 $5.743296070e-02, v11;
	v10 =	vpop (erf);
	(erf) = vpow2.f32 v30;
	[tilespmem:s18+$0xD890] =	vst v12  }
0x110: {  	v12 =	vsub.f32 $2.231071440e-01, v17;
	v15 =	vmul.f32 $5.743296070e-02, v10;
	v13 =	vpop (erf);
	(erf) = vpow2.f32 v32  }
0x111: {  	v18 =	vsub.f32 $2.231071440e-01, v8;
	v8 =	vmul.f32 $5.743296070e-02, v13;
	v14 =	vpop (erf);
	(erf) = vpow2.f32 v23  }
0x112: {  	v19 =	vmul.f32 v9, v9;
	v21 =	vsub.f32 $2.231071440e-01, v15;
	v15 =	vmul.f32 $5.743296070e-02, v14;
	v17 =	vpop (erf)  }
0x113: {  	v22 =	vmul.f32 $4.697743950e-01, v9;
	v23 =	vsub.f32 $2.231071440e-01, v8;
	v29 =	vmul.f32 $5.743296070e-02, v17;
	v20 =	vpop (erf)  }
0x114: {  	v24 =	vmul.f32 v11, v11;
	v25 =	vsub.f32 $2.231071440e-01, v15;
	v31 =	vmul.f32 $5.743296070e-02, v20;
	v26 =	vpop (erf)  }
0x115: {  	v27 =	vmul.f32 $4.697743950e-01, v11;
	v26 =	vadd.f32 $1.000000000e+00, v26;
	v28 =	vsub.f32 $2.231071440e-01, v29;
	v8 =	vpop (erf)  }
0x116: {  	v29 =	vmul.f32 v10, v10;
	v8 =	vadd.f32 $1.000000000e+00, v8;
	v30 =	vsub.f32 $2.231071440e-01, v31;
	v15 =	vpop (erf)  }
0x117: {  	v32 =	vmul.f32 v13, v13;
	v31 =	vmul.f32 $4.697743950e-01, v10;
	v15 =	vadd.f32 $1.000000000e+00, v15;
	v33 =	vpop (erf)  }
0x118: {  	v34 =	vmul.f32 $4.697743950e-01, v13;
	v35 =	vmul.f32 v14, v14;
	v33 =	vadd.f32 $1.000000000e+00, v33;
	v36 =	vpop (erf)  }
0x119: {  	v37 =	vmul.f32 $4.697743950e-01, v14;
	v38 =	vmul.f32 v17, v17;
	v36 =	vadd.f32 $1.000000000e+00, v36;
	v39 =	vpop (erf)  }
0x11a: {  	v40 =	vmul.f32 $4.697743950e-01, v17;
	v41 =	vmul.f32 v20, v20;
	v39 =	vadd.f32 $1.000000000e+00, v39;
	v42 =	vpop (erf)  }
0x11b: {  	v43 =	vmul.f32 $4.697743950e-01, v20;
	v42 =	vadd.f32 $1.000000000e+00, v42;
	(erf) = vrcp.f32 v26  }
0x11c: {  	v44 =	vsub.f32 $9.971876740e-01, v22;
	v45 =	vmul.f32 v12, v19;
	(erf) = vrcp.f32 v8  }
0x11d: {  	v12 =	vmul.f32 v18, v24;
	v8 =	vsub.f32 $9.971876740e-01, v27;
	(erf) = vrcp.f32 v15  }
.Ltmp0:
0x11e: {  	v19 =	vmul.f32 v21, v29;
	v15 =	vsub.f32 $9.971876740e-01, v31;
	(erf) = vrcp.f32 v33;
	(pc) =	sbr.rel @p0 .LBB2_3-.Ltmp0, $4  }
0x11f: {  	v18 =	vsub.f32 $9.971876740e-01, v34;
	v22 =	vmul.f32 v23, v32;
	(erf) = vrcp.f32 v36  }
0x120: {  	v23 =	vsub.f32 $9.971876740e-01, v37;
	v24 =	vmul.f32 v25, v35;
	(erf) = vrcp.f32 v39  }
0x121: {  	s14 =	sshra.s32 s21, $0x2;
	v25 =	vsub.f32 $9.971876740e-01, v40;
	v26 =	vmul.f32 v28, v38;
	(erf) = vrcp.f32 v42  }
0x122: {  	s21 =	sadd.s32 $0x200, s21;
	v29 =	vadd.f32 v45, v44;
	v28 =	vmul.f32 v30, v41;
	v27 =	vsub.f32 $9.971876740e-01, v43;
	v21 =	vld [tilespmem:s14+$0x9CB0]  }
0x123: {  	v8 =	vadd.f32 v12, v8;
	v5 =	vmul.f32 v16, v5;
	v12 =	vadd.f32 v19, v15  }
0x124: {  	v30 =	vld [tilespmem:s14+$0xB0B0];
	v18 =	vadd.f32 v22, v18;
	v22 =	vadd.f32 v24, v23;
	v9 =	vmul.f32 v29, v9  }
0x125: {  	v16 =	vld [tilespmem:s14+$0x9C40];
	v23 =	vadd.f32 v26, v25;
	v8 =	vmul.f32 v8, v11;
	v15 =	vmul.f32 v12, v10  }
0x126: {  	v19 =	vld [tilespmem:s14+$0xC4B0];
	[tilespmem:s18+$0xD8A0] =	vst v5;
	v5 =	vadd.f32 v28, v27;
	v10 =	vmul.f32 v18, v13;
	v11 =	vmul.f32 v22, v14  }
0x127: {  	v24 =	vld [tilespmem:s14+$0xB040];
	v9 =	vadd.f32 v9, v7;
	v12 =	vadd.f32 v8, v6;
	v8 =	vmul.f32 v23, v17  }
0x128: {  	v13 =	vld [tilespmem:s14+$0x9C50];
	v14 =	vand.u32 $0xFFFF0000, v21;
	v7 =	vmul.f32 v5, v20;
	v0 =	vadd.f32 v15, v0  }
0x129: {  	v34 =	vpop (erf);
	v18 =	vld [tilespmem:s14+$0x9C60];
	v20 =	vshll.u32 v21, $0x10;
	v1 =	vadd.f32 v10, v1;
	v3 =	vadd.f32 v11, v3  }
0x12a: {  	v36 =	vpop (erf);
	v25 =	vld [tilespmem:s14+$0x9C70];
	v17 =	vand.u32 $0xFFFF0000, v30;
	v5 =	vand.u32 $0xFFFF0000, v16;
	v21 =	vshll.u32 v30, $0x10  }
0x12b: {  	v37 =	vld [tilespmem:s14+$0xC460];
	v38 =	vpop (erf);
	v22 =	vand.u32 $0xFFFF0000, v19;
	v16 =	vshll.u32 v16, $0x10;
	v19 =	vshll.u32 v19, $0x10  }
0x12c: {  	v40 =	vld [tilespmem:s14+$0xC470];
	v41 =	vpop (erf);
	v9 =	vmul.f32 v9, v34;
	v14 =	vadd.f32 v17, v14;
	v20 =	vadd.f32 v21, v20  }
0x12d: {  	v42 =	vld [tilespmem:s14+$0xC480];
	v43 =	vpop (erf);
	v10 =	vmul.f32 v12, v36;
	v0 =	vmul.f32 v0, v38;
	v4 =	vadd.f32 v8, v4  }
0x12e: {  	v47 =	vld [tilespmem:s14+$0xC490];
	v1 =	vmul.f32 v1, v41;
	v3 =	vmul.f32 v3, v43;
	v23 =	vand.u32 $0xFFFF0000, v24  }
0x12f: {  	v6 =	vld [tilespmem:s14+$0xB050];
	v14 =	vadd.f32 v22, v14;
	v22 =	vand.u32 $0xFFFF0000, v13;
	v19 =	vadd.f32 v19, v20  }
0x130: {  	v17 =	vld [tilespmem:s14+$0xB060];
	v27 =	vand.u32 $0xFFFF0000, v18;
	v24 =	vshll.u32 v24, $0x10;
	v30 =	vand.u32 $0xFFFF0000, v25  }
0x131: {  	v26 =	vld [tilespmem:s14+$0x9C80];
	v13 =	vshll.u32 v13, $0x10;
	v18 =	vshll.u32 v18, $0x10;
	v25 =	vshll.u32 v25, $0x10  }
0x132: {  	v29 =	vld [tilespmem:s14+$0x9C90];
	v49 =	vand.u32 $0xFFFF0000, v37;
	v57 =	vand.u32 $0xFFFF0000, v40;
	v20 =	vand.u32 $0x7FFFFFFF, v14  }
0x133: {  	v21 =	vld [tilespmem:s14+$0xB070];
	v51 =	vand.u32 $0xFFFF0000, v42;
	v59 =	vand.u32 $0xFFFF0000, v47;
	v20 =	vsub.f32 $0.0e+00, v20  }
0x134: {  	v32 =	vld [tilespmem:s14+$0x9CA0];
	v5 =	vadd.f32 v23, v5;
	v23 =	vand.u32 $0xFFFF0000, v6;
	v19 =	vmul.f32 $1.442695020e+00, v19  }
0x135: {  	v22 =	vadd.f32 v23, v22;
	v23 =	vld [tilespmem:s14+$0xB080];
	v28 =	vand.u32 $0xFFFF0000, v17;
	v20 =	vmul.f32 $1.442695020e+00, v20  }
0x136: {  	v46 =	vpop (erf);
	v40 =	vshll.u32 v40, $0x10;
	v27 =	vadd.f32 v28, v27;
	v28 =	vld [tilespmem:s14+$0xB090];
	(erf) = vpow2.f32 v19  }
0x137: {  	v42 =	vshll.u32 v42, $0x10;
	v4 =	vmul.f32 v4, v46;
	(erf) = vpow2.f32 v20;
	v20 =	vld [tilespmem:s14+$0xC440]  }
0x138: {  	v35 =	vld [tilespmem:s14+$0xC450];
	v33 =	vshll.u32 v6, $0x10;
	v16 =	vadd.f32 v24, v16;
	v31 =	vand.u32 $0xFFFF0000, v21  }
0x139: {  	v13 =	vadd.f32 v33, v13;
	v17 =	vshll.u32 v17, $0x10;
	v19 =	vadd.f32 v31, v30;
	v30 =	vld [tilespmem:s14+$0xB0A0]  }
0x13a: {  	v21 =	vshll.u32 v21, $0x10;
	v31 =	vand.u32 $0xFFFF0000, v26;
	v6 =	vand.u32 $0xFFFF0000, v23  }
0x13b: {  	v31 =	vadd.f32 v6, v31;
	v6 =	vand.u32 $0xFFFF0000, v29;
	v39 =	vand.u32 $0xFFFF0000, v28  }
0x13c: {  	v39 =	vadd.f32 v39, v6;
	v6 =	vand.u32 $0xFFFF0000, v32;
	v45 =	vand.u32 $0xFFFF0000, v20  }
0x13d: {  	v17 =	vadd.f32 v17, v18;
	v45 =	vadd.f32 v45, v5;
	v5 =	vand.u32 $0xFFFF0000, v35  }
0x13e: {  	v18 =	vadd.f32 v21, v25;
	v27 =	vadd.f32 v49, v27;
	v44 =	vand.u32 $0xFFFF0000, v30  }
0x13f: {  	v14 =	vmax.f32 v14, $0.0e+00;
	v19 =	vadd.f32 v57, v19;
	v44 =	vadd.f32 v44, v6;
	v6 =	vpop (erf)  }
0x140: {  	v26 =	vshll.u32 v26, $0x10;
	v18 =	vadd.f32 v40, v18;
	v22 =	vadd.f32 v5, v22;
	v5 =	vpop (erf)  }
0x141: {  	v23 =	vshll.u32 v23, $0x10;
	v29 =	vshll.u32 v29, $0x10;
	v62 =	vand.u32 $0x7FFFFFFF, v27;
	v50 =	vpop (erf)  }
0x142: {  	v48 =	vld [tilespmem:s14+$0xC4A0];
	v63 =	vand.u32 $0x7FFFFFFF, v19;
	v23 =	vadd.f32 v23, v26;
	v58 =	vmul.f32 $5.743296070e-02, v50  }
0x143: {  	v28 =	vshll.u32 v28, $0x10;
	v30 =	vshll.u32 v30, $0x10;
	v5 =	vadd.f32 $1.000000000e+00, v5  }
0x144: {  	v52 =	vmul.f32 v50, v50;
	v53 =	vmul.f32 $4.697743950e-01, v50;
	v49 =	vsub.f32 $2.231071440e-01, v58  }
0x145: {  	v32 =	vshll.u32 v32, $0x10;
	v31 =	vadd.f32 v51, v31;
	v25 =	vadd.f32 v28, v29  }
0x146: {  	(erf) = vrcp.f32 v5;
	v60 =	vsub.f32 $9.971876740e-01, v53;
	v49 =	vmul.f32 v49, v52  }
0x147: {  	v23 =	vadd.f32 v42, v23;
	v26 =	vadd.f32 v30, v32;
	v5 =	vand.u32 $0xFFFF0000, v48  }
0x148: {  	v29 =	vshll.u32 v35, $0x10;
	v5 =	vadd.f32 v5, v44;
	v44 =	vadd.f32 v49, v60  }
0x149: {  	v18 =	vmul.f32 $1.442695020e+00, v18;
	v13 =	vadd.f32 v29, v13;
	v39 =	vadd.f32 v59, v39  }
0x14a: {  	v55 =	vand.u32 $0x7FFFFFFF, v31;
	v61 =	vand.u32 $0x7FFFFFFF, v22;
	v21 =	vmul.f32 v44, v50  }
0x14b: {  	v59 =	vsub.f32 $0.0e+00, v63;
	v54 =	vand.u32 $0x7FFFFFFF, v45;
	v30 =	vsub.f32 $0.0e+00, v61  }
0x14c: {  	v20 =	vshll.u32 v20, $0x10;
	v14 =	vadd.f32 v21, v14;
	v21 =	vsub.f32 $0.0e+00, v54  }
0x14d: {  	v23 =	vmul.f32 $1.442695020e+00, v23;
	v56 =	vand.u32 $0x7FFFFFFF, v39;
	v58 =	vsub.f32 $0.0e+00, v62  }
0x14e: {  	v61 =	vsub.f32 $0.0e+00, v56;
	v29 =	vmul.f32 $1.442695020e+00, v30;
	v21 =	vmul.f32 $1.442695020e+00, v21  }
0x14f: {  	v24 =	vand.u32 $0x7FFFFFFF, v5;
	v30 =	vmul.f32 $1.442695020e+00, v58;
	v60 =	vsub.f32 $0.0e+00, v55;
	v28 =	vpop (erf)  }
0x150: {  	v14 =	vmul.f32 v14, v28;
	v28 =	vshll.u32 v37, $0x10;
	(erf) = vpow2.f32 v21  }
0x151: {  	v17 =	vadd.f32 v28, v17;
	v28 =	vmul.f32 $1.442695020e+00, v59;
	(erf) = vpow2.f32 v29  }
0x152: {  	v24 =	vsub.f32 $0.0e+00, v24;
	v63 =	vmul.f32 $1.442695020e+00, v60;
	(erf) = vpow2.f32 v30  }
0x153: {  	v16 =	vadd.f32 v20, v16;
	v40 =	vmul.f32 $1.442695020e+00, v61;
	(erf) = vpow2.f32 v28  }
0x154: {  	v2 =	vadd.f32 v7, v2;
	v24 =	vmul.f32 $1.442695020e+00, v24;
	(erf) = vpow2.f32 v63  }
0x155: {  	v20 =	vshll.u32 v47, $0x10;
	v16 =	vmul.f32 $1.442695020e+00, v16;
	(erf) = vpow2.f32 v40  }
0x156: {  	v13 =	vmul.f32 $1.442695020e+00, v13;
	v20 =	vadd.f32 v20, v25;
	(erf) = vpow2.f32 v24  }
0x157: {  	v62 =	vshll.u32 v48, $0x10;
	v17 =	vmul.f32 $1.442695020e+00, v17;
	(erf) = vpow2.f32 v16  }
0x158: {  	v2 =	vmul.f32 v2, v6;
	v21 =	vadd.f32 v62, v26;
	(erf) = vpow2.f32 v13  }
0x159: {  	v20 =	vmul.f32 $1.442695020e+00, v20;
	v11 =	vpop (erf);
	(erf) = vpow2.f32 v17  }
0x15a: {  	v8 =	vmax.f32 v19, $0.0e+00;
	v21 =	vmul.f32 $1.442695020e+00, v21;
	v13 =	vpop (erf);
	(erf) = vpow2.f32 v18  }
0x15b: {  	v12 =	vmax.f32 v31, $0.0e+00;
	v16 =	vmul.f32 $5.743296070e-02, v11;
	v28 =	vmul.f32 $4.697743950e-01, v11  }
0x15c: {  	v15 =	vmax.f32 v39, $0.0e+00;
	v17 =	vpop (erf);
	(erf) = vpow2.f32 v23;
	v7 =	vmul.f32 $5.743296070e-02, v13  }
0x15d: {  	v25 =	vmax.f32 v45, $0.0e+00;
	v23 =	vmul.f32 v11, v11;
	v31 =	vmul.f32 v13, v13  }
0x15e: {  	v22 =	vmax.f32 v22, $0.0e+00;
	v35 =	vmul.f32 $4.697743950e-01, v13;
	v18 =	vpop (erf);
	(erf) = vpow2.f32 v20  }
0x15f: {  	v26 =	vmax.f32 v27, $0.0e+00;
	v19 =	vmul.f32 $5.743296070e-02, v17;
	v37 =	vmul.f32 v17, v17  }
0x160: {  	v16 =	vsub.f32 $2.231071440e-01, v16;
	v52 =	vmul.f32 $4.697743950e-01, v17;
	v20 =	vpop (erf);
	(erf) = vpow2.f32 v21  }
0x161: {  	v28 =	vsub.f32 $9.971876740e-01, v28;
	v21 =	vmul.f32 $5.743296070e-02, v18;
	v53 =	vmul.f32 v18, v18  }
0x162: {  	v7 =	vsub.f32 $2.231071440e-01, v7;
	v55 =	vmul.f32 $4.697743950e-01, v18;
	v27 =	vmul.f32 $5.743296070e-02, v20  }
0x163: {  	v24 =	vpop (erf);
	v19 =	vsub.f32 $2.231071440e-01, v19;
	v56 =	vmul.f32 v20, v20;
	v58 =	vmul.f32 $4.697743950e-01, v20  }
0x164: {  	v16 =	vmul.f32 v16, v23;
	v23 =	vsub.f32 $9.971876740e-01, v35;
	v30 =	vmul.f32 $5.743296070e-02, v24  }
0x165: {  	v29 =	vpop (erf);
	v21 =	vsub.f32 $2.231071440e-01, v21;
	v59 =	vmul.f32 v24, v24;
	v61 =	vmul.f32 $4.697743950e-01, v24  }
0x166: {  	v7 =	vmul.f32 v7, v31;
	v31 =	vsub.f32 $9.971876740e-01, v52;
	v39 =	vsub.f32 $9.971876740e-01, v55;
	v47 =	vpop (erf)  }
0x167: {  	v27 =	vsub.f32 $2.231071440e-01, v27;
	v48 =	vmul.f32 $5.743296070e-02, v29;
	v62 =	vmul.f32 v29, v29;
	v49 =	vpop (erf)  }
0x168: {  	v63 =	vmul.f32 $4.697743950e-01, v29;
	v42 =	vsub.f32 $9.971876740e-01, v58;
	v32 =	vadd.f32 $1.000000000e+00, v47;
	v50 =	vpop (erf)  }
0x169: {  	v19 =	vmul.f32 v19, v37;
	v16 =	vadd.f32 v16, v28;
	v34 =	vadd.f32 $1.000000000e+00, v49;
	v51 =	vpop (erf)  }
0x16a: {  	v30 =	vsub.f32 $2.231071440e-01, v30;
	v43 =	vsub.f32 $9.971876740e-01, v61;
	v54 =	vpop (erf);
	(erf) = vrcp.f32 v32  }
0x16b: {  	v7 =	vadd.f32 v7, v23;
	v36 =	vadd.f32 $1.000000000e+00, v50;
	v57 =	vpop (erf);
	(erf) = vrcp.f32 v34  }
0x16c: {  	v21 =	vmul.f32 v21, v53;
	v33 =	vsub.f32 $2.231071440e-01, v48;
	v38 =	vadd.f32 $1.000000000e+00, v51  }
0x16d: {  	[tilespmem:s14+$0xD8B0] =	vst v14;
	v27 =	vmul.f32 v27, v56;
	v41 =	vadd.f32 $1.000000000e+00, v54;
	v60 =	vpop (erf);
	(erf) = vrcp.f32 v36  }
0x16e: {  	[tilespmem:s3+$0xD840] =	vst v9;
	v9 =	vsub.f32 $9.971876740e-01, v63;
	v44 =	vadd.f32 $1.000000000e+00, v57;
	(erf) = vrcp.f32 v38  }
0x16f: {  	v6 =	vmul.f32 v16, v11;
	v47 =	vadd.f32 $1.000000000e+00, v60;
	(erf) = vrcp.f32 v41  }
0x170: {  	[tilespmem:s3+$0xD850] =	vst v10;
	v10 =	vadd.f32 v19, v31;
	v14 =	vmul.f32 v30, v59;
	(erf) = vrcp.f32 v44  }
0x171: {  	[tilespmem:s3+$0xD860] =	vst v0;
	v0 =	vadd.f32 v21, v39;
	v7 =	vmul.f32 v7, v13;
	(erf) = vrcp.f32 v47  }
0x172: {  	[tilespmem:s3+$0xD870] =	vst v1;
	v28 =	vmul.f32 v33, v62;
	v11 =	vadd.f32 v27, v42;
	v6 =	vadd.f32 v6, v25  }
0x173: {  	[tilespmem:s3+$0xD880] =	vst v3;
	v10 =	vmul.f32 v10, v17;
	v1 =	vadd.f32 v14, v43;
	v7 =	vadd.f32 v7, v22;
	v3 =	vpop (erf)  }
0x174: {  	[tilespmem:s3+$0xD890] =	vst v4;
	v0 =	vmul.f32 v0, v18;
	v9 =	vadd.f32 v28, v9;
	v11 =	vmul.f32 v11, v20;
	v4 =	vpop (erf)  }
0x175: {  	v10 =	vadd.f32 v10, v26;
	v3 =	vmul.f32 v6, v3;
	v4 =	vmul.f32 v7, v4  }
0x176: {  	[tilespmem:s3+$0xD8A0] =	vst v2;
	v1 =	vmul.f32 v1, v24;
	v0 =	vadd.f32 v0, v8;
	v2 =	vpop (erf)  }
0x177: {  	v8 =	vadd.f32 v11, v12;
	v7 =	vmul.f32 v9, v29;
	v6 =	vpop (erf);
	[tilespmem:s14+$0xD840] =	vst v3;
	v2 =	vmul.f32 v10, v2  }
0x178: {  	v1 =	vadd.f32 v1, v15;
	v3 =	vmax.f32 v5, $0.0e+00;
	v5 =	vpop (erf);
	[tilespmem:s14+$0xD850] =	vst v4;
	v0 =	vmul.f32 v0, v6  }
0x179: {  	v3 =	vadd.f32 v7, v3;
	[tilespmem:s14+$0xD860] =	vst v2;
	v2 =	vmul.f32 v8, v5;
	v4 =	vpop (erf)  }
0x17a: {  	[tilespmem:s14+$0xD870] =	vst v0;
	v5 =	vpop (erf);
	v0 =	vmul.f32 v1, v4  }
0x17b: {  	s21 =	smul.u32 $0x140, s31;
	[tilespmem:s14+$0xD880] =	vst v2;
	v1 =	vmul.f32 v3, v5  }
0x17c: {  	[tilespmem:s14+$0xD890] =	vst v0  }
0x17d: {  	p0 =	seq.s32 s31, $0xF9;
	s3 =	sshra.s32 s21, $0x2;
	[tilespmem:s14+$0xD8A0] =	vst v1  }
0x17e: {  	[spmem:s1] =	stream.indirect.scatter.add.f32 [tilespmem:s26], [sflag:$0x3], $0x40, s3, s17, $0xb8;
	[tilespmem:$0x18880] =	vst v63  }
0x17f: {  	s3 =	sadd.s32 @!p0 $0x2, s19  }
0x180: {  	s14 =	smul.u32 @!p0 $0x28, s3  }
0x181: {  	_ =	swait.ge [sflag:s13], $0xA00;
	s3 =	smul.u32 @!p0 $0x14, s3  }
0x182: {  	s18 =	simm.s32 @!p0 $0x28;
	[sflag:s13] =	ssyncset.done $0x0  }
0x183: {  	s19 =	simm.s32 @!p0 $0x9C40;
	[sflag:s13] =	ssyncadd.s32 $0xFFFFF600;
	s3 =	sadd.s32 @!p0 s4, s3  }
0x184: {  	[tilespmem:s19], [sflag:$0x1] =	stream.indirect.gather @!p0 [hbm4b:s8+s18], $0x40, s14, s18, $0xb8;
	[tilespmem:$0x18880] =	vst v63  }
0x185: {  	s3 =	sshll.u32 @!p0 s3, $0x4  }
0x186: {  	s14 =	sadd.s32 @!p0 $0x4E20, s14;
	s19 =	simm.s32 @!p0 $0xB040;
	s3 =	sand.u32 @!p0 $0x1FFFFF80, s3  }
0x187: {  	[tilespmem:s19], [sflag:$0x1] =	stream.indirect.gather @!p0 [hbm4b:s9+s18], $0x40, s14, s18, $0xb8;
	[tilespmem:$0x18880] =	vst v63  }
0x188: {  	s3 =	sadd.s32 @!p0 s10, s3;
	s14 =	simm.s32 @!p0 $0x0;
	s18 =	simm.s32 @!p0 $0xC440  }
0x189: {  	[tilespmem:s18], [sflag:$0x1] =	stream.linear.gather @!p0 [hbm4b:s3+s14], $0xA00, $0x38;
	[tilespmem:$0x18880] =	vst v63  }
0x18a: {  	_ =	swait.ge [sflag:s28], $0xA00  }
0x18b: {  	[sflag:s28] =	ssyncset.done $0x0  }
0x18c: {  	[sflag:s28] =	ssyncadd.s32 $0xFFFFF600  }
0x18d: {  	_ =	swait.ge [sflag:s28], $0xA00  }
0x18e: {  	[sflag:s28] =	ssyncset.done $0x0  }
0x18f: {  	[sflag:s28] =	ssyncadd.s32 $0xFFFFF600  }
0x190: {  	_ =	swait.ge [sflag:s28], $0xA00  }
0x191: {  	[sflag:s28] =	ssyncset.done $0x0  }
0x192: {  	s18 =	simm.s32 $0x0;
	[sflag:s28] =	ssyncadd.s32 $0xFFFFF600  }
0x193: {  	v0 =	vld [tilespmem:s18+$0xA6B0]  }
0x194: {  	v1 =	vld [tilespmem:s18+$0xBAB0]  }
0x195: {  	v2 =	vld [tilespmem:s18+$0xA640]  }
0x196: {  	v3 =	vld [tilespmem:s18+$0xCEB0]  }
0x197: {  	v4 =	vld [tilespmem:s18+$0xBA40]  }
0x198: {  	v10 =	vld [tilespmem:s18+$0xA660]  }
0x199: {  	v13 =	vld [tilespmem:s18+$0xA670]  }
0x19a: {  	v5 =	vld [tilespmem:s18+$0xA650];
	v7 =	vand.u32 $0xFFFF0000, v0;
	v8 =	vand.u32 $0xFFFF0000, v1  }
0x19b: {  	v26 =	vld [tilespmem:s18+$0xCE80];
	v9 =	vand.u32 $0xFFFF0000, v2;
	v0 =	vshll.u32 v0, $0x10;
	v1 =	vshll.u32 v1, $0x10  }
0x19c: {  	v6 =	vld [tilespmem:s18+$0xBA50];
	v11 =	vand.u32 $0xFFFF0000, v3;
	v12 =	vand.u32 $0xFFFF0000, v4;
	v3 =	vshll.u32 v3, $0x10  }
0x19d: {  	v2 =	vshll.u32 v2, $0x10;
	v15 =	vand.u32 $0xFFFF0000, v10;
	v4 =	vshll.u32 v4, $0x10  }
0x19e: {  	v18 =	vand.u32 $0xFFFF0000, v13;
	v10 =	vshll.u32 v10, $0x10;
	v7 =	vadd.f32 v8, v7;
	v8 =	vld [tilespmem:s18+$0xBA60]  }
0x19f: {  	v13 =	vshll.u32 v13, $0x10;
	v0 =	vadd.f32 v1, v0;
	v2 =	vadd.f32 v4, v2  }
0x1a0: {  	v14 =	vld [tilespmem:s18+$0xA680];
	v44 =	vand.u32 $0xFFFF0000, v26;
	v1 =	vadd.f32 v11, v7;
	v7 =	vadd.f32 v12, v9  }
0x1a1: {  	v9 =	vand.u32 $0xFFFF0000, v5;
	v11 =	vld [tilespmem:s18+$0xBA70];
	v12 =	vand.u32 $0xFFFF0000, v6;
	v0 =	vadd.f32 v3, v0  }
0x1a2: {  	v6 =	vshll.u32 v6, $0x10;
	v9 =	vadd.f32 v12, v9;
	v12 =	vld [tilespmem:s18+$0xBA80];
	v3 =	vand.u32 $0x7FFFFFFF, v1  }
0x1a3: {  	v17 =	vld [tilespmem:s18+$0xA690];
	v0 =	vmul.f32 $1.442695020e+00, v0;
	v1 =	vmax.f32 v1, $0.0e+00;
	v16 =	vand.u32 $0xFFFF0000, v8  }
0x1a4: {  	v20 =	vld [tilespmem:s18+$0xA6A0];
	v3 =	vsub.f32 $0.0e+00, v3;
	v8 =	vshll.u32 v8, $0x10;
	v15 =	vadd.f32 v16, v15  }
0x1a5: {  	v16 =	vld [tilespmem:s18+$0xBA90];
	(erf) = vpow2.f32 v0;
	v0 =	vshll.u32 v5, $0x10;
	v4 =	vadd.f32 v8, v10  }
0x1a6: {  	v22 =	vld [tilespmem:s18+$0xCE50];
	v3 =	vmul.f32 $1.442695020e+00, v3;
	v19 =	vand.u32 $0xFFFF0000, v11;
	v11 =	vshll.u32 v11, $0x10  }
0x1a7: {  	v0 =	vadd.f32 v6, v0;
	v5 =	vadd.f32 v19, v18;
	v18 =	vld [tilespmem:s18+$0xBAA0];
	v21 =	vand.u32 $0xFFFF0000, v12  }
0x1a8: {  	v19 =	vld [tilespmem:s18+$0xCE40];
	v12 =	vshll.u32 v12, $0x10;
	(erf) = vpow2.f32 v3;
	v3 =	vand.u32 $0xFFFF0000, v14  }
0x1a9: {  	v6 =	vadd.f32 v11, v13;
	v14 =	vshll.u32 v14, $0x10;
	v3 =	vadd.f32 v21, v3  }
0x1aa: {  	v21 =	vand.u32 $0xFFFF0000, v17;
	v17 =	vshll.u32 v17, $0x10;
	v24 =	vand.u32 $0xFFFF0000, v16  }
0x1ab: {  	v23 =	vld [tilespmem:s18+$0xCE60];
	v10 =	vadd.f32 v12, v14;
	v16 =	vshll.u32 v16, $0x10;
	v21 =	vadd.f32 v24, v21  }
0x1ac: {  	v25 =	vld [tilespmem:s18+$0xCE70];
	v24 =	vand.u32 $0xFFFF0000, v20;
	v20 =	vshll.u32 v20, $0x10;
	v11 =	vadd.f32 v16, v17  }
0x1ad: {  	v29 =	vld [tilespmem:s18+$0xCE90];
	v17 =	vshll.u32 v22, $0x10;
	v27 =	vand.u32 $0xFFFF0000, v18;
	v28 =	vand.u32 $0xFFFF0000, v19  }
0x1ae: {  	v30 =	vld [tilespmem:s18+$0xCEA0];
	v18 =	vshll.u32 v18, $0x10;
	v0 =	vadd.f32 v17, v0;
	v24 =	vadd.f32 v27, v24  }
0x1af: {  	v7 =	vadd.f32 v28, v7;
	v27 =	vand.u32 $0xFFFF0000, v22;
	v13 =	vadd.f32 v18, v20  }
0x1b0: {  	v9 =	vadd.f32 v27, v9;
	v27 =	vand.u32 $0xFFFF0000, v23;
	v0 =	vmul.f32 $1.442695020e+00, v0;
	v28 =	vpop (erf)  }
0x1b1: {  	v15 =	vadd.f32 v27, v15;
	v27 =	vand.u32 $0xFFFF0000, v25;
	v28 =	vadd.f32 $1.000000000e+00, v28  }
0x1b2: {  	v5 =	vadd.f32 v27, v5;
	v27 =	vadd.f32 v44, v3;
	v3 =	vand.u32 $0xFFFF0000, v29;
	v31 =	vpop (erf)  }
0x1b3: {  	v21 =	vadd.f32 v3, v21;
	v3 =	vand.u32 $0xFFFF0000, v30;
	v45 =	vmul.f32 $5.743296070e-02, v31  }
0x1b4: {  	v48 =	vand.u32 $0x7FFFFFFF, v15;
	v46 =	vmul.f32 v31, v31;
	v47 =	vmul.f32 $4.697743950e-01, v31  }
0x1b5: {  	(erf) = vrcp.f32 v28;
	v28 =	vand.u32 $0x7FFFFFFF, v7;
	v33 =	vsub.f32 $2.231071440e-01, v45  }
0x1b6: {  	v24 =	vadd.f32 v3, v24;
	v3 =	vand.u32 $0x7FFFFFFF, v9;
	v49 =	vand.u32 $0x7FFFFFFF, v5  }
0x1b7: {  	v18 =	vsub.f32 $0.0e+00, v48;
	v34 =	vsub.f32 $9.971876740e-01, v47;
	v32 =	vmul.f32 v33, v46  }
0x1b8: {  	v50 =	vand.u32 $0x7FFFFFFF, v27;
	v14 =	vsub.f32 $0.0e+00, v28;
	v3 =	vsub.f32 $0.0e+00, v3  }
0x1b9: {  	v51 =	vand.u32 $0x7FFFFFFF, v21;
	v20 =	vsub.f32 $0.0e+00, v50;
	v32 =	vadd.f32 v32, v34  }
0x1ba: {  	v22 =	vsub.f32 $0.0e+00, v51;
	v17 =	vmul.f32 $1.442695020e+00, v18;
	v14 =	vmul.f32 $1.442695020e+00, v14  }
0x1bb: {  	v12 =	vand.u32 $0x7FFFFFFF, v24;
	v3 =	vmul.f32 $1.442695020e+00, v3;
	v8 =	vmul.f32 v32, v31  }
0x1bc: {  	v12 =	vsub.f32 $0.0e+00, v12;
	(erf) = vpow2.f32 v14;
	v14 =	vmul.f32 $1.442695020e+00, v22  }
0x1bd: {  	(erf) = vpow2.f32 v3;
	v1 =	vadd.f32 v8, v1;
	v8 =	vshll.u32 v19, $0x10  }
0x1be: {  	(erf) = vpow2.f32 v17;
	v16 =	vpop (erf);
	v19 =	vsub.f32 $0.0e+00, v49;
	v2 =	vadd.f32 v8, v2  }
0x1bf: {  	v8 =	vshll.u32 v29, $0x10;
	v1 =	vmul.f32 v1, v16;
	v16 =	vshll.u32 v23, $0x10  }
0x1c0: {  	v23 =	vshll.u32 v25, $0x10;
	v25 =	vshll.u32 v26, $0x10;
	v26 =	vshll.u32 v30, $0x10  }
0x1c1: {  	v18 =	vmul.f32 $1.442695020e+00, v19;
	v8 =	vadd.f32 v8, v11;
	v4 =	vadd.f32 v16, v4  }
0x1c2: {  	v16 =	vmul.f32 $1.442695020e+00, v20;
	v3 =	vadd.f32 v25, v10;
	v10 =	vmul.f32 $1.442695020e+00, v12  }
0x1c3: {  	v6 =	vadd.f32 v23, v6;
	v11 =	vmul.f32 $1.442695020e+00, v2;
	(erf) = vpow2.f32 v18  }
0x1c4: {  	v12 =	vadd.f32 v26, v13;
	(erf) = vpow2.f32 v16;
	v13 =	vmul.f32 $1.442695020e+00, v4  }
0x1c5: {  	v6 =	vmul.f32 $1.442695020e+00, v6;
	(erf) = vpow2.f32 v14  }
0x1c6: {  	(erf) = vpow2.f32 v10;
	v10 =	vmul.f32 $1.442695020e+00, v3  }
0x1c7: {  	v3 =	vmax.f32 v5, $0.0e+00;
	v5 =	vmul.f32 $1.442695020e+00, v8;
	(erf) = vpow2.f32 v11  }
0x1c8: {  	v11 =	vpop (erf);
	(erf) = vpow2.f32 v0;
	v0 =	vmul.f32 $1.442695020e+00, v12  }
0x1c9: {  	v7 =	vmax.f32 v7, $0.0e+00;
	v12 =	vmul.f32 $5.743296070e-02, v11;
	(erf) = vpow2.f32 v13  }
0x1ca: {  	v2 =	vmax.f32 v15, $0.0e+00;
	v20 =	vmul.f32 $4.697743950e-01, v11;
	v13 =	vpop (erf);
	(erf) = vpow2.f32 v6  }
0x1cb: {  	v4 =	vmax.f32 v27, $0.0e+00;
	v6 =	vmul.f32 $5.743296070e-02, v13;
	v23 =	vmul.f32 v13, v13  }
0x1cc: {  	v14 =	vmax.f32 v9, $0.0e+00;
	v15 =	vpop (erf);
	v26 =	vmul.f32 $4.697743950e-01, v13;
	(erf) = vpow2.f32 v10  }
0x1cd: {  	v10 =	vsub.f32 $2.231071440e-01, v12;
	v12 =	vmul.f32 $5.743296070e-02, v15;
	v28 =	vmul.f32 v15, v15  }
0x1ce: {  	v9 =	vmax.f32 v21, $0.0e+00;
	v30 =	vmul.f32 $4.697743950e-01, v15;
	v17 =	vpop (erf);
	(erf) = vpow2.f32 v5  }
0x1cf: {  	v5 =	vsub.f32 $2.231071440e-01, v6;
	v6 =	vmul.f32 $5.743296070e-02, v17;
	v18 =	vpop (erf);
	(erf) = vpow2.f32 v0  }
0x1d0: {  	v8 =	vmax.f32 v24, $0.0e+00;
	v0 =	vmul.f32 v11, v11;
	v31 =	vmul.f32 v17, v17  }
0x1d1: {  	v20 =	vsub.f32 $9.971876740e-01, v20;
	v53 =	vmul.f32 $4.697743950e-01, v17;
	v16 =	vmul.f32 $5.743296070e-02, v18  }
0x1d2: {  	v12 =	vsub.f32 $2.231071440e-01, v12;
	v19 =	vpop (erf);
	v54 =	vmul.f32 v18, v18;
	v56 =	vmul.f32 $4.697743950e-01, v18  }
0x1d3: {  	v5 =	vmul.f32 v5, v23;
	v23 =	vsub.f32 $9.971876740e-01, v30;
	v21 =	vmul.f32 $5.743296070e-02, v19  }
0x1d4: {  	s3 =	simm.s32 $0x80;
	[tilespmem:s18+$0xE2B0] =	vst v1;
	v6 =	vsub.f32 $2.231071440e-01, v6;
	v57 =	vmul.f32 v19, v19;
	v59 =	vmul.f32 $4.697743950e-01, v19  }
0x1d5: {  	v63 =	vld [tilespmem:s3+$0xA6A0];
	v22 =	vpop (erf);
	v0 =	vmul.f32 v10, v0;
	v10 =	vsub.f32 $9.971876740e-01, v26;
	v12 =	vmul.f32 v12, v28  }
0x1d6: {  	v16 =	vsub.f32 $2.231071440e-01, v16;
	v24 =	vmul.f32 $5.743296070e-02, v22;
	v25 =	vpop (erf);
	v1 =	vsub.f32 $9.971876740e-01, v56  }
0x1d7: {  	v60 =	vmul.f32 v22, v22;
	v25 =	vadd.f32 $1.000000000e+00, v25;
	v21 =	vsub.f32 $2.231071440e-01, v21  }
0x1d8: {  	v62 =	vmul.f32 $4.697743950e-01, v22;
	v26 =	vsub.f32 $9.971876740e-01, v59;
	v0 =	vadd.f32 v0, v20  }
0x1d9: {  	v27 =	vpop (erf);
	v6 =	vmul.f32 v6, v31;
	v5 =	vadd.f32 v5, v10;
	v10 =	vadd.f32 v12, v23  }
0x1da: {  	v40 =	vld [tilespmem:s3+$0xCE70];
	v27 =	vadd.f32 $1.000000000e+00, v27;
	v24 =	vsub.f32 $2.231071440e-01, v24;
	v29 =	vpop (erf);
	v16 =	vmul.f32 v16, v54  }
0x1db: {  	v20 =	vsub.f32 $9.971876740e-01, v62;
	v54 =	vand.u32 $0xFFFF0000, v63;
	v29 =	vadd.f32 $1.000000000e+00, v29  }
0x1dc: {  	v52 =	vpop (erf);
	(erf) = vrcp.f32 v25;
	v25 =	vsub.f32 $9.971876740e-01, v53;
	v21 =	vmul.f32 v21, v57  }
0x1dd: {  	v23 =	vld [tilespmem:s3+$0xA640];
	v0 =	vmul.f32 v0, v11;
	v5 =	vmul.f32 v5, v13;
	v32 =	vadd.f32 $1.000000000e+00, v52  }
0x1de: {  	v37 =	vld [tilespmem:s3+$0xCE60];
	v55 =	vpop (erf);
	v24 =	vmul.f32 v24, v60;
	v1 =	vadd.f32 v16, v1;
	v16 =	vmul.f32 v10, v15  }
0x1df: {  	v42 =	vld [tilespmem:s3+$0xCE80];
	v60 =	vand.u32 $0xFFFF0000, v40;
	v35 =	vadd.f32 $1.000000000e+00, v55;
	v6 =	vadd.f32 v6, v25  }
0x1e0: {  	v28 =	vld [tilespmem:s3+$0xBAB0];
	v40 =	vshll.u32 v40, $0x10;
	v58 =	vpop (erf);
	v11 =	vadd.f32 v21, v26;
	v12 =	vadd.f32 v0, v7  }
0x1e1: {  	v47 =	vld [tilespmem:s3+$0xCE90];
	v14 =	vadd.f32 v5, v14;
	v38 =	vadd.f32 $1.000000000e+00, v58;
	v61 =	vpop (erf);
	(erf) = vrcp.f32 v27  }
0x1e2: {  	v25 =	vld [tilespmem:s3+$0xCEB0];
	v20 =	vadd.f32 v24, v20;
	v15 =	vmul.f32 v1, v18;
	v7 =	vand.u32 $0xFFFF0000, v23  }
0x1e3: {  	v21 =	vld [tilespmem:s3+$0xBA40];
	v58 =	vand.u32 $0xFFFF0000, v37;
	v2 =	vadd.f32 v16, v2;
	(erf) = vrcp.f32 v29  }
0x1e4: {  	v27 =	vld [tilespmem:s3+$0xA6B0];
	v41 =	vadd.f32 $1.000000000e+00, v61;
	v13 =	vmul.f32 v6, v17;
	v11 =	vmul.f32 v11, v19  }
0x1e5: {  	v24 =	vld [tilespmem:s3+$0xA670];
	v6 =	vand.u32 $0xFFFF0000, v28;
	v19 =	vshll.u32 v28, $0x10;
	v61 =	vand.u32 $0xFFFF0000, v42  }
0x1e6: {  	v42 =	vshll.u32 v42, $0x10;
	(erf) = vrcp.f32 v32;
	v10 =	vmul.f32 v20, v22  }
0x1e7: {  	v1 =	vld [tilespmem:s3+$0xBA50];
	v32 =	vshll.u32 v63, $0x10;
	v63 =	vand.u32 $0xFFFF0000, v47;
	(erf) = vrcp.f32 v35  }
0x1e8: {  	v17 =	vld [tilespmem:s3+$0xA660];
	v4 =	vadd.f32 v15, v4;
	(erf) = vrcp.f32 v38;
	v20 =	vand.u32 $0xFFFF0000, v25  }
0x1e9: {  	v29 =	vld [tilespmem:s3+$0xA690];
	v22 =	vand.u32 $0xFFFF0000, v21;
	v21 =	vshll.u32 v21, $0x10;
	(erf) = vrcp.f32 v41  }
0x1ea: {  	v5 =	vand.u32 $0xFFFF0000, v27;
	v18 =	vshll.u32 v27, $0x10;
	v30 =	vand.u32 $0xFFFF0000, v24  }
0x1eb: {  	v0 =	vld [tilespmem:s3+$0xA650];
	v24 =	vshll.u32 v24, $0x10;
	v5 =	vadd.f32 v6, v5;
	v18 =	vadd.f32 v19, v18  }
0x1ec: {  	v35 =	vld [tilespmem:s3+$0xCE50];
	v19 =	vshll.u32 v23, $0x10;
	v23 =	vshll.u32 v25, $0x10;
	v25 =	vand.u32 $0xFFFF0000, v1  }
0x1ed: {  	v27 =	vand.u32 $0xFFFF0000, v17;
	v1 =	vshll.u32 v1, $0x10;
	v17 =	vshll.u32 v17, $0x10  }
0x1ee: {  	v6 =	vld [tilespmem:s3+$0xBA60];
	v33 =	vpop (erf);
	v52 =	vand.u32 $0xFFFF0000, v29;
	v29 =	vshll.u32 v29, $0x10;
	v19 =	vadd.f32 v21, v19  }
0x1ef: {  	v12 =	vmul.f32 v12, v33;
	v20 =	vadd.f32 v20, v5;
	v5 =	vadd.f32 v22, v7  }
0x1f0: {  	v22 =	vand.u32 $0xFFFF0000, v0;
	v18 =	vadd.f32 v23, v18;
	v0 =	vshll.u32 v0, $0x10  }
0x1f1: {  	v7 =	vld [tilespmem:s3+$0xBA70];
	v57 =	vand.u32 $0xFFFF0000, v35;
	v22 =	vadd.f32 v25, v22;
	v23 =	vand.u32 $0x7FFFFFFF, v20  }
0x1f2: {  	v26 =	vld [tilespmem:s3+$0xA680];
	v36 =	vpop (erf);
	v0 =	vadd.f32 v1, v0;
	v18 =	vmul.f32 $1.442695020e+00, v18;
	v23 =	vsub.f32 $0.0e+00, v23  }
0x1f3: {  	v25 =	vld [tilespmem:s3+$0xBA80];
	v38 =	vpop (erf);
	v20 =	vmax.f32 v20, $0.0e+00;
	v28 =	vand.u32 $0xFFFF0000, v6;
	v6 =	vshll.u32 v6, $0x10  }
0x1f4: {  	v22 =	vadd.f32 v57, v22;
	v15 =	vmul.f32 v2, v38;
	v23 =	vmul.f32 $1.442695020e+00, v23  }
0x1f5: {  	v2 =	vadd.f32 v11, v9;
	v27 =	vadd.f32 v28, v27;
	(erf) = vpow2.f32 v18  }
0x1f6: {  	v28 =	vld [tilespmem:s3+$0xBA90];
	v6 =	vadd.f32 v6, v17;
	v31 =	vand.u32 $0xFFFF0000, v7;
	(erf) = vpow2.f32 v23  }
0x1f7: {  	v7 =	vshll.u32 v7, $0x10;
	v18 =	vadd.f32 v31, v30;
	v31 =	vand.u32 $0xFFFF0000, v26;
	v23 =	vld [tilespmem:s3+$0xCE40]  }
0x1f8: {  	v51 =	vand.u32 $0xFFFF0000, v25;
	v26 =	vshll.u32 v26, $0x10;
	v27 =	vadd.f32 v58, v27  }
0x1f9: {  	v30 =	vld [tilespmem:s3+$0xBAA0];
	v25 =	vshll.u32 v25, $0x10;
	v7 =	vadd.f32 v7, v24;
	v31 =	vadd.f32 v51, v31  }
0x1fa: {  	v41 =	vpop (erf);
	v21 =	vadd.f32 v25, v26;
	v18 =	vadd.f32 v60, v18;
	v60 =	vand.u32 $0x7FFFFFFF, v27  }
0x1fb: {  	v43 =	vpop (erf);
	v53 =	vand.u32 $0xFFFF0000, v28;
	v28 =	vshll.u32 v28, $0x10;
	v31 =	vadd.f32 v61, v31  }
0x1fc: {  	v46 =	vpop (erf);
	v34 =	vadd.f32 v53, v52;
	v61 =	vand.u32 $0x7FFFFFFF, v18;
	v56 =	vand.u32 $0xFFFF0000, v23  }
0x1fd: {  	v24 =	vadd.f32 v28, v29;
	v28 =	vshll.u32 v35, $0x10;
	v44 =	vadd.f32 v56, v5;
	v5 =	vpop (erf)  }
0x1fe: {  	v55 =	vand.u32 $0xFFFF0000, v30;
	v0 =	vadd.f32 v28, v0;
	v28 =	vadd.f32 v40, v7;
	v59 =	vpop (erf)  }
0x1ff: {  	v30 =	vshll.u32 v30, $0x10;
	v39 =	vadd.f32 v55, v54;
	v45 =	vadd.f32 $1.000000000e+00, v59;
	v50 =	vpop (erf)  }
0x200: {  	v48 =	vld [tilespmem:s3+$0xCEA0];
	v34 =	vadd.f32 v63, v34;
	v25 =	vadd.f32 v30, v32;
	v62 =	vmul.f32 $5.743296070e-02, v50  }
0x201: {  	v23 =	vshll.u32 v23, $0x10;
	v30 =	vsub.f32 $0.0e+00, v60;
	(erf) = vrcp.f32 v45  }
0x202: {  	v57 =	vmul.f32 v50, v50;
	v58 =	vmul.f32 $4.697743950e-01, v50;
	v49 =	vsub.f32 $2.231071440e-01, v62  }
0x203: {  	v19 =	vadd.f32 v23, v19;
	v23 =	vshll.u32 v47, $0x10;
	v47 =	vmul.f32 $1.442695020e+00, v0  }
0x204: {  	v63 =	vand.u32 $0x7FFFFFFF, v34;
	v51 =	vsub.f32 $9.971876740e-01, v58;
	v45 =	vmul.f32 v49, v57  }
0x205: {  	v23 =	vadd.f32 v23, v24;
	v59 =	vand.u32 $0xFFFF0000, v48;
	v60 =	vsub.f32 $0.0e+00, v63  }
0x206: {  	v28 =	vmul.f32 $1.442695020e+00, v28;
	v39 =	vadd.f32 v59, v39;
	v45 =	vadd.f32 v45, v51  }
0x207: {  	v54 =	vand.u32 $0x7FFFFFFF, v44;
	v19 =	vmul.f32 $1.442695020e+00, v19;
	v63 =	vmul.f32 $1.442695020e+00, v60  }
0x208: {  	v1 =	vand.u32 $0x7FFFFFFF, v39;
	v62 =	vand.u32 $0x7FFFFFFF, v31;
	v17 =	vmul.f32 v45, v50  }
0x209: {  	v58 =	vsub.f32 $0.0e+00, v61;
	v1 =	vsub.f32 $0.0e+00, v1;
	v61 =	vshll.u32 v48, $0x10  }
0x20a: {  	v49 =	vand.u32 $0x7FFFFFFF, v22;
	v17 =	vadd.f32 v17, v20;
	v20 =	vsub.f32 $0.0e+00, v54  }
0x20b: {  	v59 =	vsub.f32 $0.0e+00, v62;
	v24 =	vmul.f32 $1.442695020e+00, v1;
	v29 =	vsub.f32 $0.0e+00, v49;
	v26 =	vpop (erf)  }
0x20c: {  	v26 =	vmul.f32 v17, v26;
	v17 =	vshll.u32 v37, $0x10;
	v20 =	vmul.f32 $1.442695020e+00, v20  }
0x20d: {  	v62 =	vmul.f32 $1.442695020e+00, v59;
	v6 =	vadd.f32 v17, v6;
	v17 =	vmul.f32 $1.442695020e+00, v29  }
0x20e: {  	v25 =	vadd.f32 v61, v25;
	v29 =	vmul.f32 $1.442695020e+00, v30;
	(erf) = vpow2.f32 v20  }
0x20f: {  	v21 =	vadd.f32 v42, v21;
	v30 =	vmul.f32 $1.442695020e+00, v58;
	(erf) = vpow2.f32 v17  }
0x210: {  	v1 =	vmax.f32 v18, $0.0e+00;
	v18 =	vmul.f32 $1.442695020e+00, v25;
	(erf) = vpow2.f32 v29  }
0x211: {  	v25 =	vmul.f32 v2, v46;
	(erf) = vpow2.f32 v30  }
0x212: {  	v20 =	vmul.f32 $1.442695020e+00, v21;
	(erf) = vpow2.f32 v62  }
0x213: {  	v21 =	vmul.f32 v14, v36;
	(erf) = vpow2.f32 v63  }
0x214: {  	v3 =	vadd.f32 v13, v3;
	v48 =	vmul.f32 $1.442695020e+00, v6;
	(erf) = vpow2.f32 v24  }
0x215: {  	v17 =	vmul.f32 $1.442695020e+00, v23;
	(erf) = vpow2.f32 v19  }
0x216: {  	v6 =	vmax.f32 v22, $0.0e+00;
	v22 =	vmul.f32 v3, v41;
	(erf) = vpow2.f32 v47  }
0x217: {  	v16 =	vadd.f32 v10, v8;
	v23 =	vmul.f32 v4, v43;
	v9 =	vpop (erf);
	(erf) = vpow2.f32 v48  }
0x218: {  	v0 =	vmax.f32 v27, $0.0e+00;
	v13 =	vmul.f32 $5.743296070e-02, v9;
	v11 =	vpop (erf);
	(erf) = vpow2.f32 v28  }
0x219: {  	v7 =	vmax.f32 v44, $0.0e+00;
	v29 =	vmul.f32 $4.697743950e-01, v9;
	v8 =	vmul.f32 $5.743296070e-02, v11  }
0x21a: {  	v3 =	vmax.f32 v31, $0.0e+00;
	v10 =	vpop (erf);
	(erf) = vpow2.f32 v20;
	v31 =	vmul.f32 v11, v11  }
0x21b: {  	v4 =	vmax.f32 v34, $0.0e+00;
	v34 =	vmul.f32 $4.697743950e-01, v11;
	v20 =	vmul.f32 $5.743296070e-02, v10  }
0x21c: {  	v19 =	vsub.f32 $2.231071440e-01, v13;
	v36 =	vmul.f32 v10, v10;
	v38 =	vmul.f32 $4.697743950e-01, v10;
	v13 =	vpop (erf)  }
0x21d: {  	v24 =	vsub.f32 $2.231071440e-01, v8;
	(erf) = vpow2.f32 v17;
	v8 =	vmul.f32 $5.743296070e-02, v13;
	v14 =	vpop (erf)  }
0x21e: {  	v2 =	vmax.f32 v39, $0.0e+00;
	(erf) = vpow2.f32 v18;
	v18 =	vmul.f32 v9, v9;
	v17 =	vpop (erf)  }
0x21f: {  	[tilespmem:s3+$0xE2B0] =	vst v26;
	v39 =	vmul.f32 v13, v13;
	v30 =	vsub.f32 $2.231071440e-01, v8;
	v8 =	vmul.f32 $5.743296070e-02, v17  }
0x220: {  	[tilespmem:s18+$0xE240] =	vst v12;
	v29 =	vsub.f32 $9.971876740e-01, v29;
	v53 =	vmul.f32 $4.697743950e-01, v13;
	v12 =	vmul.f32 v24, v31  }
0x221: {  	v27 =	vsub.f32 $2.231071440e-01, v20;
	v28 =	vmul.f32 $5.743296070e-02, v14;
	v54 =	vmul.f32 v14, v14;
	v20 =	vpop (erf)  }
0x222: {  	[tilespmem:s18+$0xE260] =	vst v15;
	v15 =	vsub.f32 $9.971876740e-01, v38;
	v56 =	vmul.f32 $4.697743950e-01, v14;
	v57 =	vmul.f32 v17, v17;
	v50 =	vpop (erf)  }
0x223: {  	v59 =	vmul.f32 $4.697743950e-01, v17;
	v63 =	vmul.f32 v19, v18;
	v35 =	vsub.f32 $2.231071440e-01, v8;
	v8 =	vpop (erf)  }
0x224: {  	v19 =	vmul.f32 v27, v36;
	v18 =	vsub.f32 $9.971876740e-01, v53;
	v33 =	vadd.f32 $1.000000000e+00, v50;
	v51 =	vpop (erf)  }
0x225: {  	v28 =	vsub.f32 $2.231071440e-01, v28;
	v49 =	vmul.f32 $5.743296070e-02, v20;
	v8 =	vadd.f32 $1.000000000e+00, v8;
	v52 =	vpop (erf)  }
0x226: {  	v60 =	vmul.f32 v20, v20;
	(erf) = vrcp.f32 v33;
	v37 =	vadd.f32 $1.000000000e+00, v51;
	v55 =	vpop (erf)  }
0x227: {  	v62 =	vmul.f32 $4.697743950e-01, v20;
	v40 =	vadd.f32 $1.000000000e+00, v52;
	(erf) = vrcp.f32 v8;
	v58 =	vpop (erf)  }
0x228: {  	[tilespmem:s18+$0xE280] =	vst v23;
	v23 =	vsub.f32 $9.971876740e-01, v56;
	v43 =	vadd.f32 $1.000000000e+00, v55;
	v61 =	vpop (erf);
	(erf) = vrcp.f32 v37  }
0x229: {  	[tilespmem:s18+$0xE270] =	vst v22;
	v22 =	vmul.f32 v30, v39;
	v46 =	vadd.f32 $1.000000000e+00, v58;
	(erf) = vrcp.f32 v40  }
0x22a: {  	v32 =	vsub.f32 $2.231071440e-01, v49;
	v49 =	vadd.f32 $1.000000000e+00, v61;
	(erf) = vrcp.f32 v43  }
0x22b: {  	[tilespmem:s18+$0xE290] =	vst v25;
	v25 =	vsub.f32 $9.971876740e-01, v59;
	v29 =	vadd.f32 v63, v29;
	(erf) = vrcp.f32 v46  }
0x22c: {  	s14 =	simm.s32 $0x100;
	[tilespmem:s18+$0xE250] =	vst v21;
	v24 =	vmul.f32 v28, v54;
	v8 =	vsub.f32 $9.971876740e-01, v34;
	(erf) = vrcp.f32 v49  }
0x22d: {  	s19 =	simm.s32 $0x600;
	v21 =	vld [tilespmem:s14+$0xA6B0];
	v27 =	vsub.f32 $9.971876740e-01, v62;
	v26 =	vmul.f32 v35, v57;
	v28 =	vmul.f32 v32, v60  }
.LBB2_5:
0x22e: {  	p0 =	sne.s32 s19, $0x2600;
	v30 =	vld [tilespmem:s14+$0xBAB0];
	v12 =	vadd.f32 v12, v8;
	v15 =	vadd.f32 v19, v15;
	v5 =	vmul.f32 v16, v5  }
0x22f: {  	v19 =	vadd.f32 v22, v18;
	v22 =	vadd.f32 v24, v23;
	v31 =	vld [tilespmem:s14+$0xA640];
	v16 =	vmul.f32 v29, v9;
	v8 =	vpop (erf)  }
0x230: {  	v24 =	vadd.f32 v26, v25;
	v25 =	vadd.f32 v28, v27;
	v23 =	vld [tilespmem:s14+$0xCEB0];
	v29 =	vmul.f32 v12, v11;
	v9 =	vpop (erf);
	[tilespmem:s18+$0xE2A0] =	vst v5;
	s18 =	smov.u32 s3;
	s3 =	smov.u32 s14  }
0x231: {  	v18 =	vmul.f32 v15, v10;
	v26 =	vld [tilespmem:s3+$0xBA40];
	v12 =	vadd.f32 v16, v7;
	v16 =	vmul.f32 v19, v13;
	v10 =	vpop (erf)  }
0x232: {  	v17 =	vmul.f32 v24, v17;
	v19 =	vmul.f32 v22, v14;
	v7 =	vld [tilespmem:s3+$0xA650];
	v15 =	vadd.f32 v29, v6;
	v11 =	vpop (erf)  }
0x233: {  	v20 =	vmul.f32 v25, v20;
	v32 =	vand.u32 $0xFFFF0000, v21;
	v6 =	vld [tilespmem:s3+$0xBA50];
	v28 =	vand.u32 $0xFFFF0000, v30;
	v13 =	vpop (erf)  }
0x234: {  	v22 =	vshll.u32 v31, $0x10;
	v24 =	vand.u32 $0xFFFF0000, v31;
	v25 =	vld [tilespmem:s3+$0xA660];
	v27 =	vadd.f32 v28, v32;
	v14 =	vpop (erf)  }
0x235: {  	v21 =	vshll.u32 v21, $0x10;
	v29 =	vshll.u32 v30, $0x10;
	v28 =	vld [tilespmem:s3+$0xBA60];
	v30 =	vand.u32 $0xFFFF0000, v23;
	v5 =	vpop (erf)  }
0x236: {  	v21 =	vadd.f32 v29, v21;
	v31 =	vand.u32 $0xFFFF0000, v26;
	v32 =	vld [tilespmem:s3+$0xA670];
	v27 =	vadd.f32 v30, v27  }
0x237: {  	v23 =	vshll.u32 v23, $0x10;
	v24 =	vadd.f32 v31, v24;
	v29 =	vand.u32 $0xFFFF0000, v7;
	v30 =	vld [tilespmem:s3+$0xBA70]  }
0x238: {  	v21 =	vadd.f32 v23, v21;
	v31 =	vand.u32 $0xFFFF0000, v6;
	v33 =	vld [tilespmem:s3+$0xA680];
	v23 =	vand.u32 $0x7FFFFFFF, v27  }
0x239: {  	v29 =	vadd.f32 v31, v29;
	v31 =	vand.u32 $0xFFFF0000, v25;
	v34 =	vld [tilespmem:s3+$0xBA80];
	v23 =	vsub.f32 $0.0e+00, v23  }
0x23a: {  	v26 =	vshll.u32 v26, $0x10;
	v21 =	vmul.f32 $1.442695020e+00, v21;
	v35 =	vand.u32 $0xFFFF0000, v28;
	v36 =	vld [tilespmem:s3+$0xA690]  }
0x23b: {  	v31 =	vadd.f32 v35, v31;
	v35 =	vand.u32 $0xFFFF0000, v32;
	v37 =	vld [tilespmem:s3+$0xBA90];
	v23 =	vmul.f32 $1.442695020e+00, v23  }
0x23c: {  	v7 =	vshll.u32 v7, $0x10;
	v38 =	vand.u32 $0xFFFF0000, v30;
	v39 =	vld [tilespmem:s3+$0xA6A0];
	(erf) = vpow2.f32 v21  }
0x23d: {  	v21 =	vadd.f32 v38, v35;
	v35 =	vand.u32 $0xFFFF0000, v33;
	v38 =	vld [tilespmem:s3+$0xBAA0];
	(erf) = vpow2.f32 v23  }
0x23e: {  	v6 =	vshll.u32 v6, $0x10;
	v25 =	vshll.u32 v25, $0x10;
	v23 =	vld [tilespmem:s3+$0xCE40];
	v40 =	vand.u32 $0xFFFF0000, v34  }
0x23f: {  	v28 =	vshll.u32 v28, $0x10;
	v41 =	vld [tilespmem:s3+$0xCE50];
	v35 =	vadd.f32 v40, v35;
	v40 =	vand.u32 $0xFFFF0000, v36  }
0x240: {  	v32 =	vshll.u32 v32, $0x10;
	v30 =	vshll.u32 v30, $0x10;
	v42 =	vld [tilespmem:s3+$0xCE60];
	v43 =	vand.u32 $0xFFFF0000, v37  }
0x241: {  	v33 =	vshll.u32 v33, $0x10;
	v44 =	vld [tilespmem:s3+$0xCE70];
	v40 =	vadd.f32 v43, v40;
	v43 =	vand.u32 $0xFFFF0000, v39  }
0x242: {  	v34 =	vshll.u32 v34, $0x10;
	v36 =	vshll.u32 v36, $0x10;
	v45 =	vld [tilespmem:s3+$0xCE80];
	v46 =	vand.u32 $0xFFFF0000, v38  }
0x243: {  	v37 =	vshll.u32 v37, $0x10;
	v47 =	vand.u32 $0xFFFF0000, v23;
	v48 =	vld [tilespmem:s3+$0xCE90];
	v43 =	vadd.f32 v46, v43  }
0x244: {  	v39 =	vshll.u32 v39, $0x10;
	v24 =	vadd.f32 v47, v24;
	v46 =	vand.u32 $0xFFFF0000, v41;
	v47 =	vld [tilespmem:s3+$0xCEA0]  }
0x245: {  	v38 =	vshll.u32 v38, $0x10;
	v29 =	vadd.f32 v46, v29;
	v46 =	vand.u32 $0xFFFF0000, v42;
	v49 =	vpop (erf)  }
0x246: {  	v31 =	vadd.f32 v46, v31;
	v46 =	vand.u32 $0xFFFF0000, v44;
	v49 =	vadd.f32 $1.000000000e+00, v49;
	v50 =	vpop (erf)  }
0x247: {  	v21 =	vadd.f32 v46, v21;
	v46 =	vand.u32 $0xFFFF0000, v45;
	v51 =	vmul.f32 $5.743296070e-02, v50  }
0x248: {  	v35 =	vadd.f32 v46, v35;
	v46 =	vand.u32 $0xFFFF0000, v48;
	(erf) = vrcp.f32 v49  }
0x249: {  	v52 =	vmul.f32 $4.697743950e-01, v50;
	v49 =	vmul.f32 v50, v50;
	v51 =	vsub.f32 $2.231071440e-01, v51  }
0x24a: {  	v53 =	vand.u32 $0x7FFFFFFF, v24;
	v40 =	vadd.f32 v46, v40;
	v46 =	vand.u32 $0xFFFF0000, v47  }
0x24b: {  	v43 =	vadd.f32 v46, v43;
	v46 =	vsub.f32 $9.971876740e-01, v52;
	v49 =	vmul.f32 v51, v49  }
0x24c: {  	v54 =	vand.u32 $0x7FFFFFFF, v21;
	v52 =	vand.u32 $0x7FFFFFFF, v31;
	v51 =	vand.u32 $0x7FFFFFFF, v29  }
0x24d: {  	v55 =	vand.u32 $0x7FFFFFFF, v35;
	v56 =	vand.u32 $0x7FFFFFFF, v40;
	v46 =	vadd.f32 v49, v46  }
0x24e: {  	v22 =	vadd.f32 v26, v22;
	v6 =	vadd.f32 v6, v7;
	v7 =	vand.u32 $0x7FFFFFFF, v43  }
0x24f: {  	v25 =	vadd.f32 v28, v25;
	v26 =	vadd.f32 v30, v32;
	v46 =	vmul.f32 v46, v50  }
0x250: {  	v27 =	vmax.f32 v27, $0.0e+00;
	v30 =	vadd.f32 v34, v33;
	v32 =	vadd.f32 v37, v36  }
0x251: {  	v23 =	vshll.u32 v23, $0x10;
	v33 =	vadd.f32 v38, v39;
	v27 =	vadd.f32 v46, v27;
	v28 =	vpop (erf)  }
0x252: {  	v36 =	vshll.u32 v41, $0x10;
	v34 =	vsub.f32 $0.0e+00, v53;
	v37 =	vsub.f32 $0.0e+00, v51  }
0x253: {  	v39 =	vsub.f32 $0.0e+00, v54;
	v38 =	vsub.f32 $0.0e+00, v52;
	v27 =	vmul.f32 v27, v28  }
0x254: {  	v41 =	vsub.f32 $0.0e+00, v55;
	v28 =	vshll.u32 v42, $0x10;
	v42 =	vsub.f32 $0.0e+00, v56  }
0x255: {  	v44 =	vshll.u32 v44, $0x10;
	v45 =	vshll.u32 v45, $0x10;
	v46 =	vsub.f32 $0.0e+00, v7;
	[tilespmem:s3+$0xE2B0] =	vst v27  }
0x256: {  	v22 =	vadd.f32 v23, v22;
	v23 =	vshll.u32 v47, $0x10;
	v7 =	vshll.u32 v48, $0x10  }
0x257: {  	v25 =	vadd.f32 v28, v25;
	v27 =	vmul.f32 $1.442695020e+00, v34;
	v34 =	vadd.f32 v36, v6  }
0x258: {  	v26 =	vadd.f32 v44, v26;
	v30 =	vadd.f32 v45, v30;
	v28 =	vmul.f32 $1.442695020e+00, v37  }
0x259: {  	v23 =	vadd.f32 v23, v33;
	v32 =	vadd.f32 v7, v32;
	v36 =	vmul.f32 $1.442695020e+00, v38  }
0x25a: {  	v33 =	vmul.f32 $1.442695020e+00, v41;
	v7 =	vmax.f32 v24, $0.0e+00;
	v24 =	vmul.f32 $1.442695020e+00, v39  }
0x25b: {  	v37 =	vmul.f32 $1.442695020e+00, v46;
	v6 =	vmax.f32 v29, $0.0e+00;
	v29 =	vmul.f32 $1.442695020e+00, v42  }
0x25c: {  	v22 =	vmul.f32 $1.442695020e+00, v22;
	v31 =	vmax.f32 v31, $0.0e+00;
	v34 =	vmul.f32 $1.442695020e+00, v34  }
0x25d: {  	v26 =	vmul.f32 $1.442695020e+00, v26;
	v21 =	vmax.f32 v21, $0.0e+00;
	v25 =	vmul.f32 $1.442695020e+00, v25  }
0x25e: {  	v30 =	vmul.f32 $1.442695020e+00, v30;
	v35 =	vmax.f32 v35, $0.0e+00;
	v32 =	vmul.f32 $1.442695020e+00, v32  }
0x25f: {  	v23 =	vmul.f32 $1.442695020e+00, v23;
	v38 =	vmax.f32 v40, $0.0e+00;
	(erf) = vpow2.f32 v27  }
0x260: {  	v18 =	vadd.f32 v18, v0;
	v0 =	vmovc v31;
	v27 =	vmax.f32 v43, $0.0e+00;
	(erf) = vpow2.f32 v28  }
0x261: {  	v19 =	vadd.f32 v19, v3;
	v3 =	vmovc v35;
	v28 =	vadd.f32 v16, v1;
	v1 =	vmovc v21;
	(erf) = vpow2.f32 v36  }
0x262: {  	v17 =	vadd.f32 v17, v4;
	v4 =	vmovc v38;
	v16 =	vadd.f32 v20, v2;
	v2 =	vmovc v27;
	(erf) = vpow2.f32 v24  }
0x263: {  	v8 =	vmul.f32 v12, v8;
	(erf) = vpow2.f32 v33  }
0x264: {  	v9 =	vmul.f32 v15, v9;
	(erf) = vpow2.f32 v29  }
0x265: {  	(erf) = vpow2.f32 v37;
	[tilespmem:s18+$0xE240] =	vst v8;
	v8 =	vmul.f32 v18, v10  }
0x266: {  	v10 =	vmul.f32 v28, v11;
	(erf) = vpow2.f32 v22;
	[tilespmem:s18+$0xE250] =	vst v9  }
0x267: {  	(erf) = vpow2.f32 v34;
	[tilespmem:s18+$0xE260] =	vst v8;
	v8 =	vmul.f32 v19, v13  }
0x268: {  	v12 =	vmul.f32 v17, v14;
	v9 =	vpop (erf);
	(erf) = vpow2.f32 v25;
	[tilespmem:s18+$0xE270] =	vst v10  }
0x269: {  	v17 =	vmul.f32 $5.743296070e-02, v9;
	v11 =	vpop (erf);
	(erf) = vpow2.f32 v26;
	[tilespmem:s18+$0xE280] =	vst v8  }
0x26a: {  	v8 =	vmul.f32 $5.743296070e-02, v11;
	v10 =	vpop (erf);
	(erf) = vpow2.f32 v30;
	[tilespmem:s18+$0xE290] =	vst v12  }
0x26b: {  	v12 =	vsub.f32 $2.231071440e-01, v17;
	v15 =	vmul.f32 $5.743296070e-02, v10;
	v13 =	vpop (erf);
	(erf) = vpow2.f32 v32  }
0x26c: {  	v18 =	vsub.f32 $2.231071440e-01, v8;
	v8 =	vmul.f32 $5.743296070e-02, v13;
	v14 =	vpop (erf);
	(erf) = vpow2.f32 v23  }
0x26d: {  	v19 =	vmul.f32 v9, v9;
	v21 =	vsub.f32 $2.231071440e-01, v15;
	v15 =	vmul.f32 $5.743296070e-02, v14;
	v17 =	vpop (erf)  }
0x26e: {  	v22 =	vmul.f32 $4.697743950e-01, v9;
	v23 =	vsub.f32 $2.231071440e-01, v8;
	v29 =	vmul.f32 $5.743296070e-02, v17;
	v20 =	vpop (erf)  }
0x26f: {  	v24 =	vmul.f32 v11, v11;
	v25 =	vsub.f32 $2.231071440e-01, v15;
	v31 =	vmul.f32 $5.743296070e-02, v20;
	v26 =	vpop (erf)  }
0x270: {  	v27 =	vmul.f32 $4.697743950e-01, v11;
	v26 =	vadd.f32 $1.000000000e+00, v26;
	v28 =	vsub.f32 $2.231071440e-01, v29;
	v8 =	vpop (erf)  }
0x271: {  	v29 =	vmul.f32 v10, v10;
	v8 =	vadd.f32 $1.000000000e+00, v8;
	v30 =	vsub.f32 $2.231071440e-01, v31;
	v15 =	vpop (erf)  }
0x272: {  	v32 =	vmul.f32 v13, v13;
	v31 =	vmul.f32 $4.697743950e-01, v10;
	v15 =	vadd.f32 $1.000000000e+00, v15;
	v33 =	vpop (erf)  }
0x273: {  	v34 =	vmul.f32 $4.697743950e-01, v13;
	v35 =	vmul.f32 v14, v14;
	v33 =	vadd.f32 $1.000000000e+00, v33;
	v36 =	vpop (erf)  }
0x274: {  	v37 =	vmul.f32 $4.697743950e-01, v14;
	v38 =	vmul.f32 v17, v17;
	v36 =	vadd.f32 $1.000000000e+00, v36;
	v39 =	vpop (erf)  }
0x275: {  	v40 =	vmul.f32 $4.697743950e-01, v17;
	v41 =	vmul.f32 v20, v20;
	v39 =	vadd.f32 $1.000000000e+00, v39;
	v42 =	vpop (erf)  }
0x276: {  	v43 =	vmul.f32 $4.697743950e-01, v20;
	v42 =	vadd.f32 $1.000000000e+00, v42;
	(erf) = vrcp.f32 v26  }
0x277: {  	v44 =	vsub.f32 $9.971876740e-01, v22;
	v45 =	vmul.f32 v12, v19;
	(erf) = vrcp.f32 v8  }
0x278: {  	v12 =	vmul.f32 v18, v24;
	v8 =	vsub.f32 $9.971876740e-01, v27;
	(erf) = vrcp.f32 v15  }
.Ltmp1:
0x279: {  	v19 =	vmul.f32 v21, v29;
	v15 =	vsub.f32 $9.971876740e-01, v31;
	(erf) = vrcp.f32 v33;
	(pc) =	sbr.rel @p0 .LBB2_5-.Ltmp1, $4  }
0x27a: {  	v18 =	vsub.f32 $9.971876740e-01, v34;
	v22 =	vmul.f32 v23, v32;
	(erf) = vrcp.f32 v36  }
0x27b: {  	v23 =	vsub.f32 $9.971876740e-01, v37;
	v24 =	vmul.f32 v25, v35;
	(erf) = vrcp.f32 v39  }
0x27c: {  	s14 =	sshra.s32 s19, $0x2;
	v25 =	vsub.f32 $9.971876740e-01, v40;
	v26 =	vmul.f32 v28, v38;
	(erf) = vrcp.f32 v42  }
0x27d: {  	s19 =	sadd.s32 $0x200, s19;
	v29 =	vadd.f32 v45, v44;
	v28 =	vmul.f32 v30, v41;
	v27 =	vsub.f32 $9.971876740e-01, v43;
	v21 =	vld [tilespmem:s14+$0xA6B0]  }
0x27e: {  	v30 =	vld [tilespmem:s14+$0xBAB0];
	v5 =	vmul.f32 v16, v5  }
0x27f: {  	v8 =	vadd.f32 v12, v8;
	v62 =	vld [tilespmem:s14+$0xA640];
	v63 =	vadd.f32 v19, v15  }
0x280: {  	v18 =	vadd.f32 v22, v18;
	v31 =	vld [tilespmem:s14+$0xCEB0];
	v32 =	vadd.f32 v24, v23;
	v9 =	vmul.f32 v29, v9;
	[tilespmem:s18+$0xE2A0] =	vst v5  }
0x281: {  	v34 =	vadd.f32 v28, v27;
	v8 =	vmul.f32 v8, v11;
	v15 =	vmul.f32 v63, v10;
	v35 =	vld [tilespmem:s14+$0xBA40]  }
0x282: {  	v33 =	vadd.f32 v26, v25;
	v10 =	vmul.f32 v18, v13;
	v11 =	vmul.f32 v32, v14;
	v36 =	vld [tilespmem:s14+$0xA650]  }
0x283: {  	v9 =	vadd.f32 v9, v7;
	v37 =	vld [tilespmem:s14+$0xBA50];
	v7 =	vmul.f32 v34, v20;
	v12 =	vadd.f32 v8, v6  }
0x284: {  	v41 =	vld [tilespmem:s14+$0xA660];
	v8 =	vmul.f32 v33, v17;
	v38 =	vand.u32 $0xFFFF0000, v21;
	v0 =	vadd.f32 v15, v0  }
0x285: {  	v42 =	vld [tilespmem:s14+$0xBA60];
	v43 =	vshll.u32 v21, $0x10;
	v1 =	vadd.f32 v10, v1;
	v3 =	vadd.f32 v11, v3  }
0x286: {  	v47 =	vld [tilespmem:s14+$0xA670];
	v39 =	vand.u32 $0xFFFF0000, v30;
	v40 =	vand.u32 $0xFFFF0000, v62;
	v44 =	vshll.u32 v30, $0x10  }
0x287: {  	v48 =	vld [tilespmem:s14+$0xBA70];
	v45 =	vand.u32 $0xFFFF0000, v31;
	v16 =	vshll.u32 v62, $0x10;
	v2 =	vadd.f32 v7, v2  }
0x288: {  	v51 =	vld [tilespmem:s14+$0xA680];
	v19 =	vshll.u32 v31, $0x10;
	v34 =	vpop (erf);
	v14 =	vadd.f32 v39, v38;
	v20 =	vadd.f32 v44, v43  }
0x289: {  	v57 =	vld [tilespmem:s14+$0xBA80];
	v9 =	vmul.f32 v9, v34;
	v4 =	vadd.f32 v8, v4;
	v46 =	vand.u32 $0xFFFF0000, v35  }
0x28a: {  	v60 =	vld [tilespmem:s14+$0xA690];
	v14 =	vadd.f32 v45, v14;
	v49 =	vand.u32 $0xFFFF0000, v36;
	v50 =	vand.u32 $0xFFFF0000, v37  }
0x28b: {  	v61 =	vld [tilespmem:s14+$0xBA90];
	v19 =	vadd.f32 v19, v20;
	v58 =	vand.u32 $0xFFFF0000, v41;
	v59 =	vand.u32 $0xFFFF0000, v42  }
0x28c: {  	v52 =	vld [tilespmem:s14+$0xBAA0];
	v24 =	vshll.u32 v35, $0x10;
	v62 =	vand.u32 $0xFFFF0000, v47;
	v31 =	vand.u32 $0xFFFF0000, v48  }
0x28d: {  	v13 =	vshll.u32 v36, $0x10;
	v53 =	vand.u32 $0xFFFF0000, v51;
	v33 =	vshll.u32 v37, $0x10  }
0x28e: {  	v18 =	vshll.u32 v41, $0x10;
	v54 =	vand.u32 $0xFFFF0000, v57;
	v17 =	vshll.u32 v42, $0x10  }
0x28f: {  	v55 =	vand.u32 $0xFFFF0000, v60;
	v25 =	vshll.u32 v47, $0x10;
	v21 =	vshll.u32 v48, $0x10  }
0x290: {  	v39 =	vand.u32 $0xFFFF0000, v61;
	v26 =	vshll.u32 v51, $0x10;
	v23 =	vshll.u32 v57, $0x10  }
0x291: {  	v29 =	vshll.u32 v60, $0x10;
	v44 =	vand.u32 $0xFFFF0000, v52;
	v5 =	vadd.f32 v46, v40  }
0x292: {  	v32 =	vld [tilespmem:s14+$0xA6A0];
	v28 =	vshll.u32 v61, $0x10;
	v22 =	vadd.f32 v50, v49;
	v27 =	vadd.f32 v59, v58  }
0x293: {  	v35 =	vld [tilespmem:s14+$0xCE50];
	v63 =	vadd.f32 v31, v62;
	v31 =	vadd.f32 v54, v53;
	v56 =	vand.u32 $0x7FFFFFFF, v14  }
0x294: {  	v37 =	vld [tilespmem:s14+$0xCE60];
	v30 =	vshll.u32 v52, $0x10;
	v39 =	vadd.f32 v39, v55;
	v20 =	vsub.f32 $0.0e+00, v56  }
0x295: {  	v42 =	vld [tilespmem:s14+$0xCE80];
	v16 =	vadd.f32 v24, v16;
	v13 =	vadd.f32 v33, v13;
	v19 =	vmul.f32 $1.442695020e+00, v19  }
0x296: {  	v36 =	vpop (erf);
	v47 =	vld [tilespmem:s14+$0xCE90];
	v17 =	vadd.f32 v17, v18;
	v18 =	vadd.f32 v21, v25;
	v20 =	vmul.f32 $1.442695020e+00, v20  }
0x297: {  	v48 =	vld [tilespmem:s14+$0xCEA0];
	v38 =	vpop (erf);
	v23 =	vadd.f32 v23, v26;
	v25 =	vadd.f32 v28, v29;
	(erf) = vpow2.f32 v19  }
0x298: {  	v10 =	vmul.f32 v12, v36;
	v41 =	vpop (erf);
	v14 =	vmax.f32 v14, $0.0e+00;
	(erf) = vpow2.f32 v20  }
0x299: {  	v40 =	vld [tilespmem:s14+$0xCE70];
	v0 =	vmul.f32 v0, v38;
	v56 =	vand.u32 $0xFFFF0000, v32;
	v43 =	vpop (erf);
	v32 =	vshll.u32 v32, $0x10  }
0x29a: {  	v1 =	vmul.f32 v1, v41;
	v44 =	vadd.f32 v44, v56;
	v3 =	vmul.f32 v3, v43  }
0x29b: {  	v57 =	vand.u32 $0xFFFF0000, v35;
	v49 =	vand.u32 $0xFFFF0000, v37;
	v51 =	vand.u32 $0xFFFF0000, v42;
	v20 =	vld [tilespmem:s14+$0xCE40]  }
0x29c: {  	v46 =	vpop (erf);
	v61 =	vand.u32 $0xFFFF0000, v47;
	v62 =	vand.u32 $0xFFFF0000, v48;
	v42 =	vshll.u32 v42, $0x10  }
0x29d: {  	v4 =	vmul.f32 v4, v46;
	v22 =	vadd.f32 v57, v22;
	v27 =	vadd.f32 v49, v27  }
0x29e: {  	v6 =	vpop (erf);
	v59 =	vand.u32 $0xFFFF0000, v40;
	v31 =	vadd.f32 v51, v31;
	v39 =	vadd.f32 v61, v39  }
0x29f: {  	v40 =	vshll.u32 v40, $0x10;
	v23 =	vadd.f32 v42, v23;
	v2 =	vmul.f32 v2, v6  }
0x2a0: {  	v19 =	vadd.f32 v59, v63;
	v18 =	vadd.f32 v40, v18;
	v45 =	vand.u32 $0xFFFF0000, v20;
	v58 =	vpop (erf)  }
0x2a1: {  	v59 =	vshll.u32 v37, $0x10;
	v45 =	vadd.f32 v45, v5;
	v5 =	vadd.f32 $1.000000000e+00, v58;
	v50 =	vpop (erf)  }
0x2a2: {  	v61 =	vand.u32 $0x7FFFFFFF, v27;
	v55 =	vand.u32 $0x7FFFFFFF, v31;
	v60 =	vmul.f32 $5.743296070e-02, v50  }
0x2a3: {  	v56 =	vand.u32 $0x7FFFFFFF, v39;
	v17 =	vadd.f32 v59, v17;
	(erf) = vrcp.f32 v5  }
0x2a4: {  	v52 =	vmul.f32 v50, v50;
	v53 =	vmul.f32 $4.697743950e-01, v50;
	v49 =	vsub.f32 $2.231071440e-01, v60  }
0x2a5: {  	v23 =	vmul.f32 $1.442695020e+00, v23;
	v57 =	vsub.f32 $0.0e+00, v61;
	v61 =	vsub.f32 $0.0e+00, v56  }
0x2a6: {  	v18 =	vmul.f32 $1.442695020e+00, v18;
	v63 =	vsub.f32 $9.971876740e-01, v53;
	v49 =	vmul.f32 v49, v52  }
0x2a7: {  	v20 =	vshll.u32 v20, $0x10;
	v54 =	vand.u32 $0x7FFFFFFF, v45;
	v5 =	vadd.f32 v62, v44  }
0x2a8: {  	v21 =	vsub.f32 $0.0e+00, v54;
	v60 =	vand.u32 $0x7FFFFFFF, v22;
	v44 =	vadd.f32 v49, v63  }
0x2a9: {  	v17 =	vmul.f32 $1.442695020e+00, v17;
	v16 =	vadd.f32 v20, v16;
	v54 =	vsub.f32 $0.0e+00, v60  }
0x2aa: {  	v21 =	vmul.f32 $1.442695020e+00, v21;
	v63 =	vand.u32 $0x7FFFFFFF, v5;
	v44 =	vmul.f32 v44, v50  }
0x2ab: {  	v24 =	vsub.f32 $0.0e+00, v63;
	v63 =	vshll.u32 v48, $0x10;
	v48 =	vmul.f32 $1.442695020e+00, v54  }
0x2ac: {  	v62 =	vand.u32 $0x7FFFFFFF, v19;
	(erf) = vpow2.f32 v21;
	v14 =	vadd.f32 v44, v14  }
0x2ad: {  	v58 =	vsub.f32 $0.0e+00, v62;
	v60 =	vsub.f32 $0.0e+00, v55;
	v49 =	vpop (erf);
	(erf) = vpow2.f32 v48  }
0x2ae: {  	v50 =	vshll.u32 v35, $0x10;
	v14 =	vmul.f32 v14, v49;
	v49 =	vmul.f32 $1.442695020e+00, v57  }
0x2af: {  	v16 =	vmul.f32 $1.442695020e+00, v16;
	v13 =	vadd.f32 v50, v13;
	v50 =	vmul.f32 $1.442695020e+00, v58  }
0x2b0: {  	v26 =	vadd.f32 v30, v32;
	v51 =	vmul.f32 $1.442695020e+00, v60;
	(erf) = vpow2.f32 v49  }
0x2b1: {  	v62 =	vshll.u32 v47, $0x10;
	v52 =	vmul.f32 $1.442695020e+00, v61;
	(erf) = vpow2.f32 v50  }
0x2b2: {  	v20 =	vadd.f32 v62, v25;
	v24 =	vmul.f32 $1.442695020e+00, v24;
	(erf) = vpow2.f32 v51  }
0x2b3: {  	v53 =	vadd.f32 v63, v26;
	v13 =	vmul.f32 $1.442695020e+00, v13;
	(erf) = vpow2.f32 v52  }
0x2b4: {  	v20 =	vmul.f32 $1.442695020e+00, v20;
	(erf) = vpow2.f32 v24  }
0x2b5: {  	v21 =	vmul.f32 $1.442695020e+00, v53;
	v11 =	vpop (erf);
	(erf) = vpow2.f32 v16  }
0x2b6: {  	v12 =	vmax.f32 v31, $0.0e+00;
	v54 =	vmul.f32 $5.743296070e-02, v11;
	(erf) = vpow2.f32 v13  }
0x2b7: {  	v15 =	vmax.f32 v39, $0.0e+00;
	v28 =	vmul.f32 $4.697743950e-01, v11;
	v13 =	vpop (erf);
	(erf) = vpow2.f32 v17  }
0x2b8: {  	v8 =	vmax.f32 v19, $0.0e+00;
	v55 =	vmul.f32 $5.743296070e-02, v13;
	v31 =	vmul.f32 v13, v13  }
0x2b9: {  	v25 =	vmax.f32 v45, $0.0e+00;
	v63 =	vmul.f32 $4.697743950e-01, v13;
	(erf) = vpow2.f32 v18  }
0x2ba: {  	v22 =	vmax.f32 v22, $0.0e+00;
	v17 =	vpop (erf);
	(erf) = vpow2.f32 v23;
	v23 =	vmul.f32 v11, v11  }
0x2bb: {  	v26 =	vmax.f32 v27, $0.0e+00;
	v18 =	vpop (erf);
	(erf) = vpow2.f32 v20;
	v56 =	vmul.f32 $5.743296070e-02, v17  }
0x2bc: {  	v16 =	vsub.f32 $2.231071440e-01, v54;
	v37 =	vmul.f32 v17, v17;
	v39 =	vmul.f32 $4.697743950e-01, v17  }
0x2bd: {  	v7 =	vsub.f32 $2.231071440e-01, v55;
	v20 =	vpop (erf);
	(erf) = vpow2.f32 v21;
	v57 =	vmul.f32 $5.743296070e-02, v18  }
0x2be: {  	v28 =	vsub.f32 $9.971876740e-01, v28;
	v52 =	vmul.f32 v18, v18;
	v54 =	vmul.f32 $4.697743950e-01, v18  }
0x2bf: {  	v63 =	vsub.f32 $9.971876740e-01, v63;
	v16 =	vmul.f32 v16, v23;
	v7 =	vmul.f32 v7, v31  }
0x2c0: {  	v24 =	vpop (erf);
	v19 =	vsub.f32 $2.231071440e-01, v56;
	v58 =	vmul.f32 $5.743296070e-02, v20;
	v55 =	vmul.f32 v20, v20  }
0x2c1: {  	v29 =	vpop (erf);
	v21 =	vsub.f32 $2.231071440e-01, v57;
	v59 =	vmul.f32 $5.743296070e-02, v24;
	v57 =	vmul.f32 $4.697743950e-01, v20  }
0x2c2: {  	v16 =	vadd.f32 v16, v28;
	v7 =	vadd.f32 v7, v63;
	v61 =	vmul.f32 $5.743296070e-02, v29  }
0x2c3: {  	v60 =	vpop (erf);
	v27 =	vsub.f32 $2.231071440e-01, v58;
	v58 =	vmul.f32 v24, v24;
	v19 =	vmul.f32 v19, v37  }
0x2c4: {  	v32 =	vadd.f32 $1.000000000e+00, v60;
	v62 =	vpop (erf);
	v30 =	vsub.f32 $2.231071440e-01, v59;
	v60 =	vmul.f32 $4.697743950e-01, v24  }
0x2c5: {  	v21 =	vmul.f32 v21, v52;
	v7 =	vmul.f32 v7, v13;
	v34 =	vadd.f32 $1.000000000e+00, v62  }
0x2c6: {  	v50 =	vpop (erf);
	v33 =	vsub.f32 $2.231071440e-01, v61;
	v61 =	vmul.f32 v29, v29;
	v62 =	vmul.f32 $4.697743950e-01, v29  }
0x2c7: {  	v27 =	vmul.f32 v27, v55;
	v36 =	vadd.f32 $1.000000000e+00, v50;
	v51 =	vpop (erf);
	(erf) = vrcp.f32 v32  }
0x2c8: {  	v42 =	vsub.f32 $9.971876740e-01, v60;
	v38 =	vadd.f32 $1.000000000e+00, v51;
	v53 =	vpop (erf);
	(erf) = vrcp.f32 v34  }
0x2c9: {  	v43 =	vmul.f32 v30, v58;
	v41 =	vadd.f32 $1.000000000e+00, v53;
	v56 =	vpop (erf);
	(erf) = vrcp.f32 v36  }
0x2ca: {  	v7 =	vadd.f32 v7, v22;
	v44 =	vadd.f32 $1.000000000e+00, v56;
	v59 =	vpop (erf);
	(erf) = vrcp.f32 v38  }
0x2cb: {  	[tilespmem:s14+$0xE2B0] =	vst v14;
	v36 =	vsub.f32 $9.971876740e-01, v39;
	v47 =	vadd.f32 $1.000000000e+00, v59;
	(erf) = vrcp.f32 v41  }
0x2cc: {  	[tilespmem:s3+$0xE240] =	vst v9;
	v39 =	vsub.f32 $9.971876740e-01, v54;
	v41 =	vsub.f32 $9.971876740e-01, v57;
	(erf) = vrcp.f32 v44  }
0x2cd: {  	[tilespmem:s3+$0xE250] =	vst v10;
	v46 =	vadd.f32 v19, v36;
	(erf) = vrcp.f32 v47;
	v47 =	vmul.f32 v16, v11  }
0x2ce: {  	[tilespmem:s3+$0xE260] =	vst v0;
	v45 =	vmul.f32 v33, v61;
	v48 =	vadd.f32 v21, v39;
	v44 =	vsub.f32 $9.971876740e-01, v62  }
0x2cf: {  	[tilespmem:s3+$0xE270] =	vst v1;
	v49 =	vadd.f32 v27, v41;
	v10 =	vmul.f32 v46, v17;
	v6 =	vadd.f32 v47, v25  }
0x2d0: {  	[tilespmem:s3+$0xE280] =	vst v3;
	v50 =	vadd.f32 v43, v42;
	v0 =	vmul.f32 v48, v18;
	v9 =	vadd.f32 v45, v44;
	v51 =	vpop (erf)  }
0x2d1: {  	[tilespmem:s3+$0xE290] =	vst v4;
	v11 =	vmul.f32 v49, v20;
	v10 =	vadd.f32 v10, v26;
	v52 =	vpop (erf);
	v3 =	vmul.f32 v6, v51  }
0x2d2: {  	[tilespmem:s3+$0xE2A0] =	vst v2;
	v1 =	vmul.f32 v50, v24;
	v0 =	vadd.f32 v0, v8;
	v53 =	vpop (erf);
	v4 =	vmul.f32 v7, v52  }
0x2d3: {  	v55 =	vmul.f32 v9, v29;
	v56 =	vadd.f32 v11, v12;
	v54 =	vpop (erf);
	[tilespmem:s14+$0xE240] =	vst v3;
	v2 =	vmul.f32 v10, v53  }
0x2d4: {  	v57 =	vmax.f32 v5, $0.0e+00;
	v1 =	vadd.f32 v1, v15;
	v58 =	vpop (erf);
	[tilespmem:s14+$0xE250] =	vst v4;
	v0 =	vmul.f32 v0, v54  }
0x2d5: {  	v3 =	vadd.f32 v55, v57;
	v59 =	vpop (erf);
	[tilespmem:s14+$0xE260] =	vst v2;
	v60 =	vmul.f32 v56, v58  }
0x2d6: {  	v61 =	vpop (erf);
	[tilespmem:s14+$0xE270] =	vst v0;
	v62 =	vmul.f32 v1, v59  }
0x2d7: {  	s31 =	sadd.s32 $0x1, s31;
	[tilespmem:s14+$0xE280] =	vst v60;
	v63 =	vmul.f32 v3, v61  }
0x2d8: {  	p0 =	sne.s32 s31, $0xFA;
	[tilespmem:s14+$0xE290] =	vst v62  }
.Ltmp2:
0x2d9: {  	[tilespmem:s14+$0xE2A0] =	vst v63;
	(pc) =	sbr.rel @p0 .LBB2_2-.Ltmp2, $4  }
0x2da: {  	[spmem:s1] =	stream.indirect.scatter.add.f32 [tilespmem:s29], [sflag:$0x3], $0x40, s0, s17, $0xb8;
	[tilespmem:$0x18880] =	vst v63  }
0x2db: {  	_ =	swait.ge [sflag:s13], $0xA00  }
0x2dc: {  	[sflag:s13] =	ssyncset.done $0x0  }
0x2dd: {  	[sflag:s13] =	ssyncadd.s32 $0xFFFFF600  }
0x2de: {  	s30 =	sadd.s32 $0x1, s30  }
0x2df: {  	p0 =	sne.s32 s30, s12  }
.Ltmp3:
0x2e0: {  	[bflag:$0x0] =	sbarrier.arrive $0xFFFF;
	(pc) =	sbr.rel @p0 .LBB2_1-.Ltmp3, $4  }
0x2e1: {  	[hbm:s11], [sflag:s15] =	dma.local [spmem:s16], $0x1388  }
0x2e2: {  	_ =	swait.ge [sflag:s13], $0x1388  }
0x2e3: {  	[sflag:s13] =	ssyncset.done $0x0  }
0x2e4: {  	[sflag:s13] =	ssyncadd.s32 $0xFFFFEC78  }
0x2e5: {  	_ =	sfence.sel $0x180000  }
0x2e6: {  	[bflag:$0x0] =	sbarrier.arrive $0xFFFF  }
0x2e7: {  	_ =	strace $0x90000047  }
0x2e8: {  	s0 =	stileid.u32;
	[bflag:$0x2] =	sbarrier.arrive $0xFFFF  }
0x2e9: {  	p0 =	sne.s32 s0, $0x0;
	s0 =	rddreg [dreg:$0x3]  }
0x2ea: {  	s0 =	sadd.s32 @!p0 $0x100000, s0  }
0x2eb: {  	[sflag:s0] =	ssyncadd.tile.s32 @!p0 $0x1;
	_ =	shalt  }
.Lfunc_end2:
_tile_overlayer_lowered:
.L_overlay_start_2:
0x2ec: {  	(tag) =	ssettag $0x2  }
0x2ed: {  	s0 =	rddreg [dreg:$0x0];
	s2 =	stileid.u32  }
0x2ee: {  	s1 =	rddreg [dreg:$0x1];
	p0 =	sne.s32 s2, $0x0  }
0x2ef: {  	s3 =	rddreg [dreg:$0x2];
	[bflag:$0x3] =	sbarrier.arrive $0xFFFF;
	s2 =	simm.s32 @!p0 $0x1C03  }
0x2f0: {  	[timem:s3], [sflag:s2] =	dma.local @!p0 [hbm:s0], s1  }
0x2f1: {  	s0 =	simm.s32 @!p0 $0x3  }
0x2f2: {  	_ =	swait.ge @!p0 [sflag:s0], s1  }
0x2f3: {  	s1 =	ssub.s32 @!p0 $0x0, s1;
	[sflag:s0] =	ssyncset.done @!p0 $0x0  }
0x2f4: {  	[sflag:s0] =	ssyncadd.s32 @!p0 s1  }
0x2f5: {  	[bflag:$0x3] =	sbarrier.arrive $0xFFFF  }
0x2f6: {  	_ =	shalt  }

</sc_bundles>
